<compile_context>
chip_gen: v7x
topology: tpu7x:2x2x1
jax: 0.10.2.dev20260603
libtpu: 0.0.44.dev20260713+nightly
codegen_flags: <defaults>
</compile_context>

<pallas_src>
import functools

import jax
import jax.numpy as jnp
from jax import lax
from jax.experimental import pallas as pl
from jax.experimental.pallas import tpu as pltpu
from jax.experimental.pallas import tpu_sc as plsc

B = 4
S = 2048
D = 768
N = B * S
NC, NS = 2, 16
NW = NC * NS
WPB = NW // B
TPW = N // NW
CH = 64
NCH = TPW // CH
NJ = D // 16

_mesh = plsc.VectorSubcoreMesh(core_axis_name="c", subcore_axis_name="s")


@functools.partial(
    pl.kernel,
    mesh=_mesh,
    out_type=jax.ShapeDtypeStruct((B, WPB * 16), jnp.float32),
    scratch_types=[
        pltpu.VMEM((NCH, CH), jnp.int32),
        pltpu.VMEM((CH, D), jnp.float32),
        pltpu.VMEM((CH, D), jnp.float32),
        pltpu.VMEM((D,), jnp.float32),
        pltpu.VMEM((16,), jnp.float32),
        pltpu.SemaphoreType.DMA,
        pltpu.SemaphoreType.DMA,
        pltpu.SemaphoreType.DMA,
        pltpu.SemaphoreType.DMA,
    ],
)
def _sc_pool(x_hbm, table_hbm, w_hbm, p_hbm,
             idx_v, rows0, rows1, w_v, pout,
             gsem0, gsem1, ssem0, ssem1):
    wid = lax.axis_index("s") * NC + lax.axis_index("c")
    brow = wid // WPB
    scol = (wid % WPB) * TPW

    cp_is = [
        pltpu.async_copy(x_hbm.at[brow, pl.ds(scol + g * CH, CH)],
                         idx_v.at[g], ssem0)
        for g in range(NCH)
    ]
    cp_is[0].wait()

    rows = (rows0, rows1)
    gsems = (gsem0, gsem1)
    copies = [None, None]
    copies[0] = pltpu.async_copy(table_hbm.at[idx_v.at[0]], rows[0], gsems[0])

    cp_w = pltpu.async_copy(w_hbm, w_v, ssem1)
    for cp in cp_is[1:]:
        cp.wait()

    accs = tuple(jnp.zeros((16,), jnp.float32) for _ in range(NJ))
    for g in range(NCH):
        if g + 1 < NCH:
            nb = (g + 1) % 2
            copies[nb] = pltpu.async_copy(
                table_hbm.at[idx_v.at[g + 1]], rows[nb], gsems[nb])
        copies[g % 2].wait()
        rbuf = rows[g % 2]

        def body(r, acc_t):
            return tuple(
                a + rbuf[r, pl.ds(j * 16, 16)] for j, a in enumerate(acc_t))

        accs = lax.fori_loop(0, CH, body, accs)

    cp_w.wait()

    dot = jnp.zeros((16,), jnp.float32)
    for j in range(NJ):
        dot = dot + accs[j] * w_v[pl.ds(j * 16, 16)]

    pout[...] = dot
    pltpu.sync_copy(pout, p_hbm.at[brow, pl.ds((wid % WPB) * 16, 16)])


def _finish_body(p_ref, m_ref, e0_ref, w_ref, o_ref):
    num = jnp.sum(p_ref[...], axis=1)
    cnt = jnp.sum(m_ref[...].astype(jnp.float32), axis=1)
    e0w = jnp.sum(e0_ref[...] * w_ref[...][None, :])
    num = num - (S - cnt) * e0w
    o_ref[...] = num / jnp.clip(cnt, 1e-5, None)


def kernel(x, mask, embedding_table, prompt_embed, response_embed, W_pred):
    xm = jnp.where(mask, x.astype(jnp.int32), 0)
    p = _sc_pool(xm, embedding_table, W_pred)
    pred = pl.pallas_call(
        _finish_body,
        out_shape=jax.ShapeDtypeStruct((B,), jnp.float32),
    )(p, mask, embedding_table[0:1], W_pred)
    return pred

# --- scband reference (transcript-rebuilt; emitter-appended) ---
"""Pipeline reference for scband-reward-model-gpt-7095285973417 (READ-ONLY COPY).

The authoritative reference and input builder live on the scoring server;
editing this copy changes nothing except your own understanding.
"""

import jax, jax.numpy as jnp
import numpy as np

VOCAB = 100000
DIM = 768
B, S = 4, 2048


def setup_inputs(seed: int = 0) -> dict:
    key = jax.random.key(seed)
    k1, k2, k3 = jax.random.split(key, 3)
    x = jax.random.randint(k1, (B, S), 0, VOCAB)
    mask = jnp.ones((B, S), dtype=bool)
    # learned parameters
    embedding_table = jax.random.normal(k2, (VOCAB, DIM), dtype=jnp.float32) * 0.02
    prompt_embed = jnp.zeros((1, 1, DIM), dtype=jnp.float32)
    response_embed = jnp.zeros((1, 1, DIM), dtype=jnp.float32)
    W_pred = jax.random.normal(k3, (DIM,), dtype=jnp.float32) * 0.02
    return {
        "x": x,
        "mask": mask,
        "embedding_table": embedding_table,
        "prompt_embed": prompt_embed,
        "response_embed": response_embed,
        "W_pred": W_pred,
    }


def reference(x, mask, embedding_table, prompt_embed, response_embed, W_pred):
    # GPT2.embedding(x): token embedding gather
    embeds = jnp.take(embedding_table, x, axis=0)  # [B, S, DIM]
    # masked_mean over sequence dim
    m = mask.astype(jnp.float32)[..., None]  # [B, S, 1]
    num = jnp.sum(embeds * m, axis=1)  # [B, DIM]
    den = jnp.clip(jnp.sum(m, axis=1), 1e-5, None)  # [B, 1]
    pooled = num / den  # [B, DIM]
    # to_pred: Linear(dim, 1, bias=False) followed by Rearrange('... 1 -> ...')
    pred = pooled @ W_pred  # [B]
    return pred

if __name__ == "__main__":
    import jax
    _d = setup_inputs()
    print(jax.jit(kernel)(*tuple(_d.values())))

</pallas_src>

<mosaic_0001>
#map = affine_map<(d0, d1) -> (0, 0)>
#map1 = affine_map<(d0, d1) -> (0)>
module attributes {stable_mosaic.version = 14 : i64} {
  func.func @_sc_pool(%arg0: i32, %arg1: i32, %arg2: memref<4x2048xi32, #tpu.memory_space<hbm>>, %arg3: memref<100000x768xf32, #tpu.memory_space<hbm>>, %arg4: memref<768xf32, #tpu.memory_space<hbm>>, %arg5: memref<4x128xf32, #tpu.memory_space<hbm>>, %arg6: memref<4x64xi32, #tpu.memory_space<vmem>>, %arg7: memref<64x768xf32, #tpu.memory_space<vmem>>, %arg8: memref<64x768xf32, #tpu.memory_space<vmem>>, %arg9: memref<768xf32, #tpu.memory_space<vmem>>, %arg10: memref<16xf32, #tpu.memory_space<vmem>>, %arg11: memref<!tpu.dma_semaphore, #tpu.memory_space<semaphore_mem>>, %arg12: memref<!tpu.dma_semaphore, #tpu.memory_space<semaphore_mem>>, %arg13: memref<!tpu.dma_semaphore, #tpu.memory_space<semaphore_mem>>, %arg14: memref<!tpu.dma_semaphore, #tpu.memory_space<semaphore_mem>>) attributes {dimension_semantics = [#tpu.dimension_semantics<core_parallel>, #tpu.dimension_semantics<subcore_parallel>], iteration_bounds = array<i64: 2, 16>, scalar_prefetch = 0 : i64, scratch_operands = 9 : i64, tpu.core_type = #tpu.core_type<sc_vector_subcore>, window_params = [{transform_indices = #map}, {transform_indices = #map}, {transform_indices = #map1}, {transform_indices = #map}]} {
    %mul3A = arith.constant 2 : i32
    %mul3A_0 = arith.muli %arg1, %mul3A : i32
    %add3A = arith.addi %mul3A_0, %arg0 : i32
    %jit3A = arith.constant 8 : i32
    %div3A = arith.divsi %add3A, %jit3A : i32
    %sign3A = arith.constant 0 : i32
    %sign3A_1 = arith.cmpi sgt, %add3A, %sign3A : i32
    %sign3A_2 = arith.extui %sign3A_1 : i1 to i32
    %sign3A_3 = arith.constant 0 : i32
    %sign3A_4 = arith.cmpi slt, %add3A, %sign3A_3 : i32
    %sign3A_5 = arith.extui %sign3A_4 : i1 to i32
    %sign3A_6 = arith.subi %sign3A_2, %sign3A_5 : i32
    %sign3A_7 = arith.constant 0 : i32
    %sign3A_8 = arith.cmpi sgt, %jit3A, %sign3A_7 : i32
    %sign3A_9 = arith.extui %sign3A_8 : i1 to i32
    %sign3A_10 = arith.constant 0 : i32
    %sign3A_11 = arith.cmpi slt, %jit3A, %sign3A_10 : i32
    %sign3A_12 = arith.extui %sign3A_11 : i1 to i32
    %sign3A_13 = arith.subi %sign3A_9, %sign3A_12 : i32
    %ne3A = arith.cmpi ne, %sign3A_6, %sign3A_13 : i32
    %rem3A = arith.remsi %add3A, %jit3A : i32
    %ne3A_14 = arith.constant 0 : i32
    %ne3A_15 = arith.cmpi ne, %rem3A, %ne3A_14 : i32
    %and3A = arith.andi %ne3A, %ne3A_15 : i1
    %sub3A = arith.constant 1 : i32
    %sub3A_16 = arith.subi %div3A, %sub3A : i32
    %select_n3A = arith.select %and3A, %sub3A_16, %div3A : i32
    %jit3A_17 = arith.constant 8 : i32
    %eq3A = arith.constant 0 : i32
    %eq3A_18 = arith.cmpi eq, %jit3A_17, %eq3A : i32
    %jit3A_19 = arith.constant 1 : i32
    %select_n3A_20 = arith.select %eq3A_18, %jit3A_19, %jit3A_17 : i32
    %rem3A_21 = arith.remsi %add3A, %select_n3A_20 : i32
    %ne3A_22 = arith.constant 0 : i32
    %ne3A_23 = arith.cmpi ne, %rem3A_21, %ne3A_22 : i32
    %lt3A = arith.constant 0 : i32
    %lt3A_24 = arith.cmpi slt, %rem3A_21, %lt3A : i32
    %lt3A_25 = arith.constant 0 : i32
    %lt3A_26 = arith.cmpi slt, %select_n3A_20, %lt3A_25 : i32
    %ne3A_27 = arith.xori %lt3A_24, %lt3A_26 : i1
    %and3A_28 = arith.andi %ne3A_27, %ne3A_23 : i1
    %add3A_29 = arith.addi %rem3A_21, %select_n3A_20 : i32
    %select_n3A_30 = arith.select %and3A_28, %add3A_29, %rem3A_21 : i32
    %mul3A_31 = arith.constant 256 : i32
    %mul3A_32 = arith.muli %select_n3A_30, %mul3A_31 : i32
    %add3A_33 = arith.constant 0 : i32
    %add3A_34 = arith.addi %mul3A_32, %add3A_33 : i32
    %dma_start3A = arith.constant 0 : i32
    %dma_start3A_35 = arith.constant 0 : i32
    %dma_start3A_36 = tpu.memref_slice %arg6[%dma_start3A, %dma_start3A_35] : memref<4x64xi32, #tpu.memory_space<vmem>> -> memref<1x64xi32, #tpu.memory_space<vmem>>
    %dma_start3A_37 = tpu.memref_squeeze %dma_start3A_36 : memref<1x64xi32, #tpu.memory_space<vmem>> -> memref<64xi32, #tpu.memory_space<vmem>>
    %dma_start3A_38 = tpu.memref_slice %arg2[%select_n3A, %add3A_34] : memref<4x2048xi32, #tpu.memory_space<hbm>> -> memref<1x64xi32, #tpu.memory_space<hbm>>
    %dma_start3A_39 = tpu.memref_squeeze %dma_start3A_38 : memref<1x64xi32, #tpu.memory_space<hbm>> -> memref<64xi32, #tpu.memory_space<hbm>>
    %dma_start3A_40 = arith.constant 0 : i32
    %dma_start3A_41 = tpu.memref_slice %arg6[%dma_start3A, %dma_start3A_40] : memref<4x64xi32, #tpu.memory_space<vmem>> -> memref<1x64xi32, #tpu.memory_space<vmem>>
    %dma_start3A_42 = tpu.memref_squeeze %dma_start3A_41 : memref<1x64xi32, #tpu.memory_space<vmem>> -> memref<64xi32, #tpu.memory_space<vmem>>
    %dma_start3A_43 = tpu.memref_slice %arg2[%select_n3A, %add3A_34] : memref<4x2048xi32, #tpu.memory_space<hbm>> -> memref<1x64xi32, #tpu.memory_space<hbm>>
    %dma_start3A_44 = tpu.memref_squeeze %dma_start3A_43 : memref<1x64xi32, #tpu.memory_space<hbm>> -> memref<64xi32, #tpu.memory_space<hbm>>
    tpu.enqueue_dma source(%dma_start3A_44 : memref<64xi32, #tpu.memory_space<hbm>>) target(%dma_start3A_42 : memref<64xi32, #tpu.memory_space<vmem>>) target_semaphore(%arg13 : memref<!tpu.dma_semaphore, #tpu.memory_space<semaphore_mem>>)
    %add3A_45 = arith.constant 64 : i32
    %add3A_46 = arith.addi %mul3A_32, %add3A_45 : i32
    %dma_start3A_47 = arith.constant 1 : i32
    %dma_start3A_48 = arith.constant 0 : i32
    %dma_start3A_49 = tpu.memref_slice %arg6[%dma_start3A_47, %dma_start3A_48] : memref<4x64xi32, #tpu.memory_space<vmem>> -> memref<1x64xi32, #tpu.memory_space<vmem>>
    %dma_start3A_50 = tpu.memref_squeeze %dma_start3A_49 : memref<1x64xi32, #tpu.memory_space<vmem>> -> memref<64xi32, #tpu.memory_space<vmem>>
    %dma_start3A_51 = tpu.memref_slice %arg2[%select_n3A, %add3A_46] : memref<4x2048xi32, #tpu.memory_space<hbm>> -> memref<1x64xi32, #tpu.memory_space<hbm>>
    %dma_start3A_52 = tpu.memref_squeeze %dma_start3A_51 : memref<1x64xi32, #tpu.memory_space<hbm>> -> memref<64xi32, #tpu.memory_space<hbm>>
    %dma_start3A_53 = arith.constant 0 : i32
    %dma_start3A_54 = tpu.memref_slice %arg6[%dma_start3A_47, %dma_start3A_53] : memref<4x64xi32, #tpu.memory_space<vmem>> -> memref<1x64xi32, #tpu.memory_space<vmem>>
    %dma_start3A_55 = tpu.memref_squeeze %dma_start3A_54 : memref<1x64xi32, #tpu.memory_space<vmem>> -> memref<64xi32, #tpu.memory_space<vmem>>
    %dma_start3A_56 = tpu.memref_slice %arg2[%select_n3A, %add3A_46] : memref<4x2048xi32, #tpu.memory_space<hbm>> -> memref<1x64xi32, #tpu.memory_space<hbm>>
    %dma_start3A_57 = tpu.memref_squeeze %dma_start3A_56 : memref<1x64xi32, #tpu.memory_space<hbm>> -> memref<64xi32, #tpu.memory_space<hbm>>
    tpu.enqueue_dma source(%dma_start3A_57 : memref<64xi32, #tpu.memory_space<hbm>>) target(%dma_start3A_55 : memref<64xi32, #tpu.memory_space<vmem>>) target_semaphore(%arg13 : memref<!tpu.dma_semaphore, #tpu.memory_space<semaphore_mem>>)
    %add3A_58 = arith.constant 128 : i32
    %add3A_59 = arith.addi %mul3A_32, %add3A_58 : i32
    %dma_start3A_60 = arith.constant 2 : i32
    %dma_start3A_61 = arith.constant 0 : i32
    %dma_start3A_62 = tpu.memref_slice %arg6[%dma_start3A_60, %dma_start3A_61] : memref<4x64xi32, #tpu.memory_space<vmem>> -> memref<1x64xi32, #tpu.memory_space<vmem>>
    %dma_start3A_63 = tpu.memref_squeeze %dma_start3A_62 : memref<1x64xi32, #tpu.memory_space<vmem>> -> memref<64xi32, #tpu.memory_space<vmem>>
    %dma_start3A_64 = tpu.memref_slice %arg2[%select_n3A, %add3A_59] : memref<4x2048xi32, #tpu.memory_space<hbm>> -> memref<1x64xi32, #tpu.memory_space<hbm>>
    %dma_start3A_65 = tpu.memref_squeeze %dma_start3A_64 : memref<1x64xi32, #tpu.memory_space<hbm>> -> memref<64xi32, #tpu.memory_space<hbm>>
    %dma_start3A_66 = arith.constant 0 : i32
    %dma_start3A_67 = tpu.memref_slice %arg6[%dma_start3A_60, %dma_start3A_66] : memref<4x64xi32, #tpu.memory_space<vmem>> -> memref<1x64xi32, #tpu.memory_space<vmem>>
    %dma_start3A_68 = tpu.memref_squeeze %dma_start3A_67 : memref<1x64xi32, #tpu.memory_space<vmem>> -> memref<64xi32, #tpu.memory_space<vmem>>
    %dma_start3A_69 = tpu.memref_slice %arg2[%select_n3A, %add3A_59] : memref<4x2048xi32, #tpu.memory_space<hbm>> -> memref<1x64xi32, #tpu.memory_space<hbm>>
    %dma_start3A_70 = tpu.memref_squeeze %dma_start3A_69 : memref<1x64xi32, #tpu.memory_space<hbm>> -> memref<64xi32, #tpu.memory_space<hbm>>
    tpu.enqueue_dma source(%dma_start3A_70 : memref<64xi32, #tpu.memory_space<hbm>>) target(%dma_start3A_68 : memref<64xi32, #tpu.memory_space<vmem>>) target_semaphore(%arg13 : memref<!tpu.dma_semaphore, #tpu.memory_space<semaphore_mem>>)
    %add3A_71 = arith.constant 192 : i32
    %add3A_72 = arith.addi %mul3A_32, %add3A_71 : i32
    %dma_start3A_73 = arith.constant 3 : i32
    %dma_start3A_74 = arith.constant 0 : i32
    %dma_start3A_75 = tpu.memref_slice %arg6[%dma_start3A_73, %dma_start3A_74] : memref<4x64xi32, #tpu.memory_space<vmem>> -> memref<1x64xi32, #tpu.memory_space<vmem>>
    %dma_start3A_76 = tpu.memref_squeeze %dma_start3A_75 : memref<1x64xi32, #tpu.memory_space<vmem>> -> memref<64xi32, #tpu.memory_space<vmem>>
    %dma_start3A_77 = tpu.memref_slice %arg2[%select_n3A, %add3A_72] : memref<4x2048xi32, #tpu.memory_space<hbm>> -> memref<1x64xi32, #tpu.memory_space<hbm>>
    %dma_start3A_78 = tpu.memref_squeeze %dma_start3A_77 : memref<1x64xi32, #tpu.memory_space<hbm>> -> memref<64xi32, #tpu.memory_space<hbm>>
    %dma_start3A_79 = arith.constant 0 : i32
    %dma_start3A_80 = tpu.memref_slice %arg6[%dma_start3A_73, %dma_start3A_79] : memref<4x64xi32, #tpu.memory_space<vmem>> -> memref<1x64xi32, #tpu.memory_space<vmem>>
    %dma_start3A_81 = tpu.memref_squeeze %dma_start3A_80 : memref<1x64xi32, #tpu.memory_space<vmem>> -> memref<64xi32, #tpu.memory_space<vmem>>
    %dma_start3A_82 = tpu.memref_slice %arg2[%select_n3A, %add3A_72] : memref<4x2048xi32, #tpu.memory_space<hbm>> -> memref<1x64xi32, #tpu.memory_space<hbm>>
    %dma_start3A_83 = tpu.memref_squeeze %dma_start3A_82 : memref<1x64xi32, #tpu.memory_space<hbm>> -> memref<64xi32, #tpu.memory_space<hbm>>
    tpu.enqueue_dma source(%dma_start3A_83 : memref<64xi32, #tpu.memory_space<hbm>>) target(%dma_start3A_81 : memref<64xi32, #tpu.memory_space<vmem>>) target_semaphore(%arg13 : memref<!tpu.dma_semaphore, #tpu.memory_space<semaphore_mem>>)
    %dma_wait3A = arith.constant 0 : i32
    %dma_wait3A_84 = arith.constant 0 : i32
    %dma_wait3A_85 = tpu.memref_slice %arg6[%dma_wait3A, %dma_wait3A_84] : memref<4x64xi32, #tpu.memory_space<vmem>> -> memref<1x64xi32, #tpu.memory_space<vmem>>
    %dma_wait3A_86 = tpu.memref_squeeze %dma_wait3A_85 : memref<1x64xi32, #tpu.memory_space<vmem>> -> memref<64xi32, #tpu.memory_space<vmem>>
    %dma_wait3A_87 = tpu.memref_slice %arg2[%select_n3A, %add3A_34] : memref<4x2048xi32, #tpu.memory_space<hbm>> -> memref<1x64xi32, #tpu.memory_space<hbm>>
    %dma_wait3A_88 = tpu.memref_squeeze %dma_wait3A_87 : memref<1x64xi32, #tpu.memory_space<hbm>> -> memref<64xi32, #tpu.memory_space<hbm>>
    %dma_wait3A_89 = arith.constant 0 : i32
    %dma_wait3A_90 = tpu.memref_slice %arg6[%dma_wait3A, %dma_wait3A_89] : memref<4x64xi32, #tpu.memory_space<vmem>> -> memref<1x64xi32, #tpu.memory_space<vmem>>
    %dma_wait3A_91 = tpu.memref_squeeze %dma_wait3A_90 : memref<1x64xi32, #tpu.memory_space<vmem>> -> memref<64xi32, #tpu.memory_space<vmem>>
    %dma_wait3A_92 = tpu.memref_slice %arg2[%select_n3A, %add3A_34] : memref<4x2048xi32, #tpu.memory_space<hbm>> -> memref<1x64xi32, #tpu.memory_space<hbm>>
    %dma_wait3A_93 = tpu.memref_squeeze %dma_wait3A_92 : memref<1x64xi32, #tpu.memory_space<hbm>> -> memref<64xi32, #tpu.memory_space<hbm>>
    tpu.wait_dma2 semaphore(%arg13 : memref<!tpu.dma_semaphore, #tpu.memory_space<semaphore_mem>>) src(%dma_wait3A_93 : memref<64xi32, #tpu.memory_space<hbm>>) dst(%dma_wait3A_91 : memref<64xi32, #tpu.memory_space<vmem>>)
    %dma_start3A_94 = arith.constant 0 : i32
    %dma_start3A_95 = arith.constant 0 : i32
    %dma_start3A_96 = tpu.memref_slice %arg6[%dma_start3A_94, %dma_start3A_95] : memref<4x64xi32, #tpu.memory_space<vmem>> -> memref<1x64xi32, #tpu.memory_space<vmem>>
    %dma_start3A_97 = tpu.memref_squeeze %dma_start3A_96 : memref<1x64xi32, #tpu.memory_space<vmem>> -> memref<64xi32, #tpu.memory_space<vmem>>
    %dma_start3A_98 = arith.constant 0 : i32
    %dma_start3A_99 = arith.constant 0 : i32
    %dma_start3A_100 = tpu.memref_slice %arg3[%dma_start3A_98, %dma_start3A_99] : memref<100000x768xf32, #tpu.memory_space<hbm>> -> memref<100000x768xf32, #tpu.memory_space<hbm>>
    tpu.enqueue_indirect_dma source(%dma_start3A_100 : memref<100000x768xf32, #tpu.memory_space<hbm>>) target(%arg7 : memref<64x768xf32, #tpu.memory_space<vmem>>) offsets(%dma_start3A_97 : memref<64xi32, #tpu.memory_space<vmem>>) semaphore(%arg11 : memref<!tpu.dma_semaphore, #tpu.memory_space<semaphore_mem>>)
    tpu.enqueue_dma source(%arg4 : memref<768xf32, #tpu.memory_space<hbm>>) target(%arg9 : memref<768xf32, #tpu.memory_space<vmem>>) target_semaphore(%arg14 : memref<!tpu.dma_semaphore, #tpu.memory_space<semaphore_mem>>)
    %dma_wait3A_101 = arith.constant 1 : i32
    %dma_wait3A_102 = arith.constant 0 : i32
    %dma_wait3A_103 = tpu.memref_slice %arg6[%dma_wait3A_101, %dma_wait3A_102] : memref<4x64xi32, #tpu.memory_space<vmem>> -> memref<1x64xi32, #tpu.memory_space<vmem>>
    %dma_wait3A_104 = tpu.memref_squeeze %dma_wait3A_103 : memref<1x64xi32, #tpu.memory_space<vmem>> -> memref<64xi32, #tpu.memory_space<vmem>>
    %dma_wait3A_105 = tpu.memref_slice %arg2[%select_n3A, %add3A_46] : memref<4x2048xi32, #tpu.memory_space<hbm>> -> memref<1x64xi32, #tpu.memory_space<hbm>>
    %dma_wait3A_106 = tpu.memref_squeeze %dma_wait3A_105 : memref<1x64xi32, #tpu.memory_space<hbm>> -> memref<64xi32, #tpu.memory_space<hbm>>
    %dma_wait3A_107 = arith.constant 0 : i32
    %dma_wait3A_108 = tpu.memref_slice %arg6[%dma_wait3A_101, %dma_wait3A_107] : memref<4x64xi32, #tpu.memory_space<vmem>> -> memref<1x64xi32, #tpu.memory_space<vmem>>
    %dma_wait3A_109 = tpu.memref_squeeze %dma_wait3A_108 : memref<1x64xi32, #tpu.memory_space<vmem>> -> memref<64xi32, #tpu.memory_space<vmem>>
    %dma_wait3A_110 = tpu.memref_slice %arg2[%select_n3A, %add3A_46] : memref<4x2048xi32, #tpu.memory_space<hbm>> -> memref<1x64xi32, #tpu.memory_space<hbm>>
    %dma_wait3A_111 = tpu.memref_squeeze %dma_wait3A_110 : memref<1x64xi32, #tpu.memory_space<hbm>> -> memref<64xi32, #tpu.memory_space<hbm>>
    tpu.wait_dma2 semaphore(%arg13 : memref<!tpu.dma_semaphore, #tpu.memory_space<semaphore_mem>>) src(%dma_wait3A_111 : memref<64xi32, #tpu.memory_space<hbm>>) dst(%dma_wait3A_109 : memref<64xi32, #tpu.memory_space<vmem>>)
    %dma_wait3A_112 = arith.constant 2 : i32
    %dma_wait3A_113 = arith.constant 0 : i32
    %dma_wait3A_114 = tpu.memref_slice %arg6[%dma_wait3A_112, %dma_wait3A_113] : memref<4x64xi32, #tpu.memory_space<vmem>> -> memref<1x64xi32, #tpu.memory_space<vmem>>
    %dma_wait3A_115 = tpu.memref_squeeze %dma_wait3A_114 : memref<1x64xi32, #tpu.memory_space<vmem>> -> memref<64xi32, #tpu.memory_space<vmem>>
    %dma_wait3A_116 = tpu.memref_slice %arg2[%select_n3A, %add3A_59] : memref<4x2048xi32, #tpu.memory_space<hbm>> -> memref<1x64xi32, #tpu.memory_space<hbm>>
    %dma_wait3A_117 = tpu.memref_squeeze %dma_wait3A_116 : memref<1x64xi32, #tpu.memory_space<hbm>> -> memref<64xi32, #tpu.memory_space<hbm>>
    %dma_wait3A_118 = arith.constant 0 : i32
    %dma_wait3A_119 = tpu.memref_slice %arg6[%dma_wait3A_112, %dma_wait3A_118] : memref<4x64xi32, #tpu.memory_space<vmem>> -> memref<1x64xi32, #tpu.memory_space<vmem>>
    %dma_wait3A_120 = tpu.memref_squeeze %dma_wait3A_119 : memref<1x64xi32, #tpu.memory_space<vmem>> -> memref<64xi32, #tpu.memory_space<vmem>>
    %dma_wait3A_121 = tpu.memref_slice %arg2[%select_n3A, %add3A_59] : memref<4x2048xi32, #tpu.memory_space<hbm>> -> memref<1x64xi32, #tpu.memory_space<hbm>>
    %dma_wait3A_122 = tpu.memref_squeeze %dma_wait3A_121 : memref<1x64xi32, #tpu.memory_space<hbm>> -> memref<64xi32, #tpu.memory_space<hbm>>
    tpu.wait_dma2 semaphore(%arg13 : memref<!tpu.dma_semaphore, #tpu.memory_space<semaphore_mem>>) src(%dma_wait3A_122 : memref<64xi32, #tpu.memory_space<hbm>>) dst(%dma_wait3A_120 : memref<64xi32, #tpu.memory_space<vmem>>)
    %dma_wait3A_123 = arith.constant 3 : i32
    %dma_wait3A_124 = arith.constant 0 : i32
    %dma_wait3A_125 = tpu.memref_slice %arg6[%dma_wait3A_123, %dma_wait3A_124] : memref<4x64xi32, #tpu.memory_space<vmem>> -> memref<1x64xi32, #tpu.memory_space<vmem>>
    %dma_wait3A_126 = tpu.memref_squeeze %dma_wait3A_125 : memref<1x64xi32, #tpu.memory_space<vmem>> -> memref<64xi32, #tpu.memory_space<vmem>>
    %dma_wait3A_127 = tpu.memref_slice %arg2[%select_n3A, %add3A_72] : memref<4x2048xi32, #tpu.memory_space<hbm>> -> memref<1x64xi32, #tpu.memory_space<hbm>>
    %dma_wait3A_128 = tpu.memref_squeeze %dma_wait3A_127 : memref<1x64xi32, #tpu.memory_space<hbm>> -> memref<64xi32, #tpu.memory_space<hbm>>
    %dma_wait3A_129 = arith.constant 0 : i32
    %dma_wait3A_130 = tpu.memref_slice %arg6[%dma_wait3A_123, %dma_wait3A_129] : memref<4x64xi32, #tpu.memory_space<vmem>> -> memref<1x64xi32, #tpu.memory_space<vmem>>
    %dma_wait3A_131 = tpu.memref_squeeze %dma_wait3A_130 : memref<1x64xi32, #tpu.memory_space<vmem>> -> memref<64xi32, #tpu.memory_space<vmem>>
    %dma_wait3A_132 = tpu.memref_slice %arg2[%select_n3A, %add3A_72] : memref<4x2048xi32, #tpu.memory_space<hbm>> -> memref<1x64xi32, #tpu.memory_space<hbm>>
    %dma_wait3A_133 = tpu.memref_squeeze %dma_wait3A_132 : memref<1x64xi32, #tpu.memory_space<hbm>> -> memref<64xi32, #tpu.memory_space<hbm>>
    tpu.wait_dma2 semaphore(%arg13 : memref<!tpu.dma_semaphore, #tpu.memory_space<semaphore_mem>>) src(%dma_wait3A_133 : memref<64xi32, #tpu.memory_space<hbm>>) dst(%dma_wait3A_131 : memref<64xi32, #tpu.memory_space<vmem>>)
    %broadcast_in_dim3A = arith.constant 0.000000e+00 : f32
    %broadcast_in_dim3A_134 = vector.broadcast %broadcast_in_dim3A : f32 to vector<16xf32>
    %broadcast_in_dim3A_135 = arith.constant 0.000000e+00 : f32
    %broadcast_in_dim3A_136 = vector.broadcast %broadcast_in_dim3A_135 : f32 to vector<16xf32>
    %broadcast_in_dim3A_137 = arith.constant 0.000000e+00 : f32
    %broadcast_in_dim3A_138 = vector.broadcast %broadcast_in_dim3A_137 : f32 to vector<16xf32>
    %broadcast_in_dim3A_139 = arith.constant 0.000000e+00 : f32
    %broadcast_in_dim3A_140 = vector.broadcast %broadcast_in_dim3A_139 : f32 to vector<16xf32>
    %broadcast_in_dim3A_141 = arith.constant 0.000000e+00 : f32
    %broadcast_in_dim3A_142 = vector.broadcast %broadcast_in_dim3A_141 : f32 to vector<16xf32>
    %broadcast_in_dim3A_143 = arith.constant 0.000000e+00 : f32
    %broadcast_in_dim3A_144 = vector.broadcast %broadcast_in_dim3A_143 : f32 to vector<16xf32>
    %broadcast_in_dim3A_145 = arith.constant 0.000000e+00 : f32
    %broadcast_in_dim3A_146 = vector.broadcast %broadcast_in_dim3A_145 : f32 to vector<16xf32>
    %broadcast_in_dim3A_147 = arith.constant 0.000000e+00 : f32
    %broadcast_in_dim3A_148 = vector.broadcast %broadcast_in_dim3A_147 : f32 to vector<16xf32>
    %broadcast_in_dim3A_149 = arith.constant 0.000000e+00 : f32
    %broadcast_in_dim3A_150 = vector.broadcast %broadcast_in_dim3A_149 : f32 to vector<16xf32>
    %broadcast_in_dim3A_151 = arith.constant 0.000000e+00 : f32
    %broadcast_in_dim3A_152 = vector.broadcast %broadcast_in_dim3A_151 : f32 to vector<16xf32>
    %broadcast_in_dim3A_153 = arith.constant 0.000000e+00 : f32
    %broadcast_in_dim3A_154 = vector.broadcast %broadcast_in_dim3A_153 : f32 to vector<16xf32>
    %broadcast_in_dim3A_155 = arith.constant 0.000000e+00 : f32
    %broadcast_in_dim3A_156 = vector.broadcast %broadcast_in_dim3A_155 : f32 to vector<16xf32>
    %broadcast_in_dim3A_157 = arith.constant 0.000000e+00 : f32
    %broadcast_in_dim3A_158 = vector.broadcast %broadcast_in_dim3A_157 : f32 to vector<16xf32>
    %broadcast_in_dim3A_159 = arith.constant 0.000000e+00 : f32
    %broadcast_in_dim3A_160 = vector.broadcast %broadcast_in_dim3A_159 : f32 to vector<16xf32>
    %broadcast_in_dim3A_161 = arith.constant 0.000000e+00 : f32
    %broadcast_in_dim3A_162 = vector.broadcast %broadcast_in_dim3A_161 : f32 to vector<16xf32>
    %broadcast_in_dim3A_163 = arith.constant 0.000000e+00 : f32
    %broadcast_in_dim3A_164 = vector.broadcast %broadcast_in_dim3A_163 : f32 to vector<16xf32>
    %broadcast_in_dim3A_165 = arith.constant 0.000000e+00 : f32
    %broadcast_in_dim3A_166 = vector.broadcast %broadcast_in_dim3A_165 : f32 to vector<16xf32>
    %broadcast_in_dim3A_167 = arith.constant 0.000000e+00 : f32
    %broadcast_in_dim3A_168 = vector.broadcast %broadcast_in_dim3A_167 : f32 to vector<16xf32>
    %broadcast_in_dim3A_169 = arith.constant 0.000000e+00 : f32
    %broadcast_in_dim3A_170 = vector.broadcast %broadcast_in_dim3A_169 : f32 to vector<16xf32>
    %broadcast_in_dim3A_171 = arith.constant 0.000000e+00 : f32
    %broadcast_in_dim3A_172 = vector.broadcast %broadcast_in_dim3A_171 : f32 to vector<16xf32>
    %broadcast_in_dim3A_173 = arith.constant 0.000000e+00 : f32
    %broadcast_in_dim3A_174 = vector.broadcast %broadcast_in_dim3A_173 : f32 to vector<16xf32>
    %broadcast_in_dim3A_175 = arith.constant 0.000000e+00 : f32
    %broadcast_in_dim3A_176 = vector.broadcast %broadcast_in_dim3A_175 : f32 to vector<16xf32>
    %broadcast_in_dim3A_177 = arith.constant 0.000000e+00 : f32
    %broadcast_in_dim3A_178 = vector.broadcast %broadcast_in_dim3A_177 : f32 to vector<16xf32>
    %broadcast_in_dim3A_179 = arith.constant 0.000000e+00 : f32
    %broadcast_in_dim3A_180 = vector.broadcast %broadcast_in_dim3A_179 : f32 to vector<16xf32>
    %broadcast_in_dim3A_181 = arith.constant 0.000000e+00 : f32
    %broadcast_in_dim3A_182 = vector.broadcast %broadcast_in_dim3A_181 : f32 to vector<16xf32>
    %broadcast_in_dim3A_183 = arith.constant 0.000000e+00 : f32
    %broadcast_in_dim3A_184 = vector.broadcast %broadcast_in_dim3A_183 : f32 to vector<16xf32>
    %broadcast_in_dim3A_185 = arith.constant 0.000000e+00 : f32
    %broadcast_in_dim3A_186 = vector.broadcast %broadcast_in_dim3A_185 : f32 to vector<16xf32>
    %broadcast_in_dim3A_187 = arith.constant 0.000000e+00 : f32
    %broadcast_in_dim3A_188 = vector.broadcast %broadcast_in_dim3A_187 : f32 to vector<16xf32>
    %broadcast_in_dim3A_189 = arith.constant 0.000000e+00 : f32
    %broadcast_in_dim3A_190 = vector.broadcast %broadcast_in_dim3A_189 : f32 to vector<16xf32>
    %broadcast_in_dim3A_191 = arith.constant 0.000000e+00 : f32
    %broadcast_in_dim3A_192 = vector.broadcast %broadcast_in_dim3A_191 : f32 to vector<16xf32>
    %broadcast_in_dim3A_193 = arith.constant 0.000000e+00 : f32
    %broadcast_in_dim3A_194 = vector.broadcast %broadcast_in_dim3A_193 : f32 to vector<16xf32>
    %broadcast_in_dim3A_195 = arith.constant 0.000000e+00 : f32
    %broadcast_in_dim3A_196 = vector.broadcast %broadcast_in_dim3A_195 : f32 to vector<16xf32>
    %broadcast_in_dim3A_197 = arith.constant 0.000000e+00 : f32
    %broadcast_in_dim3A_198 = vector.broadcast %broadcast_in_dim3A_197 : f32 to vector<16xf32>
    %broadcast_in_dim3A_199 = arith.constant 0.000000e+00 : f32
    %broadcast_in_dim3A_200 = vector.broadcast %broadcast_in_dim3A_199 : f32 to vector<16xf32>
    %broadcast_in_dim3A_201 = arith.constant 0.000000e+00 : f32
    %broadcast_in_dim3A_202 = vector.broadcast %broadcast_in_dim3A_201 : f32 to vector<16xf32>
    %broadcast_in_dim3A_203 = arith.constant 0.000000e+00 : f32
    %broadcast_in_dim3A_204 = vector.broadcast %broadcast_in_dim3A_203 : f32 to vector<16xf32>
    %broadcast_in_dim3A_205 = arith.constant 0.000000e+00 : f32
    %broadcast_in_dim3A_206 = vector.broadcast %broadcast_in_dim3A_205 : f32 to vector<16xf32>
    %broadcast_in_dim3A_207 = arith.constant 0.000000e+00 : f32
    %broadcast_in_dim3A_208 = vector.broadcast %broadcast_in_dim3A_207 : f32 to vector<16xf32>
    %broadcast_in_dim3A_209 = arith.constant 0.000000e+00 : f32
    %broadcast_in_dim3A_210 = vector.broadcast %broadcast_in_dim3A_209 : f32 to vector<16xf32>
    %broadcast_in_dim3A_211 = arith.constant 0.000000e+00 : f32
    %broadcast_in_dim3A_212 = vector.broadcast %broadcast_in_dim3A_211 : f32 to vector<16xf32>
    %broadcast_in_dim3A_213 = arith.constant 0.000000e+00 : f32
    %broadcast_in_dim3A_214 = vector.broadcast %broadcast_in_dim3A_213 : f32 to vector<16xf32>
    %broadcast_in_dim3A_215 = arith.constant 0.000000e+00 : f32
    %broadcast_in_dim3A_216 = vector.broadcast %broadcast_in_dim3A_215 : f32 to vector<16xf32>
    %broadcast_in_dim3A_217 = arith.constant 0.000000e+00 : f32
    %broadcast_in_dim3A_218 = vector.broadcast %broadcast_in_dim3A_217 : f32 to vector<16xf32>
    %broadcast_in_dim3A_219 = arith.constant 0.000000e+00 : f32
    %broadcast_in_dim3A_220 = vector.broadcast %broadcast_in_dim3A_219 : f32 to vector<16xf32>
    %broadcast_in_dim3A_221 = arith.constant 0.000000e+00 : f32
    %broadcast_in_dim3A_222 = vector.broadcast %broadcast_in_dim3A_221 : f32 to vector<16xf32>
    %broadcast_in_dim3A_223 = arith.constant 0.000000e+00 : f32
    %broadcast_in_dim3A_224 = vector.broadcast %broadcast_in_dim3A_223 : f32 to vector<16xf32>
    %broadcast_in_dim3A_225 = arith.constant 0.000000e+00 : f32
    %broadcast_in_dim3A_226 = vector.broadcast %broadcast_in_dim3A_225 : f32 to vector<16xf32>
    %broadcast_in_dim3A_227 = arith.constant 0.000000e+00 : f32
    %broadcast_in_dim3A_228 = vector.broadcast %broadcast_in_dim3A_227 : f32 to vector<16xf32>
    %dma_start3A_229 = arith.constant 1 : i32
    %dma_start3A_230 = arith.constant 0 : i32
    %dma_start3A_231 = tpu.memref_slice %arg6[%dma_start3A_229, %dma_start3A_230] : memref<4x64xi32, #tpu.memory_space<vmem>> -> memref<1x64xi32, #tpu.memory_space<vmem>>
    %dma_start3A_232 = tpu.memref_squeeze %dma_start3A_231 : memref<1x64xi32, #tpu.memory_space<vmem>> -> memref<64xi32, #tpu.memory_space<vmem>>
    %dma_start3A_233 = arith.constant 0 : i32
    %dma_start3A_234 = arith.constant 0 : i32
    %dma_start3A_235 = tpu.memref_slice %arg3[%dma_start3A_233, %dma_start3A_234] : memref<100000x768xf32, #tpu.memory_space<hbm>> -> memref<100000x768xf32, #tpu.memory_space<hbm>>
    tpu.enqueue_indirect_dma source(%dma_start3A_235 : memref<100000x768xf32, #tpu.memory_space<hbm>>) target(%arg8 : memref<64x768xf32, #tpu.memory_space<vmem>>) offsets(%dma_start3A_232 : memref<64xi32, #tpu.memory_space<vmem>>) semaphore(%arg12 : memref<!tpu.dma_semaphore, #tpu.memory_space<semaphore_mem>>)
    %dma_wait3A_236 = arith.constant 0 : i32
    %dma_wait3A_237 = arith.constant 0 : i32
    %dma_wait3A_238 = tpu.memref_slice %arg6[%dma_wait3A_236, %dma_wait3A_237] : memref<4x64xi32, #tpu.memory_space<vmem>> -> memref<1x64xi32, #tpu.memory_space<vmem>>
    %dma_wait3A_239 = tpu.memref_squeeze %dma_wait3A_238 : memref<1x64xi32, #tpu.memory_space<vmem>> -> memref<64xi32, #tpu.memory_space<vmem>>
    %dma_wait3A_240 = arith.constant 0 : i32
    %dma_wait3A_241 = arith.constant 0 : i32
    %dma_wait3A_242 = tpu.memref_slice %arg3[%dma_wait3A_240, %dma_wait3A_241] : memref<100000x768xf32, #tpu.memory_space<hbm>> -> memref<100000x768xf32, #tpu.memory_space<hbm>>
    tpu.wait_indirect_dma semaphore(%arg11 : memref<!tpu.dma_semaphore, #tpu.memory_space<semaphore_mem>>) src(%dma_wait3A_242 : memref<100000x768xf32, #tpu.memory_space<hbm>>) dst(%arg7 : memref<64x768xf32, #tpu.memory_space<vmem>>)
    %scan3A = arith.constant 0 : i32
    %scan3A_243 = arith.constant 64 : i32
    %scan3A_244 = arith.addi %scan3A, %scan3A_243 : i32
    %scan3A_245 = arith.constant 1 : i32
    %scan3A_246:48 = scf.for %scan3A_563 = %scan3A to %scan3A_244 step %scan3A_245 iter_args(%scan3A_564 = %broadcast_in_dim3A_134, %scan3A_565 = %broadcast_in_dim3A_136, %scan3A_566 = %broadcast_in_dim3A_138, %scan3A_567 = %broadcast_in_dim3A_140, %scan3A_568 = %broadcast_in_dim3A_142, %scan3A_569 = %broadcast_in_dim3A_144, %scan3A_570 = %broadcast_in_dim3A_146, %scan3A_571 = %broadcast_in_dim3A_148, %scan3A_572 = %broadcast_in_dim3A_150, %scan3A_573 = %broadcast_in_dim3A_152, %scan3A_574 = %broadcast_in_dim3A_154, %scan3A_575 = %broadcast_in_dim3A_156, %scan3A_576 = %broadcast_in_dim3A_158, %scan3A_577 = %broadcast_in_dim3A_160, %scan3A_578 = %broadcast_in_dim3A_162, %scan3A_579 = %broadcast_in_dim3A_164, %scan3A_580 = %broadcast_in_dim3A_166, %scan3A_581 = %broadcast_in_dim3A_168, %scan3A_582 = %broadcast_in_dim3A_170, %scan3A_583 = %broadcast_in_dim3A_172, %scan3A_584 = %broadcast_in_dim3A_174, %scan3A_585 = %broadcast_in_dim3A_176, %scan3A_586 = %broadcast_in_dim3A_178, %scan3A_587 = %broadcast_in_dim3A_180, %scan3A_588 = %broadcast_in_dim3A_182, %scan3A_589 = %broadcast_in_dim3A_184, %scan3A_590 = %broadcast_in_dim3A_186, %scan3A_591 = %broadcast_in_dim3A_188, %scan3A_592 = %broadcast_in_dim3A_190, %scan3A_593 = %broadcast_in_dim3A_192, %scan3A_594 = %broadcast_in_dim3A_194, %scan3A_595 = %broadcast_in_dim3A_196, %scan3A_596 = %broadcast_in_dim3A_198, %scan3A_597 = %broadcast_in_dim3A_200, %scan3A_598 = %broadcast_in_dim3A_202, %scan3A_599 = %broadcast_in_dim3A_204, %scan3A_600 = %broadcast_in_dim3A_206, %scan3A_601 = %broadcast_in_dim3A_208, %scan3A_602 = %broadcast_in_dim3A_210, %scan3A_603 = %broadcast_in_dim3A_212, %scan3A_604 = %broadcast_in_dim3A_214, %scan3A_605 = %broadcast_in_dim3A_216, %scan3A_606 = %broadcast_in_dim3A_218, %scan3A_607 = %broadcast_in_dim3A_220, %scan3A_608 = %broadcast_in_dim3A_222, %scan3A_609 = %broadcast_in_dim3A_224, %scan3A_610 = %broadcast_in_dim3A_226, %scan3A_611 = %broadcast_in_dim3A_228) -> (vector<16xf32>, vector<16xf32>, vector<16xf32>, vector<16xf32>, vector<16xf32>, vector<16xf32>, vector<16xf32>, vector<16xf32>, vector<16xf32>, vector<16xf32>, vector<16xf32>, vector<16xf32>, vector<16xf32>, vector<16xf32>, vector<16xf32>, vector<16xf32>, vector<16xf32>, vector<16xf32>, vector<16xf32>, vector<16xf32>, vector<16xf32>, vector<16xf32>, vector<16xf32>, vector<16xf32>, vector<16xf32>, vector<16xf32>, vector<16xf32>, vector<16xf32>, vector<16xf32>, vector<16xf32>, vector<16xf32>, vector<16xf32>, vector<16xf32>, vector<16xf32>, vector<16xf32>, vector<16xf32>, vector<16xf32>, vector<16xf32>, vector<16xf32>, vector<16xf32>, vector<16xf32>, vector<16xf32>, vector<16xf32>, vector<16xf32>, vector<16xf32>, vector<16xf32>, vector<16xf32>, vector<16xf32>)  : i32 {
      %get3A_612 = arith.index_cast %scan3A_563 : i32 to index
      %get3A_613 = arith.constant 0 : index
      %get3A_614 = tpu.vector_load %arg7[%get3A_612, %get3A_613] {strides = array<i32>} : memref<64x768xf32, #tpu.memory_space<vmem>>, vector<1x16xf32>,
      %get3A_615 = vector.shape_cast %get3A_614 : vector<1x16xf32> to vector<16xf32>
      %add3A_616 = arith.addf %scan3A_564, %get3A_615 : vector<16xf32>
      %get3A_617 = arith.index_cast %scan3A_563 : i32 to index
      %get3A_618 = arith.constant 16 : index
      %get3A_619 = tpu.vector_load %arg7[%get3A_617, %get3A_618] {strides = array<i32>} : memref<64x768xf32, #tpu.memory_space<vmem>>, vector<1x16xf32>,
      %get3A_620 = vector.shape_cast %get3A_619 : vector<1x16xf32> to vector<16xf32>
      %add3A_621 = arith.addf %scan3A_565, %get3A_620 : vector<16xf32>
      %get3A_622 = arith.index_cast %scan3A_563 : i32 to index
      %get3A_623 = arith.constant 32 : index
      %get3A_624 = tpu.vector_load %arg7[%get3A_622, %get3A_623] {strides = array<i32>} : memref<64x768xf32, #tpu.memory_space<vmem>>, vector<1x16xf32>,
      %get3A_625 = vector.shape_cast %get3A_624 : vector<1x16xf32> to vector<16xf32>
      %add3A_626 = arith.addf %scan3A_566, %get3A_625 : vector<16xf32>
      %get3A_627 = arith.index_cast %scan3A_563 : i32 to index
      %get3A_628 = arith.constant 48 : index
      %get3A_629 = tpu.vector_load %arg7[%get3A_627, %get3A_628] {strides = array<i32>} : memref<64x768xf32, #tpu.memory_space<vmem>>, vector<1x16xf32>,
      %get3A_630 = vector.shape_cast %get3A_629 : vector<1x16xf32> to vector<16xf32>
      %add3A_631 = arith.addf %scan3A_567, %get3A_630 : vector<16xf32>
      %get3A_632 = arith.index_cast %scan3A_563 : i32 to index
      %get3A_633 = arith.constant 64 : index
      %get3A_634 = tpu.vector_load %arg7[%get3A_632, %get3A_633] {strides = array<i32>} : memref<64x768xf32, #tpu.memory_space<vmem>>, vector<1x16xf32>,
      %get3A_635 = vector.shape_cast %get3A_634 : vector<1x16xf32> to vector<16xf32>
      %add3A_636 = arith.addf %scan3A_568, %get3A_635 : vector<16xf32>
      %get3A_637 = arith.index_cast %scan3A_563 : i32 to index
      %get3A_638 = arith.constant 80 : index
      %get3A_639 = tpu.vector_load %arg7[%get3A_637, %get3A_638] {strides = array<i32>} : memref<64x768xf32, #tpu.memory_space<vmem>>, vector<1x16xf32>,
      %get3A_640 = vector.shape_cast %get3A_639 : vector<1x16xf32> to vector<16xf32>
      %add3A_641 = arith.addf %scan3A_569, %get3A_640 : vector<16xf32>
      %get3A_642 = arith.index_cast %scan3A_563 : i32 to index
      %get3A_643 = arith.constant 96 : index
      %get3A_644 = tpu.vector_load %arg7[%get3A_642, %get3A_643] {strides = array<i32>} : memref<64x768xf32, #tpu.memory_space<vmem>>, vector<1x16xf32>,
      %get3A_645 = vector.shape_cast %get3A_644 : vector<1x16xf32> to vector<16xf32>
      %add3A_646 = arith.addf %scan3A_570, %get3A_645 : vector<16xf32>
      %get3A_647 = arith.index_cast %scan3A_563 : i32 to index
      %get3A_648 = arith.constant 112 : index
      %get3A_649 = tpu.vector_load %arg7[%get3A_647, %get3A_648] {strides = array<i32>} : memref<64x768xf32, #tpu.memory_space<vmem>>, vector<1x16xf32>,
      %get3A_650 = vector.shape_cast %get3A_649 : vector<1x16xf32> to vector<16xf32>
      %add3A_651 = arith.addf %scan3A_571, %get3A_650 : vector<16xf32>
      %get3A_652 = arith.index_cast %scan3A_563 : i32 to index
      %get3A_653 = arith.constant 128 : index
      %get3A_654 = tpu.vector_load %arg7[%get3A_652, %get3A_653] {strides = array<i32>} : memref<64x768xf32, #tpu.memory_space<vmem>>, vector<1x16xf32>,
      %get3A_655 = vector.shape_cast %get3A_654 : vector<1x16xf32> to vector<16xf32>
      %add3A_656 = arith.addf %scan3A_572, %get3A_655 : vector<16xf32>
      %get3A_657 = arith.index_cast %scan3A_563 : i32 to index
      %get3A_658 = arith.constant 144 : index
      %get3A_659 = tpu.vector_load %arg7[%get3A_657, %get3A_658] {strides = array<i32>} : memref<64x768xf32, #tpu.memory_space<vmem>>, vector<1x16xf32>,
      %get3A_660 = vector.shape_cast %get3A_659 : vector<1x16xf32> to vector<16xf32>
      %add3A_661 = arith.addf %scan3A_573, %get3A_660 : vector<16xf32>
      %get3A_662 = arith.index_cast %scan3A_563 : i32 to index
      %get3A_663 = arith.constant 160 : index
      %get3A_664 = tpu.vector_load %arg7[%get3A_662, %get3A_663] {strides = array<i32>} : memref<64x768xf32, #tpu.memory_space<vmem>>, vector<1x16xf32>,
      %get3A_665 = vector.shape_cast %get3A_664 : vector<1x16xf32> to vector<16xf32>
      %add3A_666 = arith.addf %scan3A_574, %get3A_665 : vector<16xf32>
      %get3A_667 = arith.index_cast %scan3A_563 : i32 to index
      %get3A_668 = arith.constant 176 : index
      %get3A_669 = tpu.vector_load %arg7[%get3A_667, %get3A_668] {strides = array<i32>} : memref<64x768xf32, #tpu.memory_space<vmem>>, vector<1x16xf32>,
      %get3A_670 = vector.shape_cast %get3A_669 : vector<1x16xf32> to vector<16xf32>
      %add3A_671 = arith.addf %scan3A_575, %get3A_670 : vector<16xf32>
      %get3A_672 = arith.index_cast %scan3A_563 : i32 to index
      %get3A_673 = arith.constant 192 : index
      %get3A_674 = tpu.vector_load %arg7[%get3A_672, %get3A_673] {strides = array<i32>} : memref<64x768xf32, #tpu.memory_space<vmem>>, vector<1x16xf32>,
      %get3A_675 = vector.shape_cast %get3A_674 : vector<1x16xf32> to vector<16xf32>
      %add3A_676 = arith.addf %scan3A_576, %get3A_675 : vector<16xf32>
      %get3A_677 = arith.index_cast %scan3A_563 : i32 to index
      %get3A_678 = arith.constant 208 : index
      %get3A_679 = tpu.vector_load %arg7[%get3A_677, %get3A_678] {strides = array<i32>} : memref<64x768xf32, #tpu.memory_space<vmem>>, vector<1x16xf32>,
      %get3A_680 = vector.shape_cast %get3A_679 : vector<1x16xf32> to vector<16xf32>
      %add3A_681 = arith.addf %scan3A_577, %get3A_680 : vector<16xf32>
      %get3A_682 = arith.index_cast %scan3A_563 : i32 to index
      %get3A_683 = arith.constant 224 : index
      %get3A_684 = tpu.vector_load %arg7[%get3A_682, %get3A_683] {strides = array<i32>} : memref<64x768xf32, #tpu.memory_space<vmem>>, vector<1x16xf32>,
      %get3A_685 = vector.shape_cast %get3A_684 : vector<1x16xf32> to vector<16xf32>
      %add3A_686 = arith.addf %scan3A_578, %get3A_685 : vector<16xf32>
      %get3A_687 = arith.index_cast %scan3A_563 : i32 to index
      %get3A_688 = arith.constant 240 : index
      %get3A_689 = tpu.vector_load %arg7[%get3A_687, %get3A_688] {strides = array<i32>} : memref<64x768xf32, #tpu.memory_space<vmem>>, vector<1x16xf32>,
      %get3A_690 = vector.shape_cast %get3A_689 : vector<1x16xf32> to vector<16xf32>
      %add3A_691 = arith.addf %scan3A_579, %get3A_690 : vector<16xf32>
      %get3A_692 = arith.index_cast %scan3A_563 : i32 to index
      %get3A_693 = arith.constant 256 : index
      %get3A_694 = tpu.vector_load %arg7[%get3A_692, %get3A_693] {strides = array<i32>} : memref<64x768xf32, #tpu.memory_space<vmem>>, vector<1x16xf32>,
      %get3A_695 = vector.shape_cast %get3A_694 : vector<1x16xf32> to vector<16xf32>
      %add3A_696 = arith.addf %scan3A_580, %get3A_695 : vector<16xf32>
      %get3A_697 = arith.index_cast %scan3A_563 : i32 to index
      %get3A_698 = arith.constant 272 : index
      %get3A_699 = tpu.vector_load %arg7[%get3A_697, %get3A_698] {strides = array<i32>} : memref<64x768xf32, #tpu.memory_space<vmem>>, vector<1x16xf32>,
      %get3A_700 = vector.shape_cast %get3A_699 : vector<1x16xf32> to vector<16xf32>
      %add3A_701 = arith.addf %scan3A_581, %get3A_700 : vector<16xf32>
      %get3A_702 = arith.index_cast %scan3A_563 : i32 to index
      %get3A_703 = arith.constant 288 : index
      %get3A_704 = tpu.vector_load %arg7[%get3A_702, %get3A_703] {strides = array<i32>} : memref<64x768xf32, #tpu.memory_space<vmem>>, vector<1x16xf32>,
      %get3A_705 = vector.shape_cast %get3A_704 : vector<1x16xf32> to vector<16xf32>
      %add3A_706 = arith.addf %scan3A_582, %get3A_705 : vector<16xf32>
      %get3A_707 = arith.index_cast %scan3A_563 : i32 to index
      %get3A_708 = arith.constant 304 : index
      %get3A_709 = tpu.vector_load %arg7[%get3A_707, %get3A_708] {strides = array<i32>} : memref<64x768xf32, #tpu.memory_space<vmem>>, vector<1x16xf32>,
      %get3A_710 = vector.shape_cast %get3A_709 : vector<1x16xf32> to vector<16xf32>
      %add3A_711 = arith.addf %scan3A_583, %get3A_710 : vector<16xf32>
      %get3A_712 = arith.index_cast %scan3A_563 : i32 to index
      %get3A_713 = arith.constant 320 : index
      %get3A_714 = tpu.vector_load %arg7[%get3A_712, %get3A_713] {strides = array<i32>} : memref<64x768xf32, #tpu.memory_space<vmem>>, vector<1x16xf32>,
      %get3A_715 = vector.shape_cast %get3A_714 : vector<1x16xf32> to vector<16xf32>
      %add3A_716 = arith.addf %scan3A_584, %get3A_715 : vector<16xf32>
      %get3A_717 = arith.index_cast %scan3A_563 : i32 to index
      %get3A_718 = arith.constant 336 : index
      %get3A_719 = tpu.vector_load %arg7[%get3A_717, %get3A_718] {strides = array<i32>} : memref<64x768xf32, #tpu.memory_space<vmem>>, vector<1x16xf32>,
      %get3A_720 = vector.shape_cast %get3A_719 : vector<1x16xf32> to vector<16xf32>
      %add3A_721 = arith.addf %scan3A_585, %get3A_720 : vector<16xf32>
      %get3A_722 = arith.index_cast %scan3A_563 : i32 to index
      %get3A_723 = arith.constant 352 : index
      %get3A_724 = tpu.vector_load %arg7[%get3A_722, %get3A_723] {strides = array<i32>} : memref<64x768xf32, #tpu.memory_space<vmem>>, vector<1x16xf32>,
      %get3A_725 = vector.shape_cast %get3A_724 : vector<1x16xf32> to vector<16xf32>
      %add3A_726 = arith.addf %scan3A_586, %get3A_725 : vector<16xf32>
      %get3A_727 = arith.index_cast %scan3A_563 : i32 to index
      %get3A_728 = arith.constant 368 : index
      %get3A_729 = tpu.vector_load %arg7[%get3A_727, %get3A_728] {strides = array<i32>} : memref<64x768xf32, #tpu.memory_space<vmem>>, vector<1x16xf32>,
      %get3A_730 = vector.shape_cast %get3A_729 : vector<1x16xf32> to vector<16xf32>
      %add3A_731 = arith.addf %scan3A_587, %get3A_730 : vector<16xf32>
      %get3A_732 = arith.index_cast %scan3A_563 : i32 to index
      %get3A_733 = arith.constant 384 : index
      %get3A_734 = tpu.vector_load %arg7[%get3A_732, %get3A_733] {strides = array<i32>} : memref<64x768xf32, #tpu.memory_space<vmem>>, vector<1x16xf32>,
      %get3A_735 = vector.shape_cast %get3A_734 : vector<1x16xf32> to vector<16xf32>
      %add3A_736 = arith.addf %scan3A_588, %get3A_735 : vector<16xf32>
      %get3A_737 = arith.index_cast %scan3A_563 : i32 to index
      %get3A_738 = arith.constant 400 : index
      %get3A_739 = tpu.vector_load %arg7[%get3A_737, %get3A_738] {strides = array<i32>} : memref<64x768xf32, #tpu.memory_space<vmem>>, vector<1x16xf32>,
      %get3A_740 = vector.shape_cast %get3A_739 : vector<1x16xf32> to vector<16xf32>
      %add3A_741 = arith.addf %scan3A_589, %get3A_740 : vector<16xf32>
      %get3A_742 = arith.index_cast %scan3A_563 : i32 to index
      %get3A_743 = arith.constant 416 : index
      %get3A_744 = tpu.vector_load %arg7[%get3A_742, %get3A_743] {strides = array<i32>} : memref<64x768xf32, #tpu.memory_space<vmem>>, vector<1x16xf32>,
      %get3A_745 = vector.shape_cast %get3A_744 : vector<1x16xf32> to vector<16xf32>
      %add3A_746 = arith.addf %scan3A_590, %get3A_745 : vector<16xf32>
      %get3A_747 = arith.index_cast %scan3A_563 : i32 to index
      %get3A_748 = arith.constant 432 : index
      %get3A_749 = tpu.vector_load %arg7[%get3A_747, %get3A_748] {strides = array<i32>} : memref<64x768xf32, #tpu.memory_space<vmem>>, vector<1x16xf32>,
      %get3A_750 = vector.shape_cast %get3A_749 : vector<1x16xf32> to vector<16xf32>
      %add3A_751 = arith.addf %scan3A_591, %get3A_750 : vector<16xf32>
      %get3A_752 = arith.index_cast %scan3A_563 : i32 to index
      %get3A_753 = arith.constant 448 : index
      %get3A_754 = tpu.vector_load %arg7[%get3A_752, %get3A_753] {strides = array<i32>} : memref<64x768xf32, #tpu.memory_space<vmem>>, vector<1x16xf32>,
      %get3A_755 = vector.shape_cast %get3A_754 : vector<1x16xf32> to vector<16xf32>
      %add3A_756 = arith.addf %scan3A_592, %get3A_755 : vector<16xf32>
      %get3A_757 = arith.index_cast %scan3A_563 : i32 to index
      %get3A_758 = arith.constant 464 : index
      %get3A_759 = tpu.vector_load %arg7[%get3A_757, %get3A_758] {strides = array<i32>} : memref<64x768xf32, #tpu.memory_space<vmem>>, vector<1x16xf32>,
      %get3A_760 = vector.shape_cast %get3A_759 : vector<1x16xf32> to vector<16xf32>
      %add3A_761 = arith.addf %scan3A_593, %get3A_760 : vector<16xf32>
      %get3A_762 = arith.index_cast %scan3A_563 : i32 to index
      %get3A_763 = arith.constant 480 : index
      %get3A_764 = tpu.vector_load %arg7[%get3A_762, %get3A_763] {strides = array<i32>} : memref<64x768xf32, #tpu.memory_space<vmem>>, vector<1x16xf32>,
      %get3A_765 = vector.shape_cast %get3A_764 : vector<1x16xf32> to vector<16xf32>
      %add3A_766 = arith.addf %scan3A_594, %get3A_765 : vector<16xf32>
      %get3A_767 = arith.index_cast %scan3A_563 : i32 to index
      %get3A_768 = arith.constant 496 : index
      %get3A_769 = tpu.vector_load %arg7[%get3A_767, %get3A_768] {strides = array<i32>} : memref<64x768xf32, #tpu.memory_space<vmem>>, vector<1x16xf32>,
      %get3A_770 = vector.shape_cast %get3A_769 : vector<1x16xf32> to vector<16xf32>
      %add3A_771 = arith.addf %scan3A_595, %get3A_770 : vector<16xf32>
      %get3A_772 = arith.index_cast %scan3A_563 : i32 to index
      %get3A_773 = arith.constant 512 : index
      %get3A_774 = tpu.vector_load %arg7[%get3A_772, %get3A_773] {strides = array<i32>} : memref<64x768xf32, #tpu.memory_space<vmem>>, vector<1x16xf32>,
      %get3A_775 = vector.shape_cast %get3A_774 : vector<1x16xf32> to vector<16xf32>
      %add3A_776 = arith.addf %scan3A_596, %get3A_775 : vector<16xf32>
      %get3A_777 = arith.index_cast %scan3A_563 : i32 to index
      %get3A_778 = arith.constant 528 : index
      %get3A_779 = tpu.vector_load %arg7[%get3A_777, %get3A_778] {strides = array<i32>} : memref<64x768xf32, #tpu.memory_space<vmem>>, vector<1x16xf32>,
      %get3A_780 = vector.shape_cast %get3A_779 : vector<1x16xf32> to vector<16xf32>
      %add3A_781 = arith.addf %scan3A_597, %get3A_780 : vector<16xf32>
      %get3A_782 = arith.index_cast %scan3A_563 : i32 to index
      %get3A_783 = arith.constant 544 : index
      %get3A_784 = tpu.vector_load %arg7[%get3A_782, %get3A_783] {strides = array<i32>} : memref<64x768xf32, #tpu.memory_space<vmem>>, vector<1x16xf32>,
      %get3A_785 = vector.shape_cast %get3A_784 : vector<1x16xf32> to vector<16xf32>
      %add3A_786 = arith.addf %scan3A_598, %get3A_785 : vector<16xf32>
      %get3A_787 = arith.index_cast %scan3A_563 : i32 to index
      %get3A_788 = arith.constant 560 : index
      %get3A_789 = tpu.vector_load %arg7[%get3A_787, %get3A_788] {strides = array<i32>} : memref<64x768xf32, #tpu.memory_space<vmem>>, vector<1x16xf32>,
      %get3A_790 = vector.shape_cast %get3A_789 : vector<1x16xf32> to vector<16xf32>
      %add3A_791 = arith.addf %scan3A_599, %get3A_790 : vector<16xf32>
      %get3A_792 = arith.index_cast %scan3A_563 : i32 to index
      %get3A_793 = arith.constant 576 : index
      %get3A_794 = tpu.vector_load %arg7[%get3A_792, %get3A_793] {strides = array<i32>} : memref<64x768xf32, #tpu.memory_space<vmem>>, vector<1x16xf32>,
      %get3A_795 = vector.shape_cast %get3A_794 : vector<1x16xf32> to vector<16xf32>
      %add3A_796 = arith.addf %scan3A_600, %get3A_795 : vector<16xf32>
      %get3A_797 = arith.index_cast %scan3A_563 : i32 to index
      %get3A_798 = arith.constant 592 : index
      %get3A_799 = tpu.vector_load %arg7[%get3A_797, %get3A_798] {strides = array<i32>} : memref<64x768xf32, #tpu.memory_space<vmem>>, vector<1x16xf32>,
      %get3A_800 = vector.shape_cast %get3A_799 : vector<1x16xf32> to vector<16xf32>
      %add3A_801 = arith.addf %scan3A_601, %get3A_800 : vector<16xf32>
      %get3A_802 = arith.index_cast %scan3A_563 : i32 to index
      %get3A_803 = arith.constant 608 : index
      %get3A_804 = tpu.vector_load %arg7[%get3A_802, %get3A_803] {strides = array<i32>} : memref<64x768xf32, #tpu.memory_space<vmem>>, vector<1x16xf32>,
      %get3A_805 = vector.shape_cast %get3A_804 : vector<1x16xf32> to vector<16xf32>
      %add3A_806 = arith.addf %scan3A_602, %get3A_805 : vector<16xf32>
      %get3A_807 = arith.index_cast %scan3A_563 : i32 to index
      %get3A_808 = arith.constant 624 : index
      %get3A_809 = tpu.vector_load %arg7[%get3A_807, %get3A_808] {strides = array<i32>} : memref<64x768xf32, #tpu.memory_space<vmem>>, vector<1x16xf32>,
      %get3A_810 = vector.shape_cast %get3A_809 : vector<1x16xf32> to vector<16xf32>
      %add3A_811 = arith.addf %scan3A_603, %get3A_810 : vector<16xf32>
      %get3A_812 = arith.index_cast %scan3A_563 : i32 to index
      %get3A_813 = arith.constant 640 : index
      %get3A_814 = tpu.vector_load %arg7[%get3A_812, %get3A_813] {strides = array<i32>} : memref<64x768xf32, #tpu.memory_space<vmem>>, vector<1x16xf32>,
      %get3A_815 = vector.shape_cast %get3A_814 : vector<1x16xf32> to vector<16xf32>
      %add3A_816 = arith.addf %scan3A_604, %get3A_815 : vector<16xf32>
      %get3A_817 = arith.index_cast %scan3A_563 : i32 to index
      %get3A_818 = arith.constant 656 : index
      %get3A_819 = tpu.vector_load %arg7[%get3A_817, %get3A_818] {strides = array<i32>} : memref<64x768xf32, #tpu.memory_space<vmem>>, vector<1x16xf32>,
      %get3A_820 = vector.shape_cast %get3A_819 : vector<1x16xf32> to vector<16xf32>
      %add3A_821 = arith.addf %scan3A_605, %get3A_820 : vector<16xf32>
      %get3A_822 = arith.index_cast %scan3A_563 : i32 to index
      %get3A_823 = arith.constant 672 : index
      %get3A_824 = tpu.vector_load %arg7[%get3A_822, %get3A_823] {strides = array<i32>} : memref<64x768xf32, #tpu.memory_space<vmem>>, vector<1x16xf32>,
      %get3A_825 = vector.shape_cast %get3A_824 : vector<1x16xf32> to vector<16xf32>
      %add3A_826 = arith.addf %scan3A_606, %get3A_825 : vector<16xf32>
      %get3A_827 = arith.index_cast %scan3A_563 : i32 to index
      %get3A_828 = arith.constant 688 : index
      %get3A_829 = tpu.vector_load %arg7[%get3A_827, %get3A_828] {strides = array<i32>} : memref<64x768xf32, #tpu.memory_space<vmem>>, vector<1x16xf32>,
      %get3A_830 = vector.shape_cast %get3A_829 : vector<1x16xf32> to vector<16xf32>
      %add3A_831 = arith.addf %scan3A_607, %get3A_830 : vector<16xf32>
      %get3A_832 = arith.index_cast %scan3A_563 : i32 to index
      %get3A_833 = arith.constant 704 : index
      %get3A_834 = tpu.vector_load %arg7[%get3A_832, %get3A_833] {strides = array<i32>} : memref<64x768xf32, #tpu.memory_space<vmem>>, vector<1x16xf32>,
      %get3A_835 = vector.shape_cast %get3A_834 : vector<1x16xf32> to vector<16xf32>
      %add3A_836 = arith.addf %scan3A_608, %get3A_835 : vector<16xf32>
      %get3A_837 = arith.index_cast %scan3A_563 : i32 to index
      %get3A_838 = arith.constant 720 : index
      %get3A_839 = tpu.vector_load %arg7[%get3A_837, %get3A_838] {strides = array<i32>} : memref<64x768xf32, #tpu.memory_space<vmem>>, vector<1x16xf32>,
      %get3A_840 = vector.shape_cast %get3A_839 : vector<1x16xf32> to vector<16xf32>
      %add3A_841 = arith.addf %scan3A_609, %get3A_840 : vector<16xf32>
      %get3A_842 = arith.index_cast %scan3A_563 : i32 to index
      %get3A_843 = arith.constant 736 : index
      %get3A_844 = tpu.vector_load %arg7[%get3A_842, %get3A_843] {strides = array<i32>} : memref<64x768xf32, #tpu.memory_space<vmem>>, vector<1x16xf32>,
      %get3A_845 = vector.shape_cast %get3A_844 : vector<1x16xf32> to vector<16xf32>
      %add3A_846 = arith.addf %scan3A_610, %get3A_845 : vector<16xf32>
      %get3A_847 = arith.index_cast %scan3A_563 : i32 to index
      %get3A_848 = arith.constant 752 : index
      %get3A_849 = tpu.vector_load %arg7[%get3A_847, %get3A_848] {strides = array<i32>} : memref<64x768xf32, #tpu.memory_space<vmem>>, vector<1x16xf32>,
      %get3A_850 = vector.shape_cast %get3A_849 : vector<1x16xf32> to vector<16xf32>
      %add3A_851 = arith.addf %scan3A_611, %get3A_850 : vector<16xf32>
      scf.yield %add3A_616, %add3A_621, %add3A_626, %add3A_631, %add3A_636, %add3A_641, %add3A_646, %add3A_651, %add3A_656, %add3A_661, %add3A_666, %add3A_671, %add3A_676, %add3A_681, %add3A_686, %add3A_691, %add3A_696, %add3A_701, %add3A_706, %add3A_711, %add3A_716, %add3A_721, %add3A_726, %add3A_731, %add3A_736, %add3A_741, %add3A_746, %add3A_751, %add3A_756, %add3A_761, %add3A_766, %add3A_771, %add3A_776, %add3A_781, %add3A_786, %add3A_791, %add3A_796, %add3A_801, %add3A_806, %add3A_811, %add3A_816, %add3A_821, %add3A_826, %add3A_831, %add3A_836, %add3A_841, %add3A_846, %add3A_851 : vector<16xf32>, vector<16xf32>, vector<16xf32>, vector<16xf32>, vector<16xf32>, vector<16xf32>, vector<16xf32>, vector<16xf32>, vector<16xf32>, vector<16xf32>, vector<16xf32>, vector<16xf32>, vector<16xf32>, vector<16xf32>, vector<16xf32>, vector<16xf32>, vector<16xf32>, vector<16xf32>, vector<16xf32>, vector<16xf32>, vector<16xf32>, vector<16xf32>, vector<16xf32>, vector<16xf32>, vector<16xf32>, vector<16xf32>, vector<16xf32>, vector<16xf32>, vector<16xf32>, vector<16xf32>, vector<16xf32>, vector<16xf32>, vector<16xf32>, vector<16xf32>, vector<16xf32>, vector<16xf32>, vector<16xf32>, vector<16xf32>, vector<16xf32>, vector<16xf32>, vector<16xf32>, vector<16xf32>, vector<16xf32>, vector<16xf32>, vector<16xf32>, vector<16xf32>, vector<16xf32>, vector<16xf32>
    }
    %scan3A_247 = arith.constant 64 : i32
    %dma_start3A_248 = arith.constant 2 : i32
    %dma_start3A_249 = arith.constant 0 : i32
    %dma_start3A_250 = tpu.memref_slice %arg6[%dma_start3A_248, %dma_start3A_249] : memref<4x64xi32, #tpu.memory_space<vmem>> -> memref<1x64xi32, #tpu.memory_space<vmem>>
    %dma_start3A_251 = tpu.memref_squeeze %dma_start3A_250 : memref<1x64xi32, #tpu.memory_space<vmem>> -> memref<64xi32, #tpu.memory_space<vmem>>
    %dma_start3A_252 = arith.constant 0 : i32
    %dma_start3A_253 = arith.constant 0 : i32
    %dma_start3A_254 = tpu.memref_slice %arg3[%dma_start3A_252, %dma_start3A_253] : memref<100000x768xf32, #tpu.memory_space<hbm>> -> memref<100000x768xf32, #tpu.memory_space<hbm>>
    tpu.enqueue_indirect_dma source(%dma_start3A_254 : memref<100000x768xf32, #tpu.memory_space<hbm>>) target(%arg7 : memref<64x768xf32, #tpu.memory_space<vmem>>) offsets(%dma_start3A_251 : memref<64xi32, #tpu.memory_space<vmem>>) semaphore(%arg11 : memref<!tpu.dma_semaphore, #tpu.memory_space<semaphore_mem>>)
    %dma_wait3A_255 = arith.constant 1 : i32
    %dma_wait3A_256 = arith.constant 0 : i32
    %dma_wait3A_257 = tpu.memref_slice %arg6[%dma_wait3A_255, %dma_wait3A_256] : memref<4x64xi32, #tpu.memory_space<vmem>> -> memref<1x64xi32, #tpu.memory_space<vmem>>
    %dma_wait3A_258 = tpu.memref_squeeze %dma_wait3A_257 : memref<1x64xi32, #tpu.memory_space<vmem>> -> memref<64xi32, #tpu.memory_space<vmem>>
    %dma_wait3A_259 = arith.constant 0 : i32
    %dma_wait3A_260 = arith.constant 0 : i32
    %dma_wait3A_261 = tpu.memref_slice %arg3[%dma_wait3A_259, %dma_wait3A_260] : memref<100000x768xf32, #tpu.memory_space<hbm>> -> memref<100000x768xf32, #tpu.memory_space<hbm>>
    tpu.wait_indirect_dma semaphore(%arg12 : memref<!tpu.dma_semaphore, #tpu.memory_space<semaphore_mem>>) src(%dma_wait3A_261 : memref<100000x768xf32, #tpu.memory_space<hbm>>) dst(%arg8 : memref<64x768xf32, #tpu.memory_space<vmem>>)
    %scan3A_262 = arith.constant 0 : i32
    %scan3A_263 = arith.constant 64 : i32
    %scan3A_264 = arith.addi %scan3A_262, %scan3A_263 : i32
    %scan3A_265 = arith.constant 1 : i32
    %scan3A_266:48 = scf.for %scan3A_563 = %scan3A_262 to %scan3A_264 step %scan3A_265 iter_args(%scan3A_564 = %scan3A_246#0, %scan3A_565 = %scan3A_246#1, %scan3A_566 = %scan3A_246#2, %scan3A_567 = %scan3A_246#3, %scan3A_568 = %scan3A_246#4, %scan3A_569 = %scan3A_246#5, %scan3A_570 = %scan3A_246#6, %scan3A_571 = %scan3A_246#7, %scan3A_572 = %scan3A_246#8, %scan3A_573 = %scan3A_246#9, %scan3A_574 = %scan3A_246#10, %scan3A_575 = %scan3A_246#11, %scan3A_576 = %scan3A_246#12, %scan3A_577 = %scan3A_246#13, %scan3A_578 = %scan3A_246#14, %scan3A_579 = %scan3A_246#15, %scan3A_580 = %scan3A_246#16, %scan3A_581 = %scan3A_246#17, %scan3A_582 = %scan3A_246#18, %scan3A_583 = %scan3A_246#19, %scan3A_584 = %scan3A_246#20, %scan3A_585 = %scan3A_246#21, %scan3A_586 = %scan3A_246#22, %scan3A_587 = %scan3A_246#23, %scan3A_588 = %scan3A_246#24, %scan3A_589 = %scan3A_246#25, %scan3A_590 = %scan3A_246#26, %scan3A_591 = %scan3A_246#27, %scan3A_592 = %scan3A_246#28, %scan3A_593 = %scan3A_246#29, %scan3A_594 = %scan3A_246#30, %scan3A_595 = %scan3A_246#31, %scan3A_596 = %scan3A_246#32, %scan3A_597 = %scan3A_246#33, %scan3A_598 = %scan3A_246#34, %scan3A_599 = %scan3A_246#35, %scan3A_600 = %scan3A_246#36, %scan3A_601 = %scan3A_246#37, %scan3A_602 = %scan3A_246#38, %scan3A_603 = %scan3A_246#39, %scan3A_604 = %scan3A_246#40, %scan3A_605 = %scan3A_246#41, %scan3A_606 = %scan3A_246#42, %scan3A_607 = %scan3A_246#43, %scan3A_608 = %scan3A_246#44, %scan3A_609 = %scan3A_246#45, %scan3A_610 = %scan3A_246#46, %scan3A_611 = %scan3A_246#47) -> (vector<16xf32>, vector<16xf32>, vector<16xf32>, vector<16xf32>, vector<16xf32>, vector<16xf32>, vector<16xf32>, vector<16xf32>, vector<16xf32>, vector<16xf32>, vector<16xf32>, vector<16xf32>, vector<16xf32>, vector<16xf32>, vector<16xf32>, vector<16xf32>, vector<16xf32>, vector<16xf32>, vector<16xf32>, vector<16xf32>, vector<16xf32>, vector<16xf32>, vector<16xf32>, vector<16xf32>, vector<16xf32>, vector<16xf32>, vector<16xf32>, vector<16xf32>, vector<16xf32>, vector<16xf32>, vector<16xf32>, vector<16xf32>, vector<16xf32>, vector<16xf32>, vector<16xf32>, vector<16xf32>, vector<16xf32>, vector<16xf32>, vector<16xf32>, vector<16xf32>, vector<16xf32>, vector<16xf32>, vector<16xf32>, vector<16xf32>, vector<16xf32>, vector<16xf32>, vector<16xf32>, vector<16xf32>)  : i32 {
      %get3A_612 = arith.index_cast %scan3A_563 : i32 to index
      %get3A_613 = arith.constant 0 : index
      %get3A_614 = tpu.vector_load %arg8[%get3A_612, %get3A_613] {strides = array<i32>} : memref<64x768xf32, #tpu.memory_space<vmem>>, vector<1x16xf32>,
      %get3A_615 = vector.shape_cast %get3A_614 : vector<1x16xf32> to vector<16xf32>
      %add3A_616 = arith.addf %scan3A_564, %get3A_615 : vector<16xf32>
      %get3A_617 = arith.index_cast %scan3A_563 : i32 to index
      %get3A_618 = arith.constant 16 : index
      %get3A_619 = tpu.vector_load %arg8[%get3A_617, %get3A_618] {strides = array<i32>} : memref<64x768xf32, #tpu.memory_space<vmem>>, vector<1x16xf32>,
      %get3A_620 = vector.shape_cast %get3A_619 : vector<1x16xf32> to vector<16xf32>
      %add3A_621 = arith.addf %scan3A_565, %get3A_620 : vector<16xf32>
      %get3A_622 = arith.index_cast %scan3A_563 : i32 to index
      %get3A_623 = arith.constant 32 : index
      %get3A_624 = tpu.vector_load %arg8[%get3A_622, %get3A_623] {strides = array<i32>} : memref<64x768xf32, #tpu.memory_space<vmem>>, vector<1x16xf32>,
      %get3A_625 = vector.shape_cast %get3A_624 : vector<1x16xf32> to vector<16xf32>
      %add3A_626 = arith.addf %scan3A_566, %get3A_625 : vector<16xf32>
      %get3A_627 = arith.index_cast %scan3A_563 : i32 to index
      %get3A_628 = arith.constant 48 : index
      %get3A_629 = tpu.vector_load %arg8[%get3A_627, %get3A_628] {strides = array<i32>} : memref<64x768xf32, #tpu.memory_space<vmem>>, vector<1x16xf32>,
      %get3A_630 = vector.shape_cast %get3A_629 : vector<1x16xf32> to vector<16xf32>
      %add3A_631 = arith.addf %scan3A_567, %get3A_630 : vector<16xf32>
      %get3A_632 = arith.index_cast %scan3A_563 : i32 to index
      %get3A_633 = arith.constant 64 : index
      %get3A_634 = tpu.vector_load %arg8[%get3A_632, %get3A_633] {strides = array<i32>} : memref<64x768xf32, #tpu.memory_space<vmem>>, vector<1x16xf32>,
      %get3A_635 = vector.shape_cast %get3A_634 : vector<1x16xf32> to vector<16xf32>
      %add3A_636 = arith.addf %scan3A_568, %get3A_635 : vector<16xf32>
      %get3A_637 = arith.index_cast %scan3A_563 : i32 to index
      %get3A_638 = arith.constant 80 : index
      %get3A_639 = tpu.vector_load %arg8[%get3A_637, %get3A_638] {strides = array<i32>} : memref<64x768xf32, #tpu.memory_space<vmem>>, vector<1x16xf32>,
      %get3A_640 = vector.shape_cast %get3A_639 : vector<1x16xf32> to vector<16xf32>
      %add3A_641 = arith.addf %scan3A_569, %get3A_640 : vector<16xf32>
      %get3A_642 = arith.index_cast %scan3A_563 : i32 to index
      %get3A_643 = arith.constant 96 : index
      %get3A_644 = tpu.vector_load %arg8[%get3A_642, %get3A_643] {strides = array<i32>} : memref<64x768xf32, #tpu.memory_space<vmem>>, vector<1x16xf32>,
      %get3A_645 = vector.shape_cast %get3A_644 : vector<1x16xf32> to vector<16xf32>
      %add3A_646 = arith.addf %scan3A_570, %get3A_645 : vector<16xf32>
      %get3A_647 = arith.index_cast %scan3A_563 : i32 to index
      %get3A_648 = arith.constant 112 : index
      %get3A_649 = tpu.vector_load %arg8[%get3A_647, %get3A_648] {strides = array<i32>} : memref<64x768xf32, #tpu.memory_space<vmem>>, vector<1x16xf32>,
      %get3A_650 = vector.shape_cast %get3A_649 : vector<1x16xf32> to vector<16xf32>
      %add3A_651 = arith.addf %scan3A_571, %get3A_650 : vector<16xf32>
      %get3A_652 = arith.index_cast %scan3A_563 : i32 to index
      %get3A_653 = arith.constant 128 : index
      %get3A_654 = tpu.vector_load %arg8[%get3A_652, %get3A_653] {strides = array<i32>} : memref<64x768xf32, #tpu.memory_space<vmem>>, vector<1x16xf32>,
      %get3A_655 = vector.shape_cast %get3A_654 : vector<1x16xf32> to vector<16xf32>
      %add3A_656 = arith.addf %scan3A_572, %get3A_655 : vector<16xf32>
      %get3A_657 = arith.index_cast %scan3A_563 : i32 to index
      %get3A_658 = arith.constant 144 : index
      %get3A_659 = tpu.vector_load %arg8[%get3A_657, %get3A_658] {strides = array<i32>} : memref<64x768xf32, #tpu.memory_space<vmem>>, vector<1x16xf32>,
      %get3A_660 = vector.shape_cast %get3A_659 : vector<1x16xf32> to vector<16xf32>
      %add3A_661 = arith.addf %scan3A_573, %get3A_660 : vector<16xf32>
      %get3A_662 = arith.index_cast %scan3A_563 : i32 to index
      %get3A_663 = arith.constant 160 : index
      %get3A_664 = tpu.vector_load %arg8[%get3A_662, %get3A_663] {strides = array<i32>} : memref<64x768xf32, #tpu.memory_space<vmem>>, vector<1x16xf32>,
      %get3A_665 = vector.shape_cast %get3A_664 : vector<1x16xf32> to vector<16xf32>
      %add3A_666 = arith.addf %scan3A_574, %get3A_665 : vector<16xf32>
      %get3A_667 = arith.index_cast %scan3A_563 : i32 to index
      %get3A_668 = arith.constant 176 : index
      %get3A_669 = tpu.vector_load %arg8[%get3A_667, %get3A_668] {strides = array<i32>} : memref<64x768xf32, #tpu.memory_space<vmem>>, vector<1x16xf32>,
      %get3A_670 = vector.shape_cast %get3A_669 : vector<1x16xf32> to vector<16xf32>
      %add3A_671 = arith.addf %scan3A_575, %get3A_670 : vector<16xf32>
      %get3A_672 = arith.index_cast %scan3A_563 : i32 to index
      %get3A_673 = arith.constant 192 : index
      %get3A_674 = tpu.vector_load %arg8[%get3A_672, %get3A_673] {strides = array<i32>} : memref<64x768xf32, #tpu.memory_space<vmem>>, vector<1x16xf32>,
      %get3A_675 = vector.shape_cast %get3A_674 : vector<1x16xf32> to vector<16xf32>
      %add3A_676 = arith.addf %scan3A_576, %get3A_675 : vector<16xf32>
      %get3A_677 = arith.index_cast %scan3A_563 : i32 to index
      %get3A_678 = arith.constant 208 : index
      %get3A_679 = tpu.vector_load %arg8[%get3A_677, %get3A_678] {strides = array<i32>} : memref<64x768xf32, #tpu.memory_space<vmem>>, vector<1x16xf32>,
      %get3A_680 = vector.shape_cast %get3A_679 : vector<1x16xf32> to vector<16xf32>
      %add3A_681 = arith.addf %scan3A_577, %get3A_680 : vector<16xf32>
      %get3A_682 = arith.index_cast %scan3A_563 : i32 to index
      %get3A_683 = arith.constant 224 : index
      %get3A_684 = tpu.vector_load %arg8[%get3A_682, %get3A_683] {strides = array<i32>} : memref<64x768xf32, #tpu.memory_space<vmem>>, vector<1x16xf32>,
      %get3A_685 = vector.shape_cast %get3A_684 : vector<1x16xf32> to vector<16xf32>
      %add3A_686 = arith.addf %scan3A_578, %get3A_685 : vector<16xf32>
      %get3A_687 = arith.index_cast %scan3A_563 : i32 to index
      %get3A_688 = arith.constant 240 : index
      %get3A_689 = tpu.vector_load %arg8[%get3A_687, %get3A_688] {strides = array<i32>} : memref<64x768xf32, #tpu.memory_space<vmem>>, vector<1x16xf32>,
      %get3A_690 = vector.shape_cast %get3A_689 : vector<1x16xf32> to vector<16xf32>
      %add3A_691 = arith.addf %scan3A_579, %get3A_690 : vector<16xf32>
      %get3A_692 = arith.index_cast %scan3A_563 : i32 to index
      %get3A_693 = arith.constant 256 : index
      %get3A_694 = tpu.vector_load %arg8[%get3A_692, %get3A_693] {strides = array<i32>} : memref<64x768xf32, #tpu.memory_space<vmem>>, vector<1x16xf32>,
      %get3A_695 = vector.shape_cast %get3A_694 : vector<1x16xf32> to vector<16xf32>
      %add3A_696 = arith.addf %scan3A_580, %get3A_695 : vector<16xf32>
      %get3A_697 = arith.index_cast %scan3A_563 : i32 to index
      %get3A_698 = arith.constant 272 : index
      %get3A_699 = tpu.vector_load %arg8[%get3A_697, %get3A_698] {strides = array<i32>} : memref<64x768xf32, #tpu.memory_space<vmem>>, vector<1x16xf32>,
      %get3A_700 = vector.shape_cast %get3A_699 : vector<1x16xf32> to vector<16xf32>
      %add3A_701 = arith.addf %scan3A_581, %get3A_700 : vector<16xf32>
      %get3A_702 = arith.index_cast %scan3A_563 : i32 to index
      %get3A_703 = arith.constant 288 : index
      %get3A_704 = tpu.vector_load %arg8[%get3A_702, %get3A_703] {strides = array<i32>} : memref<64x768xf32, #tpu.memory_space<vmem>>, vector<1x16xf32>,
      %get3A_705 = vector.shape_cast %get3A_704 : vector<1x16xf32> to vector<16xf32>
      %add3A_706 = arith.addf %scan3A_582, %get3A_705 : vector<16xf32>
      %get3A_707 = arith.index_cast %scan3A_563 : i32 to index
      %get3A_708 = arith.constant 304 : index
      %get3A_709 = tpu.vector_load %arg8[%get3A_707, %get3A_708] {strides = array<i32>} : memref<64x768xf32, #tpu.memory_space<vmem>>, vector<1x16xf32>,
      %get3A_710 = vector.shape_cast %get3A_709 : vector<1x16xf32> to vector<16xf32>
      %add3A_711 = arith.addf %scan3A_583, %get3A_710 : vector<16xf32>
      %get3A_712 = arith.index_cast %scan3A_563 : i32 to index
      %get3A_713 = arith.constant 320 : index
      %get3A_714 = tpu.vector_load %arg8[%get3A_712, %get3A_713] {strides = array<i32>} : memref<64x768xf32, #tpu.memory_space<vmem>>, vector<1x16xf32>,
      %get3A_715 = vector.shape_cast %get3A_714 : vector<1x16xf32> to vector<16xf32>
      %add3A_716 = arith.addf %scan3A_584, %get3A_715 : vector<16xf32>
      %get3A_717 = arith.index_cast %scan3A_563 : i32 to index
      %get3A_718 = arith.constant 336 : index
      %get3A_719 = tpu.vector_load %arg8[%get3A_717, %get3A_718] {strides = array<i32>} : memref<64x768xf32, #tpu.memory_space<vmem>>, vector<1x16xf32>,
      %get3A_720 = vector.shape_cast %get3A_719 : vector<1x16xf32> to vector<16xf32>
      %add3A_721 = arith.addf %scan3A_585, %get3A_720 : vector<16xf32>
      %get3A_722 = arith.index_cast %scan3A_563 : i32 to index
      %get3A_723 = arith.constant 352 : index
      %get3A_724 = tpu.vector_load %arg8[%get3A_722, %get3A_723] {strides = array<i32>} : memref<64x768xf32, #tpu.memory_space<vmem>>, vector<1x16xf32>,
      %get3A_725 = vector.shape_cast %get3A_724 : vector<1x16xf32> to vector<16xf32>
      %add3A_726 = arith.addf %scan3A_586, %get3A_725 : vector<16xf32>
      %get3A_727 = arith.index_cast %scan3A_563 : i32 to index
      %get3A_728 = arith.constant 368 : index
      %get3A_729 = tpu.vector_load %arg8[%get3A_727, %get3A_728] {strides = array<i32>} : memref<64x768xf32, #tpu.memory_space<vmem>>, vector<1x16xf32>,
      %get3A_730 = vector.shape_cast %get3A_729 : vector<1x16xf32> to vector<16xf32>
      %add3A_731 = arith.addf %scan3A_587, %get3A_730 : vector<16xf32>
      %get3A_732 = arith.index_cast %scan3A_563 : i32 to index
      %get3A_733 = arith.constant 384 : index
      %get3A_734 = tpu.vector_load %arg8[%get3A_732, %get3A_733] {strides = array<i32>} : memref<64x768xf32, #tpu.memory_space<vmem>>, vector<1x16xf32>,
      %get3A_735 = vector.shape_cast %get3A_734 : vector<1x16xf32> to vector<16xf32>
      %add3A_736 = arith.addf %scan3A_588, %get3A_735 : vector<16xf32>
      %get3A_737 = arith.index_cast %scan3A_563 : i32 to index
      %get3A_738 = arith.constant 400 : index
      %get3A_739 = tpu.vector_load %arg8[%get3A_737, %get3A_738] {strides = array<i32>} : memref<64x768xf32, #tpu.memory_space<vmem>>, vector<1x16xf32>,
      %get3A_740 = vector.shape_cast %get3A_739 : vector<1x16xf32> to vector<16xf32>
      %add3A_741 = arith.addf %scan3A_589, %get3A_740 : vector<16xf32>
      %get3A_742 = arith.index_cast %scan3A_563 : i32 to index
      %get3A_743 = arith.constant 416 : index
      %get3A_744 = tpu.vector_load %arg8[%get3A_742, %get3A_743] {strides = array<i32>} : memref<64x768xf32, #tpu.memory_space<vmem>>, vector<1x16xf32>,
      %get3A_745 = vector.shape_cast %get3A_744 : vector<1x16xf32> to vector<16xf32>
      %add3A_746 = arith.addf %scan3A_590, %get3A_745 : vector<16xf32>
      %get3A_747 = arith.index_cast %scan3A_563 : i32 to index
      %get3A_748 = arith.constant 432 : index
      %get3A_749 = tpu.vector_load %arg8[%get3A_747, %get3A_748] {strides = array<i32>} : memref<64x768xf32, #tpu.memory_space<vmem>>, vector<1x16xf32>,
      %get3A_750 = vector.shape_cast %get3A_749 : vector<1x16xf32> to vector<16xf32>
      %add3A_751 = arith.addf %scan3A_591, %get3A_750 : vector<16xf32>
      %get3A_752 = arith.index_cast %scan3A_563 : i32 to index
      %get3A_753 = arith.constant 448 : index
      %get3A_754 = tpu.vector_load %arg8[%get3A_752, %get3A_753] {strides = array<i32>} : memref<64x768xf32, #tpu.memory_space<vmem>>, vector<1x16xf32>,
      %get3A_755 = vector.shape_cast %get3A_754 : vector<1x16xf32> to vector<16xf32>
      %add3A_756 = arith.addf %scan3A_592, %get3A_755 : vector<16xf32>
      %get3A_757 = arith.index_cast %scan3A_563 : i32 to index
      %get3A_758 = arith.constant 464 : index
      %get3A_759 = tpu.vector_load %arg8[%get3A_757, %get3A_758] {strides = array<i32>} : memref<64x768xf32, #tpu.memory_space<vmem>>, vector<1x16xf32>,
      %get3A_760 = vector.shape_cast %get3A_759 : vector<1x16xf32> to vector<16xf32>
      %add3A_761 = arith.addf %scan3A_593, %get3A_760 : vector<16xf32>
      %get3A_762 = arith.index_cast %scan3A_563 : i32 to index
      %get3A_763 = arith.constant 480 : index
      %get3A_764 = tpu.vector_load %arg8[%get3A_762, %get3A_763] {strides = array<i32>} : memref<64x768xf32, #tpu.memory_space<vmem>>, vector<1x16xf32>,
      %get3A_765 = vector.shape_cast %get3A_764 : vector<1x16xf32> to vector<16xf32>
      %add3A_766 = arith.addf %scan3A_594, %get3A_765 : vector<16xf32>
      %get3A_767 = arith.index_cast %scan3A_563 : i32 to index
      %get3A_768 = arith.constant 496 : index
      %get3A_769 = tpu.vector_load %arg8[%get3A_767, %get3A_768] {strides = array<i32>} : memref<64x768xf32, #tpu.memory_space<vmem>>, vector<1x16xf32>,
      %get3A_770 = vector.shape_cast %get3A_769 : vector<1x16xf32> to vector<16xf32>
      %add3A_771 = arith.addf %scan3A_595, %get3A_770 : vector<16xf32>
      %get3A_772 = arith.index_cast %scan3A_563 : i32 to index
      %get3A_773 = arith.constant 512 : index
      %get3A_774 = tpu.vector_load %arg8[%get3A_772, %get3A_773] {strides = array<i32>} : memref<64x768xf32, #tpu.memory_space<vmem>>, vector<1x16xf32>,
      %get3A_775 = vector.shape_cast %get3A_774 : vector<1x16xf32> to vector<16xf32>
      %add3A_776 = arith.addf %scan3A_596, %get3A_775 : vector<16xf32>
      %get3A_777 = arith.index_cast %scan3A_563 : i32 to index
      %get3A_778 = arith.constant 528 : index
      %get3A_779 = tpu.vector_load %arg8[%get3A_777, %get3A_778] {strides = array<i32>} : memref<64x768xf32, #tpu.memory_space<vmem>>, vector<1x16xf32>,
      %get3A_780 = vector.shape_cast %get3A_779 : vector<1x16xf32> to vector<16xf32>
      %add3A_781 = arith.addf %scan3A_597, %get3A_780 : vector<16xf32>
      %get3A_782 = arith.index_cast %scan3A_563 : i32 to index
      %get3A_783 = arith.constant 544 : index
      %get3A_784 = tpu.vector_load %arg8[%get3A_782, %get3A_783] {strides = array<i32>} : memref<64x768xf32, #tpu.memory_space<vmem>>, vector<1x16xf32>,
      %get3A_785 = vector.shape_cast %get3A_784 : vector<1x16xf32> to vector<16xf32>
      %add3A_786 = arith.addf %scan3A_598, %get3A_785 : vector<16xf32>
      %get3A_787 = arith.index_cast %scan3A_563 : i32 to index
      %get3A_788 = arith.constant 560 : index
      %get3A_789 = tpu.vector_load %arg8[%get3A_787, %get3A_788] {strides = array<i32>} : memref<64x768xf32, #tpu.memory_space<vmem>>, vector<1x16xf32>,
      %get3A_790 = vector.shape_cast %get3A_789 : vector<1x16xf32> to vector<16xf32>
      %add3A_791 = arith.addf %scan3A_599, %get3A_790 : vector<16xf32>
      %get3A_792 = arith.index_cast %scan3A_563 : i32 to index
      %get3A_793 = arith.constant 576 : index
      %get3A_794 = tpu.vector_load %arg8[%get3A_792, %get3A_793] {strides = array<i32>} : memref<64x768xf32, #tpu.memory_space<vmem>>, vector<1x16xf32>,
      %get3A_795 = vector.shape_cast %get3A_794 : vector<1x16xf32> to vector<16xf32>
      %add3A_796 = arith.addf %scan3A_600, %get3A_795 : vector<16xf32>
      %get3A_797 = arith.index_cast %scan3A_563 : i32 to index
      %get3A_798 = arith.constant 592 : index
      %get3A_799 = tpu.vector_load %arg8[%get3A_797, %get3A_798] {strides = array<i32>} : memref<64x768xf32, #tpu.memory_space<vmem>>, vector<1x16xf32>,
      %get3A_800 = vector.shape_cast %get3A_799 : vector<1x16xf32> to vector<16xf32>
      %add3A_801 = arith.addf %scan3A_601, %get3A_800 : vector<16xf32>
      %get3A_802 = arith.index_cast %scan3A_563 : i32 to index
      %get3A_803 = arith.constant 608 : index
      %get3A_804 = tpu.vector_load %arg8[%get3A_802, %get3A_803] {strides = array<i32>} : memref<64x768xf32, #tpu.memory_space<vmem>>, vector<1x16xf32>,
      %get3A_805 = vector.shape_cast %get3A_804 : vector<1x16xf32> to vector<16xf32>
      %add3A_806 = arith.addf %scan3A_602, %get3A_805 : vector<16xf32>
      %get3A_807 = arith.index_cast %scan3A_563 : i32 to index
      %get3A_808 = arith.constant 624 : index
      %get3A_809 = tpu.vector_load %arg8[%get3A_807, %get3A_808] {strides = array<i32>} : memref<64x768xf32, #tpu.memory_space<vmem>>, vector<1x16xf32>,
      %get3A_810 = vector.shape_cast %get3A_809 : vector<1x16xf32> to vector<16xf32>
      %add3A_811 = arith.addf %scan3A_603, %get3A_810 : vector<16xf32>
      %get3A_812 = arith.index_cast %scan3A_563 : i32 to index
      %get3A_813 = arith.constant 640 : index
      %get3A_814 = tpu.vector_load %arg8[%get3A_812, %get3A_813] {strides = array<i32>} : memref<64x768xf32, #tpu.memory_space<vmem>>, vector<1x16xf32>,
      %get3A_815 = vector.shape_cast %get3A_814 : vector<1x16xf32> to vector<16xf32>
      %add3A_816 = arith.addf %scan3A_604, %get3A_815 : vector<16xf32>
      %get3A_817 = arith.index_cast %scan3A_563 : i32 to index
      %get3A_818 = arith.constant 656 : index
      %get3A_819 = tpu.vector_load %arg8[%get3A_817, %get3A_818] {strides = array<i32>} : memref<64x768xf32, #tpu.memory_space<vmem>>, vector<1x16xf32>,
      %get3A_820 = vector.shape_cast %get3A_819 : vector<1x16xf32> to vector<16xf32>
      %add3A_821 = arith.addf %scan3A_605, %get3A_820 : vector<16xf32>
      %get3A_822 = arith.index_cast %scan3A_563 : i32 to index
      %get3A_823 = arith.constant 672 : index
      %get3A_824 = tpu.vector_load %arg8[%get3A_822, %get3A_823] {strides = array<i32>} : memref<64x768xf32, #tpu.memory_space<vmem>>, vector<1x16xf32>,
      %get3A_825 = vector.shape_cast %get3A_824 : vector<1x16xf32> to vector<16xf32>
      %add3A_826 = arith.addf %scan3A_606, %get3A_825 : vector<16xf32>
      %get3A_827 = arith.index_cast %scan3A_563 : i32 to index
      %get3A_828 = arith.constant 688 : index
      %get3A_829 = tpu.vector_load %arg8[%get3A_827, %get3A_828] {strides = array<i32>} : memref<64x768xf32, #tpu.memory_space<vmem>>, vector<1x16xf32>,
      %get3A_830 = vector.shape_cast %get3A_829 : vector<1x16xf32> to vector<16xf32>
      %add3A_831 = arith.addf %scan3A_607, %get3A_830 : vector<16xf32>
      %get3A_832 = arith.index_cast %scan3A_563 : i32 to index
      %get3A_833 = arith.constant 704 : index
      %get3A_834 = tpu.vector_load %arg8[%get3A_832, %get3A_833] {strides = array<i32>} : memref<64x768xf32, #tpu.memory_space<vmem>>, vector<1x16xf32>,
      %get3A_835 = vector.shape_cast %get3A_834 : vector<1x16xf32> to vector<16xf32>
      %add3A_836 = arith.addf %scan3A_608, %get3A_835 : vector<16xf32>
      %get3A_837 = arith.index_cast %scan3A_563 : i32 to index
      %get3A_838 = arith.constant 720 : index
      %get3A_839 = tpu.vector_load %arg8[%get3A_837, %get3A_838] {strides = array<i32>} : memref<64x768xf32, #tpu.memory_space<vmem>>, vector<1x16xf32>,
      %get3A_840 = vector.shape_cast %get3A_839 : vector<1x16xf32> to vector<16xf32>
      %add3A_841 = arith.addf %scan3A_609, %get3A_840 : vector<16xf32>
      %get3A_842 = arith.index_cast %scan3A_563 : i32 to index
      %get3A_843 = arith.constant 736 : index
      %get3A_844 = tpu.vector_load %arg8[%get3A_842, %get3A_843] {strides = array<i32>} : memref<64x768xf32, #tpu.memory_space<vmem>>, vector<1x16xf32>,
      %get3A_845 = vector.shape_cast %get3A_844 : vector<1x16xf32> to vector<16xf32>
      %add3A_846 = arith.addf %scan3A_610, %get3A_845 : vector<16xf32>
      %get3A_847 = arith.index_cast %scan3A_563 : i32 to index
      %get3A_848 = arith.constant 752 : index
      %get3A_849 = tpu.vector_load %arg8[%get3A_847, %get3A_848] {strides = array<i32>} : memref<64x768xf32, #tpu.memory_space<vmem>>, vector<1x16xf32>,
      %get3A_850 = vector.shape_cast %get3A_849 : vector<1x16xf32> to vector<16xf32>
      %add3A_851 = arith.addf %scan3A_611, %get3A_850 : vector<16xf32>
      scf.yield %add3A_616, %add3A_621, %add3A_626, %add3A_631, %add3A_636, %add3A_641, %add3A_646, %add3A_651, %add3A_656, %add3A_661, %add3A_666, %add3A_671, %add3A_676, %add3A_681, %add3A_686, %add3A_691, %add3A_696, %add3A_701, %add3A_706, %add3A_711, %add3A_716, %add3A_721, %add3A_726, %add3A_731, %add3A_736, %add3A_741, %add3A_746, %add3A_751, %add3A_756, %add3A_761, %add3A_766, %add3A_771, %add3A_776, %add3A_781, %add3A_786, %add3A_791, %add3A_796, %add3A_801, %add3A_806, %add3A_811, %add3A_816, %add3A_821, %add3A_826, %add3A_831, %add3A_836, %add3A_841, %add3A_846, %add3A_851 : vector<16xf32>, vector<16xf32>, vector<16xf32>, vector<16xf32>, vector<16xf32>, vector<16xf32>, vector<16xf32>, vector<16xf32>, vector<16xf32>, vector<16xf32>, vector<16xf32>, vector<16xf32>, vector<16xf32>, vector<16xf32>, vector<16xf32>, vector<16xf32>, vector<16xf32>, vector<16xf32>, vector<16xf32>, vector<16xf32>, vector<16xf32>, vector<16xf32>, vector<16xf32>, vector<16xf32>, vector<16xf32>, vector<16xf32>, vector<16xf32>, vector<16xf32>, vector<16xf32>, vector<16xf32>, vector<16xf32>, vector<16xf32>, vector<16xf32>, vector<16xf32>, vector<16xf32>, vector<16xf32>, vector<16xf32>, vector<16xf32>, vector<16xf32>, vector<16xf32>, vector<16xf32>, vector<16xf32>, vector<16xf32>, vector<16xf32>, vector<16xf32>, vector<16xf32>, vector<16xf32>, vector<16xf32>
    }
    %scan3A_267 = arith.constant 64 : i32
    %dma_start3A_268 = arith.constant 3 : i32
    %dma_start3A_269 = arith.constant 0 : i32
    %dma_start3A_270 = tpu.memref_slice %arg6[%dma_start3A_268, %dma_start3A_269] : memref<4x64xi32, #tpu.memory_space<vmem>> -> memref<1x64xi32, #tpu.memory_space<vmem>>
    %dma_start3A_271 = tpu.memref_squeeze %dma_start3A_270 : memref<1x64xi32, #tpu.memory_space<vmem>> -> memref<64xi32, #tpu.memory_space<vmem>>
    %dma_start3A_272 = arith.constant 0 : i32
    %dma_start3A_273 = arith.constant 0 : i32
    %dma_start3A_274 = tpu.memref_slice %arg3[%dma_start3A_272, %dma_start3A_273] : memref<100000x768xf32, #tpu.memory_space<hbm>> -> memref<100000x768xf32, #tpu.memory_space<hbm>>
    tpu.enqueue_indirect_dma source(%dma_start3A_274 : memref<100000x768xf32, #tpu.memory_space<hbm>>) target(%arg8 : memref<64x768xf32, #tpu.memory_space<vmem>>) offsets(%dma_start3A_271 : memref<64xi32, #tpu.memory_space<vmem>>) semaphore(%arg12 : memref<!tpu.dma_semaphore, #tpu.memory_space<semaphore_mem>>)
    %dma_wait3A_275 = arith.constant 2 : i32
    %dma_wait3A_276 = arith.constant 0 : i32
    %dma_wait3A_277 = tpu.memref_slice %arg6[%dma_wait3A_275, %dma_wait3A_276] : memref<4x64xi32, #tpu.memory_space<vmem>> -> memref<1x64xi32, #tpu.memory_space<vmem>>
    %dma_wait3A_278 = tpu.memref_squeeze %dma_wait3A_277 : memref<1x64xi32, #tpu.memory_space<vmem>> -> memref<64xi32, #tpu.memory_space<vmem>>
    %dma_wait3A_279 = arith.constant 0 : i32
    %dma_wait3A_280 = arith.constant 0 : i32
    %dma_wait3A_281 = tpu.memref_slice %arg3[%dma_wait3A_279, %dma_wait3A_280] : memref<100000x768xf32, #tpu.memory_space<hbm>> -> memref<100000x768xf32, #tpu.memory_space<hbm>>
    tpu.wait_indirect_dma semaphore(%arg11 : memref<!tpu.dma_semaphore, #tpu.memory_space<semaphore_mem>>) src(%dma_wait3A_281 : memref<100000x768xf32, #tpu.memory_space<hbm>>) dst(%arg7 : memref<64x768xf32, #tpu.memory_space<vmem>>)
    %scan3A_282 = arith.constant 0 : i32
    %scan3A_283 = arith.constant 64 : i32
    %scan3A_284 = arith.addi %scan3A_282, %scan3A_283 : i32
    %scan3A_285 = arith.constant 1 : i32
    %scan3A_286:48 = scf.for %scan3A_563 = %scan3A_282 to %scan3A_284 step %scan3A_285 iter_args(%scan3A_564 = %scan3A_266#0, %scan3A_565 = %scan3A_266#1, %scan3A_566 = %scan3A_266#2, %scan3A_567 = %scan3A_266#3, %scan3A_568 = %scan3A_266#4, %scan3A_569 = %scan3A_266#5, %scan3A_570 = %scan3A_266#6, %scan3A_571 = %scan3A_266#7, %scan3A_572 = %scan3A_266#8, %scan3A_573 = %scan3A_266#9, %scan3A_574 = %scan3A_266#10, %scan3A_575 = %scan3A_266#11, %scan3A_576 = %scan3A_266#12, %scan3A_577 = %scan3A_266#13, %scan3A_578 = %scan3A_266#14, %scan3A_579 = %scan3A_266#15, %scan3A_580 = %scan3A_266#16, %scan3A_581 = %scan3A_266#17, %scan3A_582 = %scan3A_266#18, %scan3A_583 = %scan3A_266#19, %scan3A_584 = %scan3A_266#20, %scan3A_585 = %scan3A_266#21, %scan3A_586 = %scan3A_266#22, %scan3A_587 = %scan3A_266#23, %scan3A_588 = %scan3A_266#24, %scan3A_589 = %scan3A_266#25, %scan3A_590 = %scan3A_266#26, %scan3A_591 = %scan3A_266#27, %scan3A_592 = %scan3A_266#28, %scan3A_593 = %scan3A_266#29, %scan3A_594 = %scan3A_266#30, %scan3A_595 = %scan3A_266#31, %scan3A_596 = %scan3A_266#32, %scan3A_597 = %scan3A_266#33, %scan3A_598 = %scan3A_266#34, %scan3A_599 = %scan3A_266#35, %scan3A_600 = %scan3A_266#36, %scan3A_601 = %scan3A_266#37, %scan3A_602 = %scan3A_266#38, %scan3A_603 = %scan3A_266#39, %scan3A_604 = %scan3A_266#40, %scan3A_605 = %scan3A_266#41, %scan3A_606 = %scan3A_266#42, %scan3A_607 = %scan3A_266#43, %scan3A_608 = %scan3A_266#44, %scan3A_609 = %scan3A_266#45, %scan3A_610 = %scan3A_266#46, %scan3A_611 = %scan3A_266#47) -> (vector<16xf32>, vector<16xf32>, vector<16xf32>, vector<16xf32>, vector<16xf32>, vector<16xf32>, vector<16xf32>, vector<16xf32>, vector<16xf32>, vector<16xf32>, vector<16xf32>, vector<16xf32>, vector<16xf32>, vector<16xf32>, vector<16xf32>, vector<16xf32>, vector<16xf32>, vector<16xf32>, vector<16xf32>, vector<16xf32>, vector<16xf32>, vector<16xf32>, vector<16xf32>, vector<16xf32>, vector<16xf32>, vector<16xf32>, vector<16xf32>, vector<16xf32>, vector<16xf32>, vector<16xf32>, vector<16xf32>, vector<16xf32>, vector<16xf32>, vector<16xf32>, vector<16xf32>, vector<16xf32>, vector<16xf32>, vector<16xf32>, vector<16xf32>, vector<16xf32>, vector<16xf32>, vector<16xf32>, vector<16xf32>, vector<16xf32>, vector<16xf32>, vector<16xf32>, vector<16xf32>, vector<16xf32>)  : i32 {
      %get3A_612 = arith.index_cast %scan3A_563 : i32 to index
      %get3A_613 = arith.constant 0 : index
      %get3A_614 = tpu.vector_load %arg7[%get3A_612, %get3A_613] {strides = array<i32>} : memref<64x768xf32, #tpu.memory_space<vmem>>, vector<1x16xf32>,
      %get3A_615 = vector.shape_cast %get3A_614 : vector<1x16xf32> to vector<16xf32>
      %add3A_616 = arith.addf %scan3A_564, %get3A_615 : vector<16xf32>
      %get3A_617 = arith.index_cast %scan3A_563 : i32 to index
      %get3A_618 = arith.constant 16 : index
      %get3A_619 = tpu.vector_load %arg7[%get3A_617, %get3A_618] {strides = array<i32>} : memref<64x768xf32, #tpu.memory_space<vmem>>, vector<1x16xf32>,
      %get3A_620 = vector.shape_cast %get3A_619 : vector<1x16xf32> to vector<16xf32>
      %add3A_621 = arith.addf %scan3A_565, %get3A_620 : vector<16xf32>
      %get3A_622 = arith.index_cast %scan3A_563 : i32 to index
      %get3A_623 = arith.constant 32 : index
      %get3A_624 = tpu.vector_load %arg7[%get3A_622, %get3A_623] {strides = array<i32>} : memref<64x768xf32, #tpu.memory_space<vmem>>, vector<1x16xf32>,
      %get3A_625 = vector.shape_cast %get3A_624 : vector<1x16xf32> to vector<16xf32>
      %add3A_626 = arith.addf %scan3A_566, %get3A_625 : vector<16xf32>
      %get3A_627 = arith.index_cast %scan3A_563 : i32 to index
      %get3A_628 = arith.constant 48 : index
      %get3A_629 = tpu.vector_load %arg7[%get3A_627, %get3A_628] {strides = array<i32>} : memref<64x768xf32, #tpu.memory_space<vmem>>, vector<1x16xf32>,
      %get3A_630 = vector.shape_cast %get3A_629 : vector<1x16xf32> to vector<16xf32>
      %add3A_631 = arith.addf %scan3A_567, %get3A_630 : vector<16xf32>
      %get3A_632 = arith.index_cast %scan3A_563 : i32 to index
      %get3A_633 = arith.constant 64 : index
      %get3A_634 = tpu.vector_load %arg7[%get3A_632, %get3A_633] {strides = array<i32>} : memref<64x768xf32, #tpu.memory_space<vmem>>, vector<1x16xf32>,
      %get3A_635 = vector.shape_cast %get3A_634 : vector<1x16xf32> to vector<16xf32>
      %add3A_636 = arith.addf %scan3A_568, %get3A_635 : vector<16xf32>
      %get3A_637 = arith.index_cast %scan3A_563 : i32 to index
      %get3A_638 = arith.constant 80 : index
      %get3A_639 = tpu.vector_load %arg7[%get3A_637, %get3A_638] {strides = array<i32>} : memref<64x768xf32, #tpu.memory_space<vmem>>, vector<1x16xf32>,
      %get3A_640 = vector.shape_cast %get3A_639 : vector<1x16xf32> to vector<16xf32>
      %add3A_641 = arith.addf %scan3A_569, %get3A_640 : vector<16xf32>
      %get3A_642 = arith.index_cast %scan3A_563 : i32 to index
      %get3A_643 = arith.constant 96 : index
      %get3A_644 = tpu.vector_load %arg7[%get3A_642, %get3A_643] {strides = array<i32>} : memref<64x768xf32, #tpu.memory_space<vmem>>, vector<1x16xf32>,
      %get3A_645 = vector.shape_cast %get3A_644 : vector<1x16xf32> to vector<16xf32>
      %add3A_646 = arith.addf %scan3A_570, %get3A_645 : vector<16xf32>
      %get3A_647 = arith.index_cast %scan3A_563 : i32 to index
      %get3A_648 = arith.constant 112 : index
      %get3A_649 = tpu.vector_load %arg7[%get3A_647, %get3A_648] {strides = array<i32>} : memref<64x768xf32, #tpu.memory_space<vmem>>, vector<1x16xf32>,
      %get3A_650 = vector.shape_cast %get3A_649 : vector<1x16xf32> to vector<16xf32>
      %add3A_651 = arith.addf %scan3A_571, %get3A_650 : vector<16xf32>
      %get3A_652 = arith.index_cast %scan3A_563 : i32 to index
      %get3A_653 = arith.constant 128 : index
      %get3A_654 = tpu.vector_load %arg7[%get3A_652, %get3A_653] {strides = array<i32>} : memref<64x768xf32, #tpu.memory_space<vmem>>, vector<1x16xf32>,
      %get3A_655 = vector.shape_cast %get3A_654 : vector<1x16xf32> to vector<16xf32>
      %add3A_656 = arith.addf %scan3A_572, %get3A_655 : vector<16xf32>
      %get3A_657 = arith.index_cast %scan3A_563 : i32 to index
      %get3A_658 = arith.constant 144 : index
      %get3A_659 = tpu.vector_load %arg7[%get3A_657, %get3A_658] {strides = array<i32>} : memref<64x768xf32, #tpu.memory_space<vmem>>, vector<1x16xf32>,
      %get3A_660 = vector.shape_cast %get3A_659 : vector<1x16xf32> to vector<16xf32>
      %add3A_661 = arith.addf %scan3A_573, %get3A_660 : vector<16xf32>
      %get3A_662 = arith.index_cast %scan3A_563 : i32 to index
      %get3A_663 = arith.constant 160 : index
      %get3A_664 = tpu.vector_load %arg7[%get3A_662, %get3A_663] {strides = array<i32>} : memref<64x768xf32, #tpu.memory_space<vmem>>, vector<1x16xf32>,
      %get3A_665 = vector.shape_cast %get3A_664 : vector<1x16xf32> to vector<16xf32>
      %add3A_666 = arith.addf %scan3A_574, %get3A_665 : vector<16xf32>
      %get3A_667 = arith.index_cast %scan3A_563 : i32 to index
      %get3A_668 = arith.constant 176 : index
      %get3A_669 = tpu.vector_load %arg7[%get3A_667, %get3A_668] {strides = array<i32>} : memref<64x768xf32, #tpu.memory_space<vmem>>, vector<1x16xf32>,
      %get3A_670 = vector.shape_cast %get3A_669 : vector<1x16xf32> to vector<16xf32>
      %add3A_671 = arith.addf %scan3A_575, %get3A_670 : vector<16xf32>
      %get3A_672 = arith.index_cast %scan3A_563 : i32 to index
      %get3A_673 = arith.constant 192 : index
      %get3A_674 = tpu.vector_load %arg7[%get3A_672, %get3A_673] {strides = array<i32>} : memref<64x768xf32, #tpu.memory_space<vmem>>, vector<1x16xf32>,
      %get3A_675 = vector.shape_cast %get3A_674 : vector<1x16xf32> to vector<16xf32>
      %add3A_676 = arith.addf %scan3A_576, %get3A_675 : vector<16xf32>
      %get3A_677 = arith.index_cast %scan3A_563 : i32 to index
      %get3A_678 = arith.constant 208 : index
      %get3A_679 = tpu.vector_load %arg7[%get3A_677, %get3A_678] {strides = array<i32>} : memref<64x768xf32, #tpu.memory_space<vmem>>, vector<1x16xf32>,
      %get3A_680 = vector.shape_cast %get3A_679 : vector<1x16xf32> to vector<16xf32>
      %add3A_681 = arith.addf %scan3A_577, %get3A_680 : vector<16xf32>
      %get3A_682 = arith.index_cast %scan3A_563 : i32 to index
      %get3A_683 = arith.constant 224 : index
      %get3A_684 = tpu.vector_load %arg7[%get3A_682, %get3A_683] {strides = array<i32>} : memref<64x768xf32, #tpu.memory_space<vmem>>, vector<1x16xf32>,
      %get3A_685 = vector.shape_cast %get3A_684 : vector<1x16xf32> to vector<16xf32>
      %add3A_686 = arith.addf %scan3A_578, %get3A_685 : vector<16xf32>
      %get3A_687 = arith.index_cast %scan3A_563 : i32 to index
      %get3A_688 = arith.constant 240 : index
      %get3A_689 = tpu.vector_load %arg7[%get3A_687, %get3A_688] {strides = array<i32>} : memref<64x768xf32, #tpu.memory_space<vmem>>, vector<1x16xf32>,
      %get3A_690 = vector.shape_cast %get3A_689 : vector<1x16xf32> to vector<16xf32>
      %add3A_691 = arith.addf %scan3A_579, %get3A_690 : vector<16xf32>
      %get3A_692 = arith.index_cast %scan3A_563 : i32 to index
      %get3A_693 = arith.constant 256 : index
      %get3A_694 = tpu.vector_load %arg7[%get3A_692, %get3A_693] {strides = array<i32>} : memref<64x768xf32, #tpu.memory_space<vmem>>, vector<1x16xf32>,
      %get3A_695 = vector.shape_cast %get3A_694 : vector<1x16xf32> to vector<16xf32>
      %add3A_696 = arith.addf %scan3A_580, %get3A_695 : vector<16xf32>
      %get3A_697 = arith.index_cast %scan3A_563 : i32 to index
      %get3A_698 = arith.constant 272 : index
      %get3A_699 = tpu.vector_load %arg7[%get3A_697, %get3A_698] {strides = array<i32>} : memref<64x768xf32, #tpu.memory_space<vmem>>, vector<1x16xf32>,
      %get3A_700 = vector.shape_cast %get3A_699 : vector<1x16xf32> to vector<16xf32>
      %add3A_701 = arith.addf %scan3A_581, %get3A_700 : vector<16xf32>
      %get3A_702 = arith.index_cast %scan3A_563 : i32 to index
      %get3A_703 = arith.constant 288 : index
      %get3A_704 = tpu.vector_load %arg7[%get3A_702, %get3A_703] {strides = array<i32>} : memref<64x768xf32, #tpu.memory_space<vmem>>, vector<1x16xf32>,
      %get3A_705 = vector.shape_cast %get3A_704 : vector<1x16xf32> to vector<16xf32>
      %add3A_706 = arith.addf %scan3A_582, %get3A_705 : vector<16xf32>
      %get3A_707 = arith.index_cast %scan3A_563 : i32 to index
      %get3A_708 = arith.constant 304 : index
      %get3A_709 = tpu.vector_load %arg7[%get3A_707, %get3A_708] {strides = array<i32>} : memref<64x768xf32, #tpu.memory_space<vmem>>, vector<1x16xf32>,
      %get3A_710 = vector.shape_cast %get3A_709 : vector<1x16xf32> to vector<16xf32>
      %add3A_711 = arith.addf %scan3A_583, %get3A_710 : vector<16xf32>
      %get3A_712 = arith.index_cast %scan3A_563 : i32 to index
      %get3A_713 = arith.constant 320 : index
      %get3A_714 = tpu.vector_load %arg7[%get3A_712, %get3A_713] {strides = array<i32>} : memref<64x768xf32, #tpu.memory_space<vmem>>, vector<1x16xf32>,
      %get3A_715 = vector.shape_cast %get3A_714 : vector<1x16xf32> to vector<16xf32>
      %add3A_716 = arith.addf %scan3A_584, %get3A_715 : vector<16xf32>
      %get3A_717 = arith.index_cast %scan3A_563 : i32 to index
      %get3A_718 = arith.constant 336 : index
      %get3A_719 = tpu.vector_load %arg7[%get3A_717, %get3A_718] {strides = array<i32>} : memref<64x768xf32, #tpu.memory_space<vmem>>, vector<1x16xf32>,
      %get3A_720 = vector.shape_cast %get3A_719 : vector<1x16xf32> to vector<16xf32>
      %add3A_721 = arith.addf %scan3A_585, %get3A_720 : vector<16xf32>
      %get3A_722 = arith.index_cast %scan3A_563 : i32 to index
      %get3A_723 = arith.constant 352 : index
      %get3A_724 = tpu.vector_load %arg7[%get3A_722, %get3A_723] {strides = array<i32>} : memref<64x768xf32, #tpu.memory_space<vmem>>, vector<1x16xf32>,
      %get3A_725 = vector.shape_cast %get3A_724 : vector<1x16xf32> to vector<16xf32>
      %add3A_726 = arith.addf %scan3A_586, %get3A_725 : vector<16xf32>
      %get3A_727 = arith.index_cast %scan3A_563 : i32 to index
      %get3A_728 = arith.constant 368 : index
      %get3A_729 = tpu.vector_load %arg7[%get3A_727, %get3A_728] {strides = array<i32>} : memref<64x768xf32, #tpu.memory_space<vmem>>, vector<1x16xf32>,
      %get3A_730 = vector.shape_cast %get3A_729 : vector<1x16xf32> to vector<16xf32>
      %add3A_731 = arith.addf %scan3A_587, %get3A_730 : vector<16xf32>
      %get3A_732 = arith.index_cast %scan3A_563 : i32 to index
      %get3A_733 = arith.constant 384 : index
      %get3A_734 = tpu.vector_load %arg7[%get3A_732, %get3A_733] {strides = array<i32>} : memref<64x768xf32, #tpu.memory_space<vmem>>, vector<1x16xf32>,
      %get3A_735 = vector.shape_cast %get3A_734 : vector<1x16xf32> to vector<16xf32>
      %add3A_736 = arith.addf %scan3A_588, %get3A_735 : vector<16xf32>
      %get3A_737 = arith.index_cast %scan3A_563 : i32 to index
      %get3A_738 = arith.constant 400 : index
      %get3A_739 = tpu.vector_load %arg7[%get3A_737, %get3A_738] {strides = array<i32>} : memref<64x768xf32, #tpu.memory_space<vmem>>, vector<1x16xf32>,
      %get3A_740 = vector.shape_cast %get3A_739 : vector<1x16xf32> to vector<16xf32>
      %add3A_741 = arith.addf %scan3A_589, %get3A_740 : vector<16xf32>
      %get3A_742 = arith.index_cast %scan3A_563 : i32 to index
      %get3A_743 = arith.constant 416 : index
      %get3A_744 = tpu.vector_load %arg7[%get3A_742, %get3A_743] {strides = array<i32>} : memref<64x768xf32, #tpu.memory_space<vmem>>, vector<1x16xf32>,
      %get3A_745 = vector.shape_cast %get3A_744 : vector<1x16xf32> to vector<16xf32>
      %add3A_746 = arith.addf %scan3A_590, %get3A_745 : vector<16xf32>
      %get3A_747 = arith.index_cast %scan3A_563 : i32 to index
      %get3A_748 = arith.constant 432 : index
      %get3A_749 = tpu.vector_load %arg7[%get3A_747, %get3A_748] {strides = array<i32>} : memref<64x768xf32, #tpu.memory_space<vmem>>, vector<1x16xf32>,
      %get3A_750 = vector.shape_cast %get3A_749 : vector<1x16xf32> to vector<16xf32>
      %add3A_751 = arith.addf %scan3A_591, %get3A_750 : vector<16xf32>
      %get3A_752 = arith.index_cast %scan3A_563 : i32 to index
      %get3A_753 = arith.constant 448 : index
      %get3A_754 = tpu.vector_load %arg7[%get3A_752, %get3A_753] {strides = array<i32>} : memref<64x768xf32, #tpu.memory_space<vmem>>, vector<1x16xf32>,
      %get3A_755 = vector.shape_cast %get3A_754 : vector<1x16xf32> to vector<16xf32>
      %add3A_756 = arith.addf %scan3A_592, %get3A_755 : vector<16xf32>
      %get3A_757 = arith.index_cast %scan3A_563 : i32 to index
      %get3A_758 = arith.constant 464 : index
      %get3A_759 = tpu.vector_load %arg7[%get3A_757, %get3A_758] {strides = array<i32>} : memref<64x768xf32, #tpu.memory_space<vmem>>, vector<1x16xf32>,
      %get3A_760 = vector.shape_cast %get3A_759 : vector<1x16xf32> to vector<16xf32>
      %add3A_761 = arith.addf %scan3A_593, %get3A_760 : vector<16xf32>
      %get3A_762 = arith.index_cast %scan3A_563 : i32 to index
      %get3A_763 = arith.constant 480 : index
      %get3A_764 = tpu.vector_load %arg7[%get3A_762, %get3A_763] {strides = array<i32>} : memref<64x768xf32, #tpu.memory_space<vmem>>, vector<1x16xf32>,
      %get3A_765 = vector.shape_cast %get3A_764 : vector<1x16xf32> to vector<16xf32>
      %add3A_766 = arith.addf %scan3A_594, %get3A_765 : vector<16xf32>
      %get3A_767 = arith.index_cast %scan3A_563 : i32 to index
      %get3A_768 = arith.constant 496 : index
      %get3A_769 = tpu.vector_load %arg7[%get3A_767, %get3A_768] {strides = array<i32>} : memref<64x768xf32, #tpu.memory_space<vmem>>, vector<1x16xf32>,
      %get3A_770 = vector.shape_cast %get3A_769 : vector<1x16xf32> to vector<16xf32>
      %add3A_771 = arith.addf %scan3A_595, %get3A_770 : vector<16xf32>
      %get3A_772 = arith.index_cast %scan3A_563 : i32 to index
      %get3A_773 = arith.constant 512 : index
      %get3A_774 = tpu.vector_load %arg7[%get3A_772, %get3A_773] {strides = array<i32>} : memref<64x768xf32, #tpu.memory_space<vmem>>, vector<1x16xf32>,
      %get3A_775 = vector.shape_cast %get3A_774 : vector<1x16xf32> to vector<16xf32>
      %add3A_776 = arith.addf %scan3A_596, %get3A_775 : vector<16xf32>
      %get3A_777 = arith.index_cast %scan3A_563 : i32 to index
      %get3A_778 = arith.constant 528 : index
      %get3A_779 = tpu.vector_load %arg7[%get3A_777, %get3A_778] {strides = array<i32>} : memref<64x768xf32, #tpu.memory_space<vmem>>, vector<1x16xf32>,
      %get3A_780 = vector.shape_cast %get3A_779 : vector<1x16xf32> to vector<16xf32>
      %add3A_781 = arith.addf %scan3A_597, %get3A_780 : vector<16xf32>
      %get3A_782 = arith.index_cast %scan3A_563 : i32 to index
      %get3A_783 = arith.constant 544 : index
      %get3A_784 = tpu.vector_load %arg7[%get3A_782, %get3A_783] {strides = array<i32>} : memref<64x768xf32, #tpu.memory_space<vmem>>, vector<1x16xf32>,
      %get3A_785 = vector.shape_cast %get3A_784 : vector<1x16xf32> to vector<16xf32>
      %add3A_786 = arith.addf %scan3A_598, %get3A_785 : vector<16xf32>
      %get3A_787 = arith.index_cast %scan3A_563 : i32 to index
      %get3A_788 = arith.constant 560 : index
      %get3A_789 = tpu.vector_load %arg7[%get3A_787, %get3A_788] {strides = array<i32>} : memref<64x768xf32, #tpu.memory_space<vmem>>, vector<1x16xf32>,
      %get3A_790 = vector.shape_cast %get3A_789 : vector<1x16xf32> to vector<16xf32>
      %add3A_791 = arith.addf %scan3A_599, %get3A_790 : vector<16xf32>
      %get3A_792 = arith.index_cast %scan3A_563 : i32 to index
      %get3A_793 = arith.constant 576 : index
      %get3A_794 = tpu.vector_load %arg7[%get3A_792, %get3A_793] {strides = array<i32>} : memref<64x768xf32, #tpu.memory_space<vmem>>, vector<1x16xf32>,
      %get3A_795 = vector.shape_cast %get3A_794 : vector<1x16xf32> to vector<16xf32>
      %add3A_796 = arith.addf %scan3A_600, %get3A_795 : vector<16xf32>
      %get3A_797 = arith.index_cast %scan3A_563 : i32 to index
      %get3A_798 = arith.constant 592 : index
      %get3A_799 = tpu.vector_load %arg7[%get3A_797, %get3A_798] {strides = array<i32>} : memref<64x768xf32, #tpu.memory_space<vmem>>, vector<1x16xf32>,
      %get3A_800 = vector.shape_cast %get3A_799 : vector<1x16xf32> to vector<16xf32>
      %add3A_801 = arith.addf %scan3A_601, %get3A_800 : vector<16xf32>
      %get3A_802 = arith.index_cast %scan3A_563 : i32 to index
      %get3A_803 = arith.constant 608 : index
      %get3A_804 = tpu.vector_load %arg7[%get3A_802, %get3A_803] {strides = array<i32>} : memref<64x768xf32, #tpu.memory_space<vmem>>, vector<1x16xf32>,
      %get3A_805 = vector.shape_cast %get3A_804 : vector<1x16xf32> to vector<16xf32>
      %add3A_806 = arith.addf %scan3A_602, %get3A_805 : vector<16xf32>
      %get3A_807 = arith.index_cast %scan3A_563 : i32 to index
      %get3A_808 = arith.constant 624 : index
      %get3A_809 = tpu.vector_load %arg7[%get3A_807, %get3A_808] {strides = array<i32>} : memref<64x768xf32, #tpu.memory_space<vmem>>, vector<1x16xf32>,
      %get3A_810 = vector.shape_cast %get3A_809 : vector<1x16xf32> to vector<16xf32>
      %add3A_811 = arith.addf %scan3A_603, %get3A_810 : vector<16xf32>
      %get3A_812 = arith.index_cast %scan3A_563 : i32 to index
      %get3A_813 = arith.constant 640 : index
      %get3A_814 = tpu.vector_load %arg7[%get3A_812, %get3A_813] {strides = array<i32>} : memref<64x768xf32, #tpu.memory_space<vmem>>, vector<1x16xf32>,
      %get3A_815 = vector.shape_cast %get3A_814 : vector<1x16xf32> to vector<16xf32>
      %add3A_816 = arith.addf %scan3A_604, %get3A_815 : vector<16xf32>
      %get3A_817 = arith.index_cast %scan3A_563 : i32 to index
      %get3A_818 = arith.constant 656 : index
      %get3A_819 = tpu.vector_load %arg7[%get3A_817, %get3A_818] {strides = array<i32>} : memref<64x768xf32, #tpu.memory_space<vmem>>, vector<1x16xf32>,
      %get3A_820 = vector.shape_cast %get3A_819 : vector<1x16xf32> to vector<16xf32>
      %add3A_821 = arith.addf %scan3A_605, %get3A_820 : vector<16xf32>
      %get3A_822 = arith.index_cast %scan3A_563 : i32 to index
      %get3A_823 = arith.constant 672 : index
      %get3A_824 = tpu.vector_load %arg7[%get3A_822, %get3A_823] {strides = array<i32>} : memref<64x768xf32, #tpu.memory_space<vmem>>, vector<1x16xf32>,
      %get3A_825 = vector.shape_cast %get3A_824 : vector<1x16xf32> to vector<16xf32>
      %add3A_826 = arith.addf %scan3A_606, %get3A_825 : vector<16xf32>
      %get3A_827 = arith.index_cast %scan3A_563 : i32 to index
      %get3A_828 = arith.constant 688 : index
      %get3A_829 = tpu.vector_load %arg7[%get3A_827, %get3A_828] {strides = array<i32>} : memref<64x768xf32, #tpu.memory_space<vmem>>, vector<1x16xf32>,
      %get3A_830 = vector.shape_cast %get3A_829 : vector<1x16xf32> to vector<16xf32>
      %add3A_831 = arith.addf %scan3A_607, %get3A_830 : vector<16xf32>
      %get3A_832 = arith.index_cast %scan3A_563 : i32 to index
      %get3A_833 = arith.constant 704 : index
      %get3A_834 = tpu.vector_load %arg7[%get3A_832, %get3A_833] {strides = array<i32>} : memref<64x768xf32, #tpu.memory_space<vmem>>, vector<1x16xf32>,
      %get3A_835 = vector.shape_cast %get3A_834 : vector<1x16xf32> to vector<16xf32>
      %add3A_836 = arith.addf %scan3A_608, %get3A_835 : vector<16xf32>
      %get3A_837 = arith.index_cast %scan3A_563 : i32 to index
      %get3A_838 = arith.constant 720 : index
      %get3A_839 = tpu.vector_load %arg7[%get3A_837, %get3A_838] {strides = array<i32>} : memref<64x768xf32, #tpu.memory_space<vmem>>, vector<1x16xf32>,
      %get3A_840 = vector.shape_cast %get3A_839 : vector<1x16xf32> to vector<16xf32>
      %add3A_841 = arith.addf %scan3A_609, %get3A_840 : vector<16xf32>
      %get3A_842 = arith.index_cast %scan3A_563 : i32 to index
      %get3A_843 = arith.constant 736 : index
      %get3A_844 = tpu.vector_load %arg7[%get3A_842, %get3A_843] {strides = array<i32>} : memref<64x768xf32, #tpu.memory_space<vmem>>, vector<1x16xf32>,
      %get3A_845 = vector.shape_cast %get3A_844 : vector<1x16xf32> to vector<16xf32>
      %add3A_846 = arith.addf %scan3A_610, %get3A_845 : vector<16xf32>
      %get3A_847 = arith.index_cast %scan3A_563 : i32 to index
      %get3A_848 = arith.constant 752 : index
      %get3A_849 = tpu.vector_load %arg7[%get3A_847, %get3A_848] {strides = array<i32>} : memref<64x768xf32, #tpu.memory_space<vmem>>, vector<1x16xf32>,
      %get3A_850 = vector.shape_cast %get3A_849 : vector<1x16xf32> to vector<16xf32>
      %add3A_851 = arith.addf %scan3A_611, %get3A_850 : vector<16xf32>
      scf.yield %add3A_616, %add3A_621, %add3A_626, %add3A_631, %add3A_636, %add3A_641, %add3A_646, %add3A_651, %add3A_656, %add3A_661, %add3A_666, %add3A_671, %add3A_676, %add3A_681, %add3A_686, %add3A_691, %add3A_696, %add3A_701, %add3A_706, %add3A_711, %add3A_716, %add3A_721, %add3A_726, %add3A_731, %add3A_736, %add3A_741, %add3A_746, %add3A_751, %add3A_756, %add3A_761, %add3A_766, %add3A_771, %add3A_776, %add3A_781, %add3A_786, %add3A_791, %add3A_796, %add3A_801, %add3A_806, %add3A_811, %add3A_816, %add3A_821, %add3A_826, %add3A_831, %add3A_836, %add3A_841, %add3A_846, %add3A_851 : vector<16xf32>, vector<16xf32>, vector<16xf32>, vector<16xf32>, vector<16xf32>, vector<16xf32>, vector<16xf32>, vector<16xf32>, vector<16xf32>, vector<16xf32>, vector<16xf32>, vector<16xf32>, vector<16xf32>, vector<16xf32>, vector<16xf32>, vector<16xf32>, vector<16xf32>, vector<16xf32>, vector<16xf32>, vector<16xf32>, vector<16xf32>, vector<16xf32>, vector<16xf32>, vector<16xf32>, vector<16xf32>, vector<16xf32>, vector<16xf32>, vector<16xf32>, vector<16xf32>, vector<16xf32>, vector<16xf32>, vector<16xf32>, vector<16xf32>, vector<16xf32>, vector<16xf32>, vector<16xf32>, vector<16xf32>, vector<16xf32>, vector<16xf32>, vector<16xf32>, vector<16xf32>, vector<16xf32>, vector<16xf32>, vector<16xf32>, vector<16xf32>, vector<16xf32>, vector<16xf32>, vector<16xf32>
    }
    %scan3A_287 = arith.constant 64 : i32
    %dma_wait3A_288 = arith.constant 3 : i32
    %dma_wait3A_289 = arith.constant 0 : i32
    %dma_wait3A_290 = tpu.memref_slice %arg6[%dma_wait3A_288, %dma_wait3A_289] : memref<4x64xi32, #tpu.memory_space<vmem>> -> memref<1x64xi32, #tpu.memory_space<vmem>>
    %dma_wait3A_291 = tpu.memref_squeeze %dma_wait3A_290 : memref<1x64xi32, #tpu.memory_space<vmem>> -> memref<64xi32, #tpu.memory_space<vmem>>
    %dma_wait3A_292 = arith.constant 0 : i32
    %dma_wait3A_293 = arith.constant 0 : i32
    %dma_wait3A_294 = tpu.memref_slice %arg3[%dma_wait3A_292, %dma_wait3A_293] : memref<100000x768xf32, #tpu.memory_space<hbm>> -> memref<100000x768xf32, #tpu.memory_space<hbm>>
    tpu.wait_indirect_dma semaphore(%arg12 : memref<!tpu.dma_semaphore, #tpu.memory_space<semaphore_mem>>) src(%dma_wait3A_294 : memref<100000x768xf32, #tpu.memory_space<hbm>>) dst(%arg8 : memref<64x768xf32, #tpu.memory_space<vmem>>)
    %scan3A_295 = arith.constant 0 : i32
    %scan3A_296 = arith.constant 64 : i32
    %scan3A_297 = arith.addi %scan3A_295, %scan3A_296 : i32
    %scan3A_298 = arith.constant 1 : i32
    %scan3A_299:48 = scf.for %scan3A_563 = %scan3A_295 to %scan3A_297 step %scan3A_298 iter_args(%scan3A_564 = %scan3A_286#0, %scan3A_565 = %scan3A_286#1, %scan3A_566 = %scan3A_286#2, %scan3A_567 = %scan3A_286#3, %scan3A_568 = %scan3A_286#4, %scan3A_569 = %scan3A_286#5, %scan3A_570 = %scan3A_286#6, %scan3A_571 = %scan3A_286#7, %scan3A_572 = %scan3A_286#8, %scan3A_573 = %scan3A_286#9, %scan3A_574 = %scan3A_286#10, %scan3A_575 = %scan3A_286#11, %scan3A_576 = %scan3A_286#12, %scan3A_577 = %scan3A_286#13, %scan3A_578 = %scan3A_286#14, %scan3A_579 = %scan3A_286#15, %scan3A_580 = %scan3A_286#16, %scan3A_581 = %scan3A_286#17, %scan3A_582 = %scan3A_286#18, %scan3A_583 = %scan3A_286#19, %scan3A_584 = %scan3A_286#20, %scan3A_585 = %scan3A_286#21, %scan3A_586 = %scan3A_286#22, %scan3A_587 = %scan3A_286#23, %scan3A_588 = %scan3A_286#24, %scan3A_589 = %scan3A_286#25, %scan3A_590 = %scan3A_286#26, %scan3A_591 = %scan3A_286#27, %scan3A_592 = %scan3A_286#28, %scan3A_593 = %scan3A_286#29, %scan3A_594 = %scan3A_286#30, %scan3A_595 = %scan3A_286#31, %scan3A_596 = %scan3A_286#32, %scan3A_597 = %scan3A_286#33, %scan3A_598 = %scan3A_286#34, %scan3A_599 = %scan3A_286#35, %scan3A_600 = %scan3A_286#36, %scan3A_601 = %scan3A_286#37, %scan3A_602 = %scan3A_286#38, %scan3A_603 = %scan3A_286#39, %scan3A_604 = %scan3A_286#40, %scan3A_605 = %scan3A_286#41, %scan3A_606 = %scan3A_286#42, %scan3A_607 = %scan3A_286#43, %scan3A_608 = %scan3A_286#44, %scan3A_609 = %scan3A_286#45, %scan3A_610 = %scan3A_286#46, %scan3A_611 = %scan3A_286#47) -> (vector<16xf32>, vector<16xf32>, vector<16xf32>, vector<16xf32>, vector<16xf32>, vector<16xf32>, vector<16xf32>, vector<16xf32>, vector<16xf32>, vector<16xf32>, vector<16xf32>, vector<16xf32>, vector<16xf32>, vector<16xf32>, vector<16xf32>, vector<16xf32>, vector<16xf32>, vector<16xf32>, vector<16xf32>, vector<16xf32>, vector<16xf32>, vector<16xf32>, vector<16xf32>, vector<16xf32>, vector<16xf32>, vector<16xf32>, vector<16xf32>, vector<16xf32>, vector<16xf32>, vector<16xf32>, vector<16xf32>, vector<16xf32>, vector<16xf32>, vector<16xf32>, vector<16xf32>, vector<16xf32>, vector<16xf32>, vector<16xf32>, vector<16xf32>, vector<16xf32>, vector<16xf32>, vector<16xf32>, vector<16xf32>, vector<16xf32>, vector<16xf32>, vector<16xf32>, vector<16xf32>, vector<16xf32>)  : i32 {
      %get3A_612 = arith.index_cast %scan3A_563 : i32 to index
      %get3A_613 = arith.constant 0 : index
      %get3A_614 = tpu.vector_load %arg8[%get3A_612, %get3A_613] {strides = array<i32>} : memref<64x768xf32, #tpu.memory_space<vmem>>, vector<1x16xf32>,
      %get3A_615 = vector.shape_cast %get3A_614 : vector<1x16xf32> to vector<16xf32>
      %add3A_616 = arith.addf %scan3A_564, %get3A_615 : vector<16xf32>
      %get3A_617 = arith.index_cast %scan3A_563 : i32 to index
      %get3A_618 = arith.constant 16 : index
      %get3A_619 = tpu.vector_load %arg8[%get3A_617, %get3A_618] {strides = array<i32>} : memref<64x768xf32, #tpu.memory_space<vmem>>, vector<1x16xf32>,
      %get3A_620 = vector.shape_cast %get3A_619 : vector<1x16xf32> to vector<16xf32>
      %add3A_621 = arith.addf %scan3A_565, %get3A_620 : vector<16xf32>
      %get3A_622 = arith.index_cast %scan3A_563 : i32 to index
      %get3A_623 = arith.constant 32 : index
      %get3A_624 = tpu.vector_load %arg8[%get3A_622, %get3A_623] {strides = array<i32>} : memref<64x768xf32, #tpu.memory_space<vmem>>, vector<1x16xf32>,
      %get3A_625 = vector.shape_cast %get3A_624 : vector<1x16xf32> to vector<16xf32>
      %add3A_626 = arith.addf %scan3A_566, %get3A_625 : vector<16xf32>
      %get3A_627 = arith.index_cast %scan3A_563 : i32 to index
      %get3A_628 = arith.constant 48 : index
      %get3A_629 = tpu.vector_load %arg8[%get3A_627, %get3A_628] {strides = array<i32>} : memref<64x768xf32, #tpu.memory_space<vmem>>, vector<1x16xf32>,
      %get3A_630 = vector.shape_cast %get3A_629 : vector<1x16xf32> to vector<16xf32>
      %add3A_631 = arith.addf %scan3A_567, %get3A_630 : vector<16xf32>
      %get3A_632 = arith.index_cast %scan3A_563 : i32 to index
      %get3A_633 = arith.constant 64 : index
      %get3A_634 = tpu.vector_load %arg8[%get3A_632, %get3A_633] {strides = array<i32>} : memref<64x768xf32, #tpu.memory_space<vmem>>, vector<1x16xf32>,
      %get3A_635 = vector.shape_cast %get3A_634 : vector<1x16xf32> to vector<16xf32>
      %add3A_636 = arith.addf %scan3A_568, %get3A_635 : vector<16xf32>
      %get3A_637 = arith.index_cast %scan3A_563 : i32 to index
      %get3A_638 = arith.constant 80 : index
      %get3A_639 = tpu.vector_load %arg8[%get3A_637, %get3A_638] {strides = array<i32>} : memref<64x768xf32, #tpu.memory_space<vmem>>, vector<1x16xf32>,
      %get3A_640 = vector.shape_cast %get3A_639 : vector<1x16xf32> to vector<16xf32>
      %add3A_641 = arith.addf %scan3A_569, %get3A_640 : vector<16xf32>
      %get3A_642 = arith.index_cast %scan3A_563 : i32 to index
      %get3A_643 = arith.constant 96 : index
      %get3A_644 = tpu.vector_load %arg8[%get3A_642, %get3A_643] {strides = array<i32>} : memref<64x768xf32, #tpu.memory_space<vmem>>, vector<1x16xf32>,
      %get3A_645 = vector.shape_cast %get3A_644 : vector<1x16xf32> to vector<16xf32>
      %add3A_646 = arith.addf %scan3A_570, %get3A_645 : vector<16xf32>
      %get3A_647 = arith.index_cast %scan3A_563 : i32 to index
      %get3A_648 = arith.constant 112 : index
      %get3A_649 = tpu.vector_load %arg8[%get3A_647, %get3A_648] {strides = array<i32>} : memref<64x768xf32, #tpu.memory_space<vmem>>, vector<1x16xf32>,
      %get3A_650 = vector.shape_cast %get3A_649 : vector<1x16xf32> to vector<16xf32>
      %add3A_651 = arith.addf %scan3A_571, %get3A_650 : vector<16xf32>
      %get3A_652 = arith.index_cast %scan3A_563 : i32 to index
      %get3A_653 = arith.constant 128 : index
      %get3A_654 = tpu.vector_load %arg8[%get3A_652, %get3A_653] {strides = array<i32>} : memref<64x768xf32, #tpu.memory_space<vmem>>, vector<1x16xf32>,
      %get3A_655 = vector.shape_cast %get3A_654 : vector<1x16xf32> to vector<16xf32>
      %add3A_656 = arith.addf %scan3A_572, %get3A_655 : vector<16xf32>
      %get3A_657 = arith.index_cast %scan3A_563 : i32 to index
      %get3A_658 = arith.constant 144 : index
      %get3A_659 = tpu.vector_load %arg8[%get3A_657, %get3A_658] {strides = array<i32>} : memref<64x768xf32, #tpu.memory_space<vmem>>, vector<1x16xf32>,
      %get3A_660 = vector.shape_cast %get3A_659 : vector<1x16xf32> to vector<16xf32>
      %add3A_661 = arith.addf %scan3A_573, %get3A_660 : vector<16xf32>
      %get3A_662 = arith.index_cast %scan3A_563 : i32 to index
      %get3A_663 = arith.constant 160 : index
      %get3A_664 = tpu.vector_load %arg8[%get3A_662, %get3A_663] {strides = array<i32>} : memref<64x768xf32, #tpu.memory_space<vmem>>, vector<1x16xf32>,
      %get3A_665 = vector.shape_cast %get3A_664 : vector<1x16xf32> to vector<16xf32>
      %add3A_666 = arith.addf %scan3A_574, %get3A_665 : vector<16xf32>
      %get3A_667 = arith.index_cast %scan3A_563 : i32 to index
      %get3A_668 = arith.constant 176 : index
      %get3A_669 = tpu.vector_load %arg8[%get3A_667, %get3A_668] {strides = array<i32>} : memref<64x768xf32, #tpu.memory_space<vmem>>, vector<1x16xf32>,
      %get3A_670 = vector.shape_cast %get3A_669 : vector<1x16xf32> to vector<16xf32>
      %add3A_671 = arith.addf %scan3A_575, %get3A_670 : vector<16xf32>
      %get3A_672 = arith.index_cast %scan3A_563 : i32 to index
      %get3A_673 = arith.constant 192 : index
      %get3A_674 = tpu.vector_load %arg8[%get3A_672, %get3A_673] {strides = array<i32>} : memref<64x768xf32, #tpu.memory_space<vmem>>, vector<1x16xf32>,
      %get3A_675 = vector.shape_cast %get3A_674 : vector<1x16xf32> to vector<16xf32>
      %add3A_676 = arith.addf %scan3A_576, %get3A_675 : vector<16xf32>
      %get3A_677 = arith.index_cast %scan3A_563 : i32 to index
      %get3A_678 = arith.constant 208 : index
      %get3A_679 = tpu.vector_load %arg8[%get3A_677, %get3A_678] {strides = array<i32>} : memref<64x768xf32, #tpu.memory_space<vmem>>, vector<1x16xf32>,
      %get3A_680 = vector.shape_cast %get3A_679 : vector<1x16xf32> to vector<16xf32>
      %add3A_681 = arith.addf %scan3A_577, %get3A_680 : vector<16xf32>
      %get3A_682 = arith.index_cast %scan3A_563 : i32 to index
      %get3A_683 = arith.constant 224 : index
      %get3A_684 = tpu.vector_load %arg8[%get3A_682, %get3A_683] {strides = array<i32>} : memref<64x768xf32, #tpu.memory_space<vmem>>, vector<1x16xf32>,
      %get3A_685 = vector.shape_cast %get3A_684 : vector<1x16xf32> to vector<16xf32>
      %add3A_686 = arith.addf %scan3A_578, %get3A_685 : vector<16xf32>
      %get3A_687 = arith.index_cast %scan3A_563 : i32 to index
      %get3A_688 = arith.constant 240 : index
      %get3A_689 = tpu.vector_load %arg8[%get3A_687, %get3A_688] {strides = array<i32>} : memref<64x768xf32, #tpu.memory_space<vmem>>, vector<1x16xf32>,
      %get3A_690 = vector.shape_cast %get3A_689 : vector<1x16xf32> to vector<16xf32>
      %add3A_691 = arith.addf %scan3A_579, %get3A_690 : vector<16xf32>
      %get3A_692 = arith.index_cast %scan3A_563 : i32 to index
      %get3A_693 = arith.constant 256 : index
      %get3A_694 = tpu.vector_load %arg8[%get3A_692, %get3A_693] {strides = array<i32>} : memref<64x768xf32, #tpu.memory_space<vmem>>, vector<1x16xf32>,
      %get3A_695 = vector.shape_cast %get3A_694 : vector<1x16xf32> to vector<16xf32>
      %add3A_696 = arith.addf %scan3A_580, %get3A_695 : vector<16xf32>
      %get3A_697 = arith.index_cast %scan3A_563 : i32 to index
      %get3A_698 = arith.constant 272 : index
      %get3A_699 = tpu.vector_load %arg8[%get3A_697, %get3A_698] {strides = array<i32>} : memref<64x768xf32, #tpu.memory_space<vmem>>, vector<1x16xf32>,
      %get3A_700 = vector.shape_cast %get3A_699 : vector<1x16xf32> to vector<16xf32>
      %add3A_701 = arith.addf %scan3A_581, %get3A_700 : vector<16xf32>
      %get3A_702 = arith.index_cast %scan3A_563 : i32 to index
      %get3A_703 = arith.constant 288 : index
      %get3A_704 = tpu.vector_load %arg8[%get3A_702, %get3A_703] {strides = array<i32>} : memref<64x768xf32, #tpu.memory_space<vmem>>, vector<1x16xf32>,
      %get3A_705 = vector.shape_cast %get3A_704 : vector<1x16xf32> to vector<16xf32>
      %add3A_706 = arith.addf %scan3A_582, %get3A_705 : vector<16xf32>
      %get3A_707 = arith.index_cast %scan3A_563 : i32 to index
      %get3A_708 = arith.constant 304 : index
      %get3A_709 = tpu.vector_load %arg8[%get3A_707, %get3A_708] {strides = array<i32>} : memref<64x768xf32, #tpu.memory_space<vmem>>, vector<1x16xf32>,
      %get3A_710 = vector.shape_cast %get3A_709 : vector<1x16xf32> to vector<16xf32>
      %add3A_711 = arith.addf %scan3A_583, %get3A_710 : vector<16xf32>
      %get3A_712 = arith.index_cast %scan3A_563 : i32 to index
      %get3A_713 = arith.constant 320 : index
      %get3A_714 = tpu.vector_load %arg8[%get3A_712, %get3A_713] {strides = array<i32>} : memref<64x768xf32, #tpu.memory_space<vmem>>, vector<1x16xf32>,
      %get3A_715 = vector.shape_cast %get3A_714 : vector<1x16xf32> to vector<16xf32>
      %add3A_716 = arith.addf %scan3A_584, %get3A_715 : vector<16xf32>
      %get3A_717 = arith.index_cast %scan3A_563 : i32 to index
      %get3A_718 = arith.constant 336 : index
      %get3A_719 = tpu.vector_load %arg8[%get3A_717, %get3A_718] {strides = array<i32>} : memref<64x768xf32, #tpu.memory_space<vmem>>, vector<1x16xf32>,
      %get3A_720 = vector.shape_cast %get3A_719 : vector<1x16xf32> to vector<16xf32>
      %add3A_721 = arith.addf %scan3A_585, %get3A_720 : vector<16xf32>
      %get3A_722 = arith.index_cast %scan3A_563 : i32 to index
      %get3A_723 = arith.constant 352 : index
      %get3A_724 = tpu.vector_load %arg8[%get3A_722, %get3A_723] {strides = array<i32>} : memref<64x768xf32, #tpu.memory_space<vmem>>, vector<1x16xf32>,
      %get3A_725 = vector.shape_cast %get3A_724 : vector<1x16xf32> to vector<16xf32>
      %add3A_726 = arith.addf %scan3A_586, %get3A_725 : vector<16xf32>
      %get3A_727 = arith.index_cast %scan3A_563 : i32 to index
      %get3A_728 = arith.constant 368 : index
      %get3A_729 = tpu.vector_load %arg8[%get3A_727, %get3A_728] {strides = array<i32>} : memref<64x768xf32, #tpu.memory_space<vmem>>, vector<1x16xf32>,
      %get3A_730 = vector.shape_cast %get3A_729 : vector<1x16xf32> to vector<16xf32>
      %add3A_731 = arith.addf %scan3A_587, %get3A_730 : vector<16xf32>
      %get3A_732 = arith.index_cast %scan3A_563 : i32 to index
      %get3A_733 = arith.constant 384 : index
      %get3A_734 = tpu.vector_load %arg8[%get3A_732, %get3A_733] {strides = array<i32>} : memref<64x768xf32, #tpu.memory_space<vmem>>, vector<1x16xf32>,
      %get3A_735 = vector.shape_cast %get3A_734 : vector<1x16xf32> to vector<16xf32>
      %add3A_736 = arith.addf %scan3A_588, %get3A_735 : vector<16xf32>
      %get3A_737 = arith.index_cast %scan3A_563 : i32 to index
      %get3A_738 = arith.constant 400 : index
      %get3A_739 = tpu.vector_load %arg8[%get3A_737, %get3A_738] {strides = array<i32>} : memref<64x768xf32, #tpu.memory_space<vmem>>, vector<1x16xf32>,
      %get3A_740 = vector.shape_cast %get3A_739 : vector<1x16xf32> to vector<16xf32>
      %add3A_741 = arith.addf %scan3A_589, %get3A_740 : vector<16xf32>
      %get3A_742 = arith.index_cast %scan3A_563 : i32 to index
      %get3A_743 = arith.constant 416 : index
      %get3A_744 = tpu.vector_load %arg8[%get3A_742, %get3A_743] {strides = array<i32>} : memref<64x768xf32, #tpu.memory_space<vmem>>, vector<1x16xf32>,
      %get3A_745 = vector.shape_cast %get3A_744 : vector<1x16xf32> to vector<16xf32>
      %add3A_746 = arith.addf %scan3A_590, %get3A_745 : vector<16xf32>
      %get3A_747 = arith.index_cast %scan3A_563 : i32 to index
      %get3A_748 = arith.constant 432 : index
      %get3A_749 = tpu.vector_load %arg8[%get3A_747, %get3A_748] {strides = array<i32>} : memref<64x768xf32, #tpu.memory_space<vmem>>, vector<1x16xf32>,
      %get3A_750 = vector.shape_cast %get3A_749 : vector<1x16xf32> to vector<16xf32>
      %add3A_751 = arith.addf %scan3A_591, %get3A_750 : vector<16xf32>
      %get3A_752 = arith.index_cast %scan3A_563 : i32 to index
      %get3A_753 = arith.constant 448 : index
      %get3A_754 = tpu.vector_load %arg8[%get3A_752, %get3A_753] {strides = array<i32>} : memref<64x768xf32, #tpu.memory_space<vmem>>, vector<1x16xf32>,
      %get3A_755 = vector.shape_cast %get3A_754 : vector<1x16xf32> to vector<16xf32>
      %add3A_756 = arith.addf %scan3A_592, %get3A_755 : vector<16xf32>
      %get3A_757 = arith.index_cast %scan3A_563 : i32 to index
      %get3A_758 = arith.constant 464 : index
      %get3A_759 = tpu.vector_load %arg8[%get3A_757, %get3A_758] {strides = array<i32>} : memref<64x768xf32, #tpu.memory_space<vmem>>, vector<1x16xf32>,
      %get3A_760 = vector.shape_cast %get3A_759 : vector<1x16xf32> to vector<16xf32>
      %add3A_761 = arith.addf %scan3A_593, %get3A_760 : vector<16xf32>
      %get3A_762 = arith.index_cast %scan3A_563 : i32 to index
      %get3A_763 = arith.constant 480 : index
      %get3A_764 = tpu.vector_load %arg8[%get3A_762, %get3A_763] {strides = array<i32>} : memref<64x768xf32, #tpu.memory_space<vmem>>, vector<1x16xf32>,
      %get3A_765 = vector.shape_cast %get3A_764 : vector<1x16xf32> to vector<16xf32>
      %add3A_766 = arith.addf %scan3A_594, %get3A_765 : vector<16xf32>
      %get3A_767 = arith.index_cast %scan3A_563 : i32 to index
      %get3A_768 = arith.constant 496 : index
      %get3A_769 = tpu.vector_load %arg8[%get3A_767, %get3A_768] {strides = array<i32>} : memref<64x768xf32, #tpu.memory_space<vmem>>, vector<1x16xf32>,
      %get3A_770 = vector.shape_cast %get3A_769 : vector<1x16xf32> to vector<16xf32>
      %add3A_771 = arith.addf %scan3A_595, %get3A_770 : vector<16xf32>
      %get3A_772 = arith.index_cast %scan3A_563 : i32 to index
      %get3A_773 = arith.constant 512 : index
      %get3A_774 = tpu.vector_load %arg8[%get3A_772, %get3A_773] {strides = array<i32>} : memref<64x768xf32, #tpu.memory_space<vmem>>, vector<1x16xf32>,
      %get3A_775 = vector.shape_cast %get3A_774 : vector<1x16xf32> to vector<16xf32>
      %add3A_776 = arith.addf %scan3A_596, %get3A_775 : vector<16xf32>
      %get3A_777 = arith.index_cast %scan3A_563 : i32 to index
      %get3A_778 = arith.constant 528 : index
      %get3A_779 = tpu.vector_load %arg8[%get3A_777, %get3A_778] {strides = array<i32>} : memref<64x768xf32, #tpu.memory_space<vmem>>, vector<1x16xf32>,
      %get3A_780 = vector.shape_cast %get3A_779 : vector<1x16xf32> to vector<16xf32>
      %add3A_781 = arith.addf %scan3A_597, %get3A_780 : vector<16xf32>
      %get3A_782 = arith.index_cast %scan3A_563 : i32 to index
      %get3A_783 = arith.constant 544 : index
      %get3A_784 = tpu.vector_load %arg8[%get3A_782, %get3A_783] {strides = array<i32>} : memref<64x768xf32, #tpu.memory_space<vmem>>, vector<1x16xf32>,
      %get3A_785 = vector.shape_cast %get3A_784 : vector<1x16xf32> to vector<16xf32>
      %add3A_786 = arith.addf %scan3A_598, %get3A_785 : vector<16xf32>
      %get3A_787 = arith.index_cast %scan3A_563 : i32 to index
      %get3A_788 = arith.constant 560 : index
      %get3A_789 = tpu.vector_load %arg8[%get3A_787, %get3A_788] {strides = array<i32>} : memref<64x768xf32, #tpu.memory_space<vmem>>, vector<1x16xf32>,
      %get3A_790 = vector.shape_cast %get3A_789 : vector<1x16xf32> to vector<16xf32>
      %add3A_791 = arith.addf %scan3A_599, %get3A_790 : vector<16xf32>
      %get3A_792 = arith.index_cast %scan3A_563 : i32 to index
      %get3A_793 = arith.constant 576 : index
      %get3A_794 = tpu.vector_load %arg8[%get3A_792, %get3A_793] {strides = array<i32>} : memref<64x768xf32, #tpu.memory_space<vmem>>, vector<1x16xf32>,
      %get3A_795 = vector.shape_cast %get3A_794 : vector<1x16xf32> to vector<16xf32>
      %add3A_796 = arith.addf %scan3A_600, %get3A_795 : vector<16xf32>
      %get3A_797 = arith.index_cast %scan3A_563 : i32 to index
      %get3A_798 = arith.constant 592 : index
      %get3A_799 = tpu.vector_load %arg8[%get3A_797, %get3A_798] {strides = array<i32>} : memref<64x768xf32, #tpu.memory_space<vmem>>, vector<1x16xf32>,
      %get3A_800 = vector.shape_cast %get3A_799 : vector<1x16xf32> to vector<16xf32>
      %add3A_801 = arith.addf %scan3A_601, %get3A_800 : vector<16xf32>
      %get3A_802 = arith.index_cast %scan3A_563 : i32 to index
      %get3A_803 = arith.constant 608 : index
      %get3A_804 = tpu.vector_load %arg8[%get3A_802, %get3A_803] {strides = array<i32>} : memref<64x768xf32, #tpu.memory_space<vmem>>, vector<1x16xf32>,
      %get3A_805 = vector.shape_cast %get3A_804 : vector<1x16xf32> to vector<16xf32>
      %add3A_806 = arith.addf %scan3A_602, %get3A_805 : vector<16xf32>
      %get3A_807 = arith.index_cast %scan3A_563 : i32 to index
      %get3A_808 = arith.constant 624 : index
      %get3A_809 = tpu.vector_load %arg8[%get3A_807, %get3A_808] {strides = array<i32>} : memref<64x768xf32, #tpu.memory_space<vmem>>, vector<1x16xf32>,
      %get3A_810 = vector.shape_cast %get3A_809 : vector<1x16xf32> to vector<16xf32>
      %add3A_811 = arith.addf %scan3A_603, %get3A_810 : vector<16xf32>
      %get3A_812 = arith.index_cast %scan3A_563 : i32 to index
      %get3A_813 = arith.constant 640 : index
      %get3A_814 = tpu.vector_load %arg8[%get3A_812, %get3A_813] {strides = array<i32>} : memref<64x768xf32, #tpu.memory_space<vmem>>, vector<1x16xf32>,
      %get3A_815 = vector.shape_cast %get3A_814 : vector<1x16xf32> to vector<16xf32>
      %add3A_816 = arith.addf %scan3A_604, %get3A_815 : vector<16xf32>
      %get3A_817 = arith.index_cast %scan3A_563 : i32 to index
      %get3A_818 = arith.constant 656 : index
      %get3A_819 = tpu.vector_load %arg8[%get3A_817, %get3A_818] {strides = array<i32>} : memref<64x768xf32, #tpu.memory_space<vmem>>, vector<1x16xf32>,
      %get3A_820 = vector.shape_cast %get3A_819 : vector<1x16xf32> to vector<16xf32>
      %add3A_821 = arith.addf %scan3A_605, %get3A_820 : vector<16xf32>
      %get3A_822 = arith.index_cast %scan3A_563 : i32 to index
      %get3A_823 = arith.constant 672 : index
      %get3A_824 = tpu.vector_load %arg8[%get3A_822, %get3A_823] {strides = array<i32>} : memref<64x768xf32, #tpu.memory_space<vmem>>, vector<1x16xf32>,
      %get3A_825 = vector.shape_cast %get3A_824 : vector<1x16xf32> to vector<16xf32>
      %add3A_826 = arith.addf %scan3A_606, %get3A_825 : vector<16xf32>
      %get3A_827 = arith.index_cast %scan3A_563 : i32 to index
      %get3A_828 = arith.constant 688 : index
      %get3A_829 = tpu.vector_load %arg8[%get3A_827, %get3A_828] {strides = array<i32>} : memref<64x768xf32, #tpu.memory_space<vmem>>, vector<1x16xf32>,
      %get3A_830 = vector.shape_cast %get3A_829 : vector<1x16xf32> to vector<16xf32>
      %add3A_831 = arith.addf %scan3A_607, %get3A_830 : vector<16xf32>
      %get3A_832 = arith.index_cast %scan3A_563 : i32 to index
      %get3A_833 = arith.constant 704 : index
      %get3A_834 = tpu.vector_load %arg8[%get3A_832, %get3A_833] {strides = array<i32>} : memref<64x768xf32, #tpu.memory_space<vmem>>, vector<1x16xf32>,
      %get3A_835 = vector.shape_cast %get3A_834 : vector<1x16xf32> to vector<16xf32>
      %add3A_836 = arith.addf %scan3A_608, %get3A_835 : vector<16xf32>
      %get3A_837 = arith.index_cast %scan3A_563 : i32 to index
      %get3A_838 = arith.constant 720 : index
      %get3A_839 = tpu.vector_load %arg8[%get3A_837, %get3A_838] {strides = array<i32>} : memref<64x768xf32, #tpu.memory_space<vmem>>, vector<1x16xf32>,
      %get3A_840 = vector.shape_cast %get3A_839 : vector<1x16xf32> to vector<16xf32>
      %add3A_841 = arith.addf %scan3A_609, %get3A_840 : vector<16xf32>
      %get3A_842 = arith.index_cast %scan3A_563 : i32 to index
      %get3A_843 = arith.constant 736 : index
      %get3A_844 = tpu.vector_load %arg8[%get3A_842, %get3A_843] {strides = array<i32>} : memref<64x768xf32, #tpu.memory_space<vmem>>, vector<1x16xf32>,
      %get3A_845 = vector.shape_cast %get3A_844 : vector<1x16xf32> to vector<16xf32>
      %add3A_846 = arith.addf %scan3A_610, %get3A_845 : vector<16xf32>
      %get3A_847 = arith.index_cast %scan3A_563 : i32 to index
      %get3A_848 = arith.constant 752 : index
      %get3A_849 = tpu.vector_load %arg8[%get3A_847, %get3A_848] {strides = array<i32>} : memref<64x768xf32, #tpu.memory_space<vmem>>, vector<1x16xf32>,
      %get3A_850 = vector.shape_cast %get3A_849 : vector<1x16xf32> to vector<16xf32>
      %add3A_851 = arith.addf %scan3A_611, %get3A_850 : vector<16xf32>
      scf.yield %add3A_616, %add3A_621, %add3A_626, %add3A_631, %add3A_636, %add3A_641, %add3A_646, %add3A_651, %add3A_656, %add3A_661, %add3A_666, %add3A_671, %add3A_676, %add3A_681, %add3A_686, %add3A_691, %add3A_696, %add3A_701, %add3A_706, %add3A_711, %add3A_716, %add3A_721, %add3A_726, %add3A_731, %add3A_736, %add3A_741, %add3A_746, %add3A_751, %add3A_756, %add3A_761, %add3A_766, %add3A_771, %add3A_776, %add3A_781, %add3A_786, %add3A_791, %add3A_796, %add3A_801, %add3A_806, %add3A_811, %add3A_816, %add3A_821, %add3A_826, %add3A_831, %add3A_836, %add3A_841, %add3A_846, %add3A_851 : vector<16xf32>, vector<16xf32>, vector<16xf32>, vector<16xf32>, vector<16xf32>, vector<16xf32>, vector<16xf32>, vector<16xf32>, vector<16xf32>, vector<16xf32>, vector<16xf32>, vector<16xf32>, vector<16xf32>, vector<16xf32>, vector<16xf32>, vector<16xf32>, vector<16xf32>, vector<16xf32>, vector<16xf32>, vector<16xf32>, vector<16xf32>, vector<16xf32>, vector<16xf32>, vector<16xf32>, vector<16xf32>, vector<16xf32>, vector<16xf32>, vector<16xf32>, vector<16xf32>, vector<16xf32>, vector<16xf32>, vector<16xf32>, vector<16xf32>, vector<16xf32>, vector<16xf32>, vector<16xf32>, vector<16xf32>, vector<16xf32>, vector<16xf32>, vector<16xf32>, vector<16xf32>, vector<16xf32>, vector<16xf32>, vector<16xf32>, vector<16xf32>, vector<16xf32>, vector<16xf32>, vector<16xf32>
    }
    %scan3A_300 = arith.constant 64 : i32
    tpu.wait_dma2 semaphore(%arg14 : memref<!tpu.dma_semaphore, #tpu.memory_space<semaphore_mem>>) src(%arg4 : memref<768xf32, #tpu.memory_space<hbm>>) dst(%arg9 : memref<768xf32, #tpu.memory_space<vmem>>)
    %broadcast_in_dim3A_301 = arith.constant 0.000000e+00 : f32
    %broadcast_in_dim3A_302 = vector.broadcast %broadcast_in_dim3A_301 : f32 to vector<16xf32>
    %get3A = arith.constant 0 : index
    %get3A_303 = tpu.vector_load %arg9[%get3A] {strides = array<i32>} : memref<768xf32, #tpu.memory_space<vmem>>, vector<16xf32>,
    %get3A_304 = vector.shape_cast %get3A_303 : vector<16xf32> to vector<16xf32>
    %mul3A_305 = arith.mulf %scan3A_299#0, %get3A_304 : vector<16xf32>
    %add3A_306 = arith.addf %broadcast_in_dim3A_302, %mul3A_305 : vector<16xf32>
    %get3A_307 = arith.constant 16 : index
    %get3A_308 = tpu.vector_load %arg9[%get3A_307] {strides = array<i32>} : memref<768xf32, #tpu.memory_space<vmem>>, vector<16xf32>,
    %get3A_309 = vector.shape_cast %get3A_308 : vector<16xf32> to vector<16xf32>
    %mul3A_310 = arith.mulf %scan3A_299#1, %get3A_309 : vector<16xf32>
    %add3A_311 = arith.addf %add3A_306, %mul3A_310 : vector<16xf32>
    %get3A_312 = arith.constant 32 : index
    %get3A_313 = tpu.vector_load %arg9[%get3A_312] {strides = array<i32>} : memref<768xf32, #tpu.memory_space<vmem>>, vector<16xf32>,
    %get3A_314 = vector.shape_cast %get3A_313 : vector<16xf32> to vector<16xf32>
    %mul3A_315 = arith.mulf %scan3A_299#2, %get3A_314 : vector<16xf32>
    %add3A_316 = arith.addf %add3A_311, %mul3A_315 : vector<16xf32>
    %get3A_317 = arith.constant 48 : index
    %get3A_318 = tpu.vector_load %arg9[%get3A_317] {strides = array<i32>} : memref<768xf32, #tpu.memory_space<vmem>>, vector<16xf32>,
    %get3A_319 = vector.shape_cast %get3A_318 : vector<16xf32> to vector<16xf32>
    %mul3A_320 = arith.mulf %scan3A_299#3, %get3A_319 : vector<16xf32>
    %add3A_321 = arith.addf %add3A_316, %mul3A_320 : vector<16xf32>
    %get3A_322 = arith.constant 64 : index
    %get3A_323 = tpu.vector_load %arg9[%get3A_322] {strides = array<i32>} : memref<768xf32, #tpu.memory_space<vmem>>, vector<16xf32>,
    %get3A_324 = vector.shape_cast %get3A_323 : vector<16xf32> to vector<16xf32>
    %mul3A_325 = arith.mulf %scan3A_299#4, %get3A_324 : vector<16xf32>
    %add3A_326 = arith.addf %add3A_321, %mul3A_325 : vector<16xf32>
    %get3A_327 = arith.constant 80 : index
    %get3A_328 = tpu.vector_load %arg9[%get3A_327] {strides = array<i32>} : memref<768xf32, #tpu.memory_space<vmem>>, vector<16xf32>,
    %get3A_329 = vector.shape_cast %get3A_328 : vector<16xf32> to vector<16xf32>
    %mul3A_330 = arith.mulf %scan3A_299#5, %get3A_329 : vector<16xf32>
    %add3A_331 = arith.addf %add3A_326, %mul3A_330 : vector<16xf32>
    %get3A_332 = arith.constant 96 : index
    %get3A_333 = tpu.vector_load %arg9[%get3A_332] {strides = array<i32>} : memref<768xf32, #tpu.memory_space<vmem>>, vector<16xf32>,
    %get3A_334 = vector.shape_cast %get3A_333 : vector<16xf32> to vector<16xf32>
    %mul3A_335 = arith.mulf %scan3A_299#6, %get3A_334 : vector<16xf32>
    %add3A_336 = arith.addf %add3A_331, %mul3A_335 : vector<16xf32>
    %get3A_337 = arith.constant 112 : index
    %get3A_338 = tpu.vector_load %arg9[%get3A_337] {strides = array<i32>} : memref<768xf32, #tpu.memory_space<vmem>>, vector<16xf32>,
    %get3A_339 = vector.shape_cast %get3A_338 : vector<16xf32> to vector<16xf32>
    %mul3A_340 = arith.mulf %scan3A_299#7, %get3A_339 : vector<16xf32>
    %add3A_341 = arith.addf %add3A_336, %mul3A_340 : vector<16xf32>
    %get3A_342 = arith.constant 128 : index
    %get3A_343 = tpu.vector_load %arg9[%get3A_342] {strides = array<i32>} : memref<768xf32, #tpu.memory_space<vmem>>, vector<16xf32>,
    %get3A_344 = vector.shape_cast %get3A_343 : vector<16xf32> to vector<16xf32>
    %mul3A_345 = arith.mulf %scan3A_299#8, %get3A_344 : vector<16xf32>
    %add3A_346 = arith.addf %add3A_341, %mul3A_345 : vector<16xf32>
    %get3A_347 = arith.constant 144 : index
    %get3A_348 = tpu.vector_load %arg9[%get3A_347] {strides = array<i32>} : memref<768xf32, #tpu.memory_space<vmem>>, vector<16xf32>,
    %get3A_349 = vector.shape_cast %get3A_348 : vector<16xf32> to vector<16xf32>
    %mul3A_350 = arith.mulf %scan3A_299#9, %get3A_349 : vector<16xf32>
    %add3A_351 = arith.addf %add3A_346, %mul3A_350 : vector<16xf32>
    %get3A_352 = arith.constant 160 : index
    %get3A_353 = tpu.vector_load %arg9[%get3A_352] {strides = array<i32>} : memref<768xf32, #tpu.memory_space<vmem>>, vector<16xf32>,
    %get3A_354 = vector.shape_cast %get3A_353 : vector<16xf32> to vector<16xf32>
    %mul3A_355 = arith.mulf %scan3A_299#10, %get3A_354 : vector<16xf32>
    %add3A_356 = arith.addf %add3A_351, %mul3A_355 : vector<16xf32>
    %get3A_357 = arith.constant 176 : index
    %get3A_358 = tpu.vector_load %arg9[%get3A_357] {strides = array<i32>} : memref<768xf32, #tpu.memory_space<vmem>>, vector<16xf32>,
    %get3A_359 = vector.shape_cast %get3A_358 : vector<16xf32> to vector<16xf32>
    %mul3A_360 = arith.mulf %scan3A_299#11, %get3A_359 : vector<16xf32>
    %add3A_361 = arith.addf %add3A_356, %mul3A_360 : vector<16xf32>
    %get3A_362 = arith.constant 192 : index
    %get3A_363 = tpu.vector_load %arg9[%get3A_362] {strides = array<i32>} : memref<768xf32, #tpu.memory_space<vmem>>, vector<16xf32>,
    %get3A_364 = vector.shape_cast %get3A_363 : vector<16xf32> to vector<16xf32>
    %mul3A_365 = arith.mulf %scan3A_299#12, %get3A_364 : vector<16xf32>
    %add3A_366 = arith.addf %add3A_361, %mul3A_365 : vector<16xf32>
    %get3A_367 = arith.constant 208 : index
    %get3A_368 = tpu.vector_load %arg9[%get3A_367] {strides = array<i32>} : memref<768xf32, #tpu.memory_space<vmem>>, vector<16xf32>,
    %get3A_369 = vector.shape_cast %get3A_368 : vector<16xf32> to vector<16xf32>
    %mul3A_370 = arith.mulf %scan3A_299#13, %get3A_369 : vector<16xf32>
    %add3A_371 = arith.addf %add3A_366, %mul3A_370 : vector<16xf32>
    %get3A_372 = arith.constant 224 : index
    %get3A_373 = tpu.vector_load %arg9[%get3A_372] {strides = array<i32>} : memref<768xf32, #tpu.memory_space<vmem>>, vector<16xf32>,
    %get3A_374 = vector.shape_cast %get3A_373 : vector<16xf32> to vector<16xf32>
    %mul3A_375 = arith.mulf %scan3A_299#14, %get3A_374 : vector<16xf32>
    %add3A_376 = arith.addf %add3A_371, %mul3A_375 : vector<16xf32>
    %get3A_377 = arith.constant 240 : index
    %get3A_378 = tpu.vector_load %arg9[%get3A_377] {strides = array<i32>} : memref<768xf32, #tpu.memory_space<vmem>>, vector<16xf32>,
    %get3A_379 = vector.shape_cast %get3A_378 : vector<16xf32> to vector<16xf32>
    %mul3A_380 = arith.mulf %scan3A_299#15, %get3A_379 : vector<16xf32>
    %add3A_381 = arith.addf %add3A_376, %mul3A_380 : vector<16xf32>
    %get3A_382 = arith.constant 256 : index
    %get3A_383 = tpu.vector_load %arg9[%get3A_382] {strides = array<i32>} : memref<768xf32, #tpu.memory_space<vmem>>, vector<16xf32>,
    %get3A_384 = vector.shape_cast %get3A_383 : vector<16xf32> to vector<16xf32>
    %mul3A_385 = arith.mulf %scan3A_299#16, %get3A_384 : vector<16xf32>
    %add3A_386 = arith.addf %add3A_381, %mul3A_385 : vector<16xf32>
    %get3A_387 = arith.constant 272 : index
    %get3A_388 = tpu.vector_load %arg9[%get3A_387] {strides = array<i32>} : memref<768xf32, #tpu.memory_space<vmem>>, vector<16xf32>,
    %get3A_389 = vector.shape_cast %get3A_388 : vector<16xf32> to vector<16xf32>
    %mul3A_390 = arith.mulf %scan3A_299#17, %get3A_389 : vector<16xf32>
    %add3A_391 = arith.addf %add3A_386, %mul3A_390 : vector<16xf32>
    %get3A_392 = arith.constant 288 : index
    %get3A_393 = tpu.vector_load %arg9[%get3A_392] {strides = array<i32>} : memref<768xf32, #tpu.memory_space<vmem>>, vector<16xf32>,
    %get3A_394 = vector.shape_cast %get3A_393 : vector<16xf32> to vector<16xf32>
    %mul3A_395 = arith.mulf %scan3A_299#18, %get3A_394 : vector<16xf32>
    %add3A_396 = arith.addf %add3A_391, %mul3A_395 : vector<16xf32>
    %get3A_397 = arith.constant 304 : index
    %get3A_398 = tpu.vector_load %arg9[%get3A_397] {strides = array<i32>} : memref<768xf32, #tpu.memory_space<vmem>>, vector<16xf32>,
    %get3A_399 = vector.shape_cast %get3A_398 : vector<16xf32> to vector<16xf32>
    %mul3A_400 = arith.mulf %scan3A_299#19, %get3A_399 : vector<16xf32>
    %add3A_401 = arith.addf %add3A_396, %mul3A_400 : vector<16xf32>
    %get3A_402 = arith.constant 320 : index
    %get3A_403 = tpu.vector_load %arg9[%get3A_402] {strides = array<i32>} : memref<768xf32, #tpu.memory_space<vmem>>, vector<16xf32>,
    %get3A_404 = vector.shape_cast %get3A_403 : vector<16xf32> to vector<16xf32>
    %mul3A_405 = arith.mulf %scan3A_299#20, %get3A_404 : vector<16xf32>
    %add3A_406 = arith.addf %add3A_401, %mul3A_405 : vector<16xf32>
    %get3A_407 = arith.constant 336 : index
    %get3A_408 = tpu.vector_load %arg9[%get3A_407] {strides = array<i32>} : memref<768xf32, #tpu.memory_space<vmem>>, vector<16xf32>,
    %get3A_409 = vector.shape_cast %get3A_408 : vector<16xf32> to vector<16xf32>
    %mul3A_410 = arith.mulf %scan3A_299#21, %get3A_409 : vector<16xf32>
    %add3A_411 = arith.addf %add3A_406, %mul3A_410 : vector<16xf32>
    %get3A_412 = arith.constant 352 : index
    %get3A_413 = tpu.vector_load %arg9[%get3A_412] {strides = array<i32>} : memref<768xf32, #tpu.memory_space<vmem>>, vector<16xf32>,
    %get3A_414 = vector.shape_cast %get3A_413 : vector<16xf32> to vector<16xf32>
    %mul3A_415 = arith.mulf %scan3A_299#22, %get3A_414 : vector<16xf32>
    %add3A_416 = arith.addf %add3A_411, %mul3A_415 : vector<16xf32>
    %get3A_417 = arith.constant 368 : index
    %get3A_418 = tpu.vector_load %arg9[%get3A_417] {strides = array<i32>} : memref<768xf32, #tpu.memory_space<vmem>>, vector<16xf32>,
    %get3A_419 = vector.shape_cast %get3A_418 : vector<16xf32> to vector<16xf32>
    %mul3A_420 = arith.mulf %scan3A_299#23, %get3A_419 : vector<16xf32>
    %add3A_421 = arith.addf %add3A_416, %mul3A_420 : vector<16xf32>
    %get3A_422 = arith.constant 384 : index
    %get3A_423 = tpu.vector_load %arg9[%get3A_422] {strides = array<i32>} : memref<768xf32, #tpu.memory_space<vmem>>, vector<16xf32>,
    %get3A_424 = vector.shape_cast %get3A_423 : vector<16xf32> to vector<16xf32>
    %mul3A_425 = arith.mulf %scan3A_299#24, %get3A_424 : vector<16xf32>
    %add3A_426 = arith.addf %add3A_421, %mul3A_425 : vector<16xf32>
    %get3A_427 = arith.constant 400 : index
    %get3A_428 = tpu.vector_load %arg9[%get3A_427] {strides = array<i32>} : memref<768xf32, #tpu.memory_space<vmem>>, vector<16xf32>,
    %get3A_429 = vector.shape_cast %get3A_428 : vector<16xf32> to vector<16xf32>
    %mul3A_430 = arith.mulf %scan3A_299#25, %get3A_429 : vector<16xf32>
    %add3A_431 = arith.addf %add3A_426, %mul3A_430 : vector<16xf32>
    %get3A_432 = arith.constant 416 : index
    %get3A_433 = tpu.vector_load %arg9[%get3A_432] {strides = array<i32>} : memref<768xf32, #tpu.memory_space<vmem>>, vector<16xf32>,
    %get3A_434 = vector.shape_cast %get3A_433 : vector<16xf32> to vector<16xf32>
    %mul3A_435 = arith.mulf %scan3A_299#26, %get3A_434 : vector<16xf32>
    %add3A_436 = arith.addf %add3A_431, %mul3A_435 : vector<16xf32>
    %get3A_437 = arith.constant 432 : index
    %get3A_438 = tpu.vector_load %arg9[%get3A_437] {strides = array<i32>} : memref<768xf32, #tpu.memory_space<vmem>>, vector<16xf32>,
    %get3A_439 = vector.shape_cast %get3A_438 : vector<16xf32> to vector<16xf32>
    %mul3A_440 = arith.mulf %scan3A_299#27, %get3A_439 : vector<16xf32>
    %add3A_441 = arith.addf %add3A_436, %mul3A_440 : vector<16xf32>
    %get3A_442 = arith.constant 448 : index
    %get3A_443 = tpu.vector_load %arg9[%get3A_442] {strides = array<i32>} : memref<768xf32, #tpu.memory_space<vmem>>, vector<16xf32>,
    %get3A_444 = vector.shape_cast %get3A_443 : vector<16xf32> to vector<16xf32>
    %mul3A_445 = arith.mulf %scan3A_299#28, %get3A_444 : vector<16xf32>
    %add3A_446 = arith.addf %add3A_441, %mul3A_445 : vector<16xf32>
    %get3A_447 = arith.constant 464 : index
    %get3A_448 = tpu.vector_load %arg9[%get3A_447] {strides = array<i32>} : memref<768xf32, #tpu.memory_space<vmem>>, vector<16xf32>,
    %get3A_449 = vector.shape_cast %get3A_448 : vector<16xf32> to vector<16xf32>
    %mul3A_450 = arith.mulf %scan3A_299#29, %get3A_449 : vector<16xf32>
    %add3A_451 = arith.addf %add3A_446, %mul3A_450 : vector<16xf32>
    %get3A_452 = arith.constant 480 : index
    %get3A_453 = tpu.vector_load %arg9[%get3A_452] {strides = array<i32>} : memref<768xf32, #tpu.memory_space<vmem>>, vector<16xf32>,
    %get3A_454 = vector.shape_cast %get3A_453 : vector<16xf32> to vector<16xf32>
    %mul3A_455 = arith.mulf %scan3A_299#30, %get3A_454 : vector<16xf32>
    %add3A_456 = arith.addf %add3A_451, %mul3A_455 : vector<16xf32>
    %get3A_457 = arith.constant 496 : index
    %get3A_458 = tpu.vector_load %arg9[%get3A_457] {strides = array<i32>} : memref<768xf32, #tpu.memory_space<vmem>>, vector<16xf32>,
    %get3A_459 = vector.shape_cast %get3A_458 : vector<16xf32> to vector<16xf32>
    %mul3A_460 = arith.mulf %scan3A_299#31, %get3A_459 : vector<16xf32>
    %add3A_461 = arith.addf %add3A_456, %mul3A_460 : vector<16xf32>
    %get3A_462 = arith.constant 512 : index
    %get3A_463 = tpu.vector_load %arg9[%get3A_462] {strides = array<i32>} : memref<768xf32, #tpu.memory_space<vmem>>, vector<16xf32>,
    %get3A_464 = vector.shape_cast %get3A_463 : vector<16xf32> to vector<16xf32>
    %mul3A_465 = arith.mulf %scan3A_299#32, %get3A_464 : vector<16xf32>
    %add3A_466 = arith.addf %add3A_461, %mul3A_465 : vector<16xf32>
    %get3A_467 = arith.constant 528 : index
    %get3A_468 = tpu.vector_load %arg9[%get3A_467] {strides = array<i32>} : memref<768xf32, #tpu.memory_space<vmem>>, vector<16xf32>,
    %get3A_469 = vector.shape_cast %get3A_468 : vector<16xf32> to vector<16xf32>
    %mul3A_470 = arith.mulf %scan3A_299#33, %get3A_469 : vector<16xf32>
    %add3A_471 = arith.addf %add3A_466, %mul3A_470 : vector<16xf32>
    %get3A_472 = arith.constant 544 : index
    %get3A_473 = tpu.vector_load %arg9[%get3A_472] {strides = array<i32>} : memref<768xf32, #tpu.memory_space<vmem>>, vector<16xf32>,
    %get3A_474 = vector.shape_cast %get3A_473 : vector<16xf32> to vector<16xf32>
    %mul3A_475 = arith.mulf %scan3A_299#34, %get3A_474 : vector<16xf32>
    %add3A_476 = arith.addf %add3A_471, %mul3A_475 : vector<16xf32>
    %get3A_477 = arith.constant 560 : index
    %get3A_478 = tpu.vector_load %arg9[%get3A_477] {strides = array<i32>} : memref<768xf32, #tpu.memory_space<vmem>>, vector<16xf32>,
    %get3A_479 = vector.shape_cast %get3A_478 : vector<16xf32> to vector<16xf32>
    %mul3A_480 = arith.mulf %scan3A_299#35, %get3A_479 : vector<16xf32>
    %add3A_481 = arith.addf %add3A_476, %mul3A_480 : vector<16xf32>
    %get3A_482 = arith.constant 576 : index
    %get3A_483 = tpu.vector_load %arg9[%get3A_482] {strides = array<i32>} : memref<768xf32, #tpu.memory_space<vmem>>, vector<16xf32>,
    %get3A_484 = vector.shape_cast %get3A_483 : vector<16xf32> to vector<16xf32>
    %mul3A_485 = arith.mulf %scan3A_299#36, %get3A_484 : vector<16xf32>
    %add3A_486 = arith.addf %add3A_481, %mul3A_485 : vector<16xf32>
    %get3A_487 = arith.constant 592 : index
    %get3A_488 = tpu.vector_load %arg9[%get3A_487] {strides = array<i32>} : memref<768xf32, #tpu.memory_space<vmem>>, vector<16xf32>,
    %get3A_489 = vector.shape_cast %get3A_488 : vector<16xf32> to vector<16xf32>
    %mul3A_490 = arith.mulf %scan3A_299#37, %get3A_489 : vector<16xf32>
    %add3A_491 = arith.addf %add3A_486, %mul3A_490 : vector<16xf32>
    %get3A_492 = arith.constant 608 : index
    %get3A_493 = tpu.vector_load %arg9[%get3A_492] {strides = array<i32>} : memref<768xf32, #tpu.memory_space<vmem>>, vector<16xf32>,
    %get3A_494 = vector.shape_cast %get3A_493 : vector<16xf32> to vector<16xf32>
    %mul3A_495 = arith.mulf %scan3A_299#38, %get3A_494 : vector<16xf32>
    %add3A_496 = arith.addf %add3A_491, %mul3A_495 : vector<16xf32>
    %get3A_497 = arith.constant 624 : index
    %get3A_498 = tpu.vector_load %arg9[%get3A_497] {strides = array<i32>} : memref<768xf32, #tpu.memory_space<vmem>>, vector<16xf32>,
    %get3A_499 = vector.shape_cast %get3A_498 : vector<16xf32> to vector<16xf32>
    %mul3A_500 = arith.mulf %scan3A_299#39, %get3A_499 : vector<16xf32>
    %add3A_501 = arith.addf %add3A_496, %mul3A_500 : vector<16xf32>
    %get3A_502 = arith.constant 640 : index
    %get3A_503 = tpu.vector_load %arg9[%get3A_502] {strides = array<i32>} : memref<768xf32, #tpu.memory_space<vmem>>, vector<16xf32>,
    %get3A_504 = vector.shape_cast %get3A_503 : vector<16xf32> to vector<16xf32>
    %mul3A_505 = arith.mulf %scan3A_299#40, %get3A_504 : vector<16xf32>
    %add3A_506 = arith.addf %add3A_501, %mul3A_505 : vector<16xf32>
    %get3A_507 = arith.constant 656 : index
    %get3A_508 = tpu.vector_load %arg9[%get3A_507] {strides = array<i32>} : memref<768xf32, #tpu.memory_space<vmem>>, vector<16xf32>,
    %get3A_509 = vector.shape_cast %get3A_508 : vector<16xf32> to vector<16xf32>
    %mul3A_510 = arith.mulf %scan3A_299#41, %get3A_509 : vector<16xf32>
    %add3A_511 = arith.addf %add3A_506, %mul3A_510 : vector<16xf32>
    %get3A_512 = arith.constant 672 : index
    %get3A_513 = tpu.vector_load %arg9[%get3A_512] {strides = array<i32>} : memref<768xf32, #tpu.memory_space<vmem>>, vector<16xf32>,
    %get3A_514 = vector.shape_cast %get3A_513 : vector<16xf32> to vector<16xf32>
    %mul3A_515 = arith.mulf %scan3A_299#42, %get3A_514 : vector<16xf32>
    %add3A_516 = arith.addf %add3A_511, %mul3A_515 : vector<16xf32>
    %get3A_517 = arith.constant 688 : index
    %get3A_518 = tpu.vector_load %arg9[%get3A_517] {strides = array<i32>} : memref<768xf32, #tpu.memory_space<vmem>>, vector<16xf32>,
    %get3A_519 = vector.shape_cast %get3A_518 : vector<16xf32> to vector<16xf32>
    %mul3A_520 = arith.mulf %scan3A_299#43, %get3A_519 : vector<16xf32>
    %add3A_521 = arith.addf %add3A_516, %mul3A_520 : vector<16xf32>
    %get3A_522 = arith.constant 704 : index
    %get3A_523 = tpu.vector_load %arg9[%get3A_522] {strides = array<i32>} : memref<768xf32, #tpu.memory_space<vmem>>, vector<16xf32>,
    %get3A_524 = vector.shape_cast %get3A_523 : vector<16xf32> to vector<16xf32>
    %mul3A_525 = arith.mulf %scan3A_299#44, %get3A_524 : vector<16xf32>
    %add3A_526 = arith.addf %add3A_521, %mul3A_525 : vector<16xf32>
    %get3A_527 = arith.constant 720 : index
    %get3A_528 = tpu.vector_load %arg9[%get3A_527] {strides = array<i32>} : memref<768xf32, #tpu.memory_space<vmem>>, vector<16xf32>,
    %get3A_529 = vector.shape_cast %get3A_528 : vector<16xf32> to vector<16xf32>
    %mul3A_530 = arith.mulf %scan3A_299#45, %get3A_529 : vector<16xf32>
    %add3A_531 = arith.addf %add3A_526, %mul3A_530 : vector<16xf32>
    %get3A_532 = arith.constant 736 : index
    %get3A_533 = tpu.vector_load %arg9[%get3A_532] {strides = array<i32>} : memref<768xf32, #tpu.memory_space<vmem>>, vector<16xf32>,
    %get3A_534 = vector.shape_cast %get3A_533 : vector<16xf32> to vector<16xf32>
    %mul3A_535 = arith.mulf %scan3A_299#46, %get3A_534 : vector<16xf32>
    %add3A_536 = arith.addf %add3A_531, %mul3A_535 : vector<16xf32>
    %get3A_537 = arith.constant 752 : index
    %get3A_538 = tpu.vector_load %arg9[%get3A_537] {strides = array<i32>} : memref<768xf32, #tpu.memory_space<vmem>>, vector<16xf32>,
    %get3A_539 = vector.shape_cast %get3A_538 : vector<16xf32> to vector<16xf32>
    %mul3A_540 = arith.mulf %scan3A_299#47, %get3A_539 : vector<16xf32>
    %add3A_541 = arith.addf %add3A_536, %mul3A_540 : vector<16xf32>
    %swap3A = arith.constant 0 : index
    %swap3A_542 = tpu.vector_load %arg10[%swap3A] {strides = array<i32>} : memref<16xf32, #tpu.memory_space<vmem>>, vector<16xf32>,
    %swap3A_543 = vector.shape_cast %swap3A_542 : vector<16xf32> to vector<16xf32>
    %swap3A_544 = vector.shape_cast %add3A_541 : vector<16xf32> to vector<16xf32>
    tpu.vector_store %arg10[%swap3A], %swap3A_544 {strides = array<i32>} : memref<16xf32, #tpu.memory_space<vmem>>, vector<16xf32>,
    %jit3A_545 = arith.constant 8 : i32
    %eq3A_546 = arith.constant 0 : i32
    %eq3A_547 = arith.cmpi eq, %jit3A_545, %eq3A_546 : i32
    %jit3A_548 = arith.constant 1 : i32
    %select_n3A_549 = arith.select %eq3A_547, %jit3A_548, %jit3A_545 : i32
    %rem3A_550 = arith.remsi %add3A, %select_n3A_549 : i32
    %ne3A_551 = arith.constant 0 : i32
    %ne3A_552 = arith.cmpi ne, %rem3A_550, %ne3A_551 : i32
    %lt3A_553 = arith.constant 0 : i32
    %lt3A_554 = arith.cmpi slt, %rem3A_550, %lt3A_553 : i32
    %lt3A_555 = arith.constant 0 : i32
    %lt3A_556 = arith.cmpi slt, %select_n3A_549, %lt3A_555 : i32
    %ne3A_557 = arith.xori %lt3A_554, %lt3A_556 : i1
    %and3A_558 = arith.andi %ne3A_557, %ne3A_552 : i1
    %add3A_559 = arith.addi %rem3A_550, %select_n3A_549 : i32
    %select_n3A_560 = arith.select %and3A_558, %add3A_559, %rem3A_550 : i32
    %mul3A_561 = arith.constant 16 : i32
    %mul3A_562 = arith.muli %select_n3A_560, %mul3A_561 : i32
    "tpu.region"() ({
      %run_scoped3A = tpu.sem_alloc : memref<!tpu.dma_semaphore, #tpu.memory_space<semaphore_mem>>
      %dma_start3A_563 = tpu.memref_slice %arg5[%select_n3A, %mul3A_562] : memref<4x128xf32, #tpu.memory_space<hbm>> -> memref<1x16xf32, #tpu.memory_space<hbm>>
      %dma_start3A_564 = tpu.memref_squeeze %dma_start3A_563 : memref<1x16xf32, #tpu.memory_space<hbm>> -> memref<16xf32, #tpu.memory_space<hbm>>
      %dma_start3A_565 = tpu.memref_slice %arg5[%select_n3A, %mul3A_562] : memref<4x128xf32, #tpu.memory_space<hbm>> -> memref<1x16xf32, #tpu.memory_space<hbm>>
      %dma_start3A_566 = tpu.memref_squeeze %dma_start3A_565 : memref<1x16xf32, #tpu.memory_space<hbm>> -> memref<16xf32, #tpu.memory_space<hbm>>
      tpu.enqueue_dma source(%arg10 : memref<16xf32, #tpu.memory_space<vmem>>) target(%dma_start3A_566 : memref<16xf32, #tpu.memory_space<hbm>>) target_semaphore(%run_scoped3A : memref<!tpu.dma_semaphore, #tpu.memory_space<semaphore_mem>>)
      %dma_wait3A_567 = tpu.memref_slice %arg5[%select_n3A, %mul3A_562] : memref<4x128xf32, #tpu.memory_space<hbm>> -> memref<1x16xf32, #tpu.memory_space<hbm>>
      %dma_wait3A_568 = tpu.memref_squeeze %dma_wait3A_567 : memref<1x16xf32, #tpu.memory_space<hbm>> -> memref<16xf32, #tpu.memory_space<hbm>>
      %dma_wait3A_569 = tpu.memref_slice %arg5[%select_n3A, %mul3A_562] : memref<4x128xf32, #tpu.memory_space<hbm>> -> memref<1x16xf32, #tpu.memory_space<hbm>>
      %dma_wait3A_570 = tpu.memref_squeeze %dma_wait3A_569 : memref<1x16xf32, #tpu.memory_space<hbm>> -> memref<16xf32, #tpu.memory_space<hbm>>
      tpu.wait_dma2 semaphore(%run_scoped3A : memref<!tpu.dma_semaphore, #tpu.memory_space<semaphore_mem>>) src(%arg10 : memref<16xf32, #tpu.memory_space<vmem>>) dst(%dma_wait3A_570 : memref<16xf32, #tpu.memory_space<hbm>>)
      tpu.yield
    }) : () -> ()
    return
  }
}

module attributes {stable_mosaic.version = 14 : i64} {
  func.func @_finish_body(%arg0: memref<4x128xf32, #tpu.memory_space<vmem>>, %arg1: memref<4x2048xi32, #tpu.memory_space<vmem>>, %arg2: memref<1x768xf32, #tpu.memory_space<vmem>>, %arg3: memref<768xf32, #tpu.memory_space<vmem>>, %arg4: memref<4xf32, #tpu.memory_space<vmem>>) attributes {dimension_semantics = [], scalar_prefetch = 0 : i64, scratch_operands = 0 : i64, tpu.core_type = #tpu.core_type<tc>} {
    %get3A = arith.constant 0 : index
    %get3A_0 = arith.constant 0 : index
    %get3A_1 = vector.load %arg0[%get3A, %get3A_0] : memref<4x128xf32, #tpu.memory_space<vmem>>, vector<4x128xf32>
    %reduce_sum3A = arith.constant dense<0.000000e+00> : vector<4xf32>
    %reduce_sum3A_2 = vector.multi_reduction <add>, %get3A_1, %reduce_sum3A [1] : vector<4x128xf32> to vector<4xf32>
    %get3A_3 = arith.constant 0 : index
    %get3A_4 = arith.constant 0 : index
    %get3A_5 = vector.load %arg1[%get3A_3, %get3A_4] : memref<4x2048xi32, #tpu.memory_space<vmem>>, vector<4x2048xi32>
    %get3A_6 = arith.constant dense<0> : vector<4x2048xi32>
    %get3A_7 = arith.cmpi ne, %get3A_5, %get3A_6 : vector<4x2048xi32>
    %convert_element_type3A = arith.extui %get3A_7 : vector<4x2048xi1> to vector<4x2048xi32>
    %convert_element_type3A_8 = arith.sitofp %convert_element_type3A : vector<4x2048xi32> to vector<4x2048xf32>
    %reduce_sum3A_9 = arith.constant dense<0.000000e+00> : vector<4xf32>
    %reduce_sum3A_10 = vector.multi_reduction <add>, %convert_element_type3A_8, %reduce_sum3A_9 [1] : vector<4x2048xf32> to vector<4xf32>
    %get3A_11 = arith.constant 0 : index
    %get3A_12 = arith.constant 0 : index
    %get3A_13 = vector.load %arg2[%get3A_11, %get3A_12] : memref<1x768xf32, #tpu.memory_space<vmem>>, vector<1x768xf32>
    %get3A_14 = arith.constant 0 : index
    %get3A_15 = vector.load %arg3[%get3A_14] : memref<768xf32, #tpu.memory_space<vmem>>, vector<768xf32>
    %broadcast_in_dim3A = vector.shape_cast %get3A_15 : vector<768xf32> to vector<1x768xf32>
    %mul3A = arith.mulf %get3A_13, %broadcast_in_dim3A : vector<1x768xf32>
    %reduce_sum3A_16 = vector.shape_cast %mul3A : vector<1x768xf32> to vector<1x1x768xf32>
    %reduce_sum3A_17 = arith.constant dense<0.000000e+00> : vector<1xf32>
    %reduce_sum3A_18 = vector.multi_reduction <add>, %reduce_sum3A_16, %reduce_sum3A_17 [1, 2] : vector<1x1x768xf32> to vector<1xf32>
    %reduce_sum3A_19 = vector.shape_cast %reduce_sum3A_18 : vector<1xf32> to vector<1x1x1xf32>
    %reduce_sum3A_20 = vector.extract %reduce_sum3A_19[0, 0, 0] : f32 from vector<1x1x1xf32>
    %sub3A = arith.constant 2.048000e+03 : f32
    %sub3A_21 = vector.broadcast %sub3A : f32 to vector<4xf32>
    %sub3A_22 = arith.subf %sub3A_21, %reduce_sum3A_10 : vector<4xf32>
    %mul3A_23 = vector.broadcast %reduce_sum3A_20 : f32 to vector<4xf32>
    %mul3A_24 = arith.mulf %sub3A_22, %mul3A_23 : vector<4xf32>
    %sub3A_25 = arith.subf %reduce_sum3A_2, %mul3A_24 : vector<4xf32>
    %jit3A = arith.constant 9.99999974E-6 : f32
    %max3A = vector.broadcast %jit3A : f32 to vector<4xf32>
    %max3A_26 = arith.maximumf %max3A, %reduce_sum3A_10 : vector<4xf32>
    %div3A = arith.divf %sub3A_25, %max3A_26 : vector<4xf32>
    %swap3A = arith.constant 0 : index
    %swap3A_27 = vector.load %arg4[%swap3A] : memref<4xf32, #tpu.memory_space<vmem>>, vector<4xf32>
    tpu.vector_store %arg4[%swap3A], %div3A {strides = array<i32>} : memref<4xf32, #tpu.memory_space<vmem>>, vector<4xf32>,
    return
  }
}

</mosaic_0001>

<sc_bundles>
// kernel: kernel.4.cloned.1.call-start
scs
__scs_entry_jumppad:
0x0: {  	(pc) =	sbr.rel $0x88, $3  }
0x1: {  	(tag) =	ssettag $0x0;
	lr =	simm.s32 $0x1  }
0x2: {  	[smem:$0x3F9D] =	sst lr;
	_ =	strace $0xD0000000  }
0x3: {  	_ = 	snop  }
0x4: {  	_ = 	snop  }
0x5: {  	_ = 	snop  }
0x6: {  	_ = 	snop  }
0x7: {  	_ = 	snop  }
__scs_overlays_trampoline_lowered:
0x8: {  	[smem:$0x3FAC] =	sst s0  }
0x9: {  	[smem:$0x3FAD] =	sst s1  }
0xa: {  	[smem:$0x3FAE] =	sst s2  }
0xb: {  	[smem:$0x3FAF] =	sst s3  }
0xc: {  	[smem:$0x3FB0] =	sst s4  }
0xd: {  	[smem:$0x3FB1] =	sst s5  }
0xe: {  	[smem:$0x3FB2] =	sst s6  }
0xf: {  	[smem:$0x3FB3] =	sst s7  }
0x10: {  	[smem:$0x3FB4] =	sst s8  }
0x11: {  	[smem:$0x3FB5] =	sst s9;
	s0 =	simm.s32 @!p0 $0x0  }
0x12: {  	s1 =	sld [smem:$0x3F9B];
	s0 =	simm.s32 @p0 $0x1  }
0x13: {  	[smem:$0x3FB6] =	sst s0;
	s0 =	simm.s32 @!p1 $0x0  }
0x14: {  	s2 =	sld [smem:$0x3F9A];
	s0 =	simm.s32 @p1 $0x1  }
0x15: {  	[smem:$0x3FB7] =	sst s0;
	s0 =	simm.s32 @!p2 $0x0  }
0x16: {  	s3 =	sld [smem:$0x3FDB];
	s0 =	simm.s32 @p2 $0x1  }
0x17: {  	s4 =	simm.s32 $0x1BF5;
	[smem:$0x3FB9] =	sst s0  }
0x18: {  	s0 =	sld [smem:$0x3F9C];
	_ =	swait.ge [sflag:s4], $0x0  }
0x19: {  	s7 =	sld [smem:$0x3F9D]  }
0x1a: {  	s8 =	sadd.s32 $0xFFFFE003, lr  }
0x1b: {  	s9 =	sadd.s32 $0xFFFFFEF7, lr;
	s5 =	simm.s32 $0xFFFFFFFF;
	p2 =	slt.u32 s8, $0xFFFFF086  }
0x1c: {  	p1 =	slt.u32 s9, $0xF7A;
	s5 =	simm.s32 @!p2 $0x0  }
0x1d: {  	s5 =	simm.s32 @p1 $0x1;
	p0 =	seq.s32 s7, s2  }
0x1e: {  	s7 =	smul.u32 @!p0 $0xF7A, s2;
	p2 =	seq.s32 @!p0 s5, $0x0  }
0x1f: {  	s9 =	smul.u32 $0xF7A, s1;
	s8 =	simm.s32 @!p0 $0x1BF5;
	p2 =	por !p2, p0  }
0x20: {  	[sflag:s8] =	ssyncset.s32 @!p0 $0xFFFFF086;
	s6 =	sadd.s32 @!p0 s3, s7;
	s7 =	simm.s32 @!p0 $0x108  }
0x21: {  	s3 =	sadd.s32 s3, s9;
	s6 =	sadd.s32 @!p0 $0x88, s6;
	s7 =	simm.s32 @p2 $0x1082  }
0x22: {  	[simem:s7], [sflag:s8] =	dma.local @!p0 [hbm:s6], $0xF7A  }
0x23: {  	s9 =	sor.u32 $0xD0000000, s2;
	s6 =	simm.s32 $0x108;
	_ =	swait.ge @!p0 [sflag:s8], $0x0  }
0x24: {  	s3 =	sadd.s32 $0x88, s3;
	s6 =	simm.s32 @!p1 $0x1082;
	[sflag:s4] =	ssyncset.s32 $0xFFFFF086  }
0x25: {  	[simem:s6], [sflag:s4] =	dma.local [hbm:s3], $0xF7A  }
0x26: {  	[smem:$0x3F9D] =	sst s1;
	(tag) =	ssettag s2;
	_ =	strace s9  }
0x27: {  	s1 =	sld [smem:$0x3FAD]  }
0x28: {  	s2 =	sld [smem:$0x3FAE]  }
0x29: {  	s4 =	sld [smem:$0x3FB0]  }
0x2a: {  	p0 =	seq.s32 s5, $0x0;
	s5 =	sld [smem:$0x3FB1]  }
0x2b: {  	s6 =	sld [smem:$0x3FB2]  }
0x2c: {  	s7 =	sld [smem:$0x3FB3]  }
0x2d: {  	s3 =	simm.s32 $0x108;
	s8 =	sld [smem:$0x3FB4]  }
0x2e: {  	s3 =	simm.s32 @!p0 $0x1082;
	s9 =	sld [smem:$0x3FB5]  }
0x2f: {  	lr =	sadd.s32 s0, s3;
	s0 =	sld [smem:$0x3FAC]  }
0x30: {  	s3 =	sld [smem:$0x3FAF]  }
0x31: {  	[smem:$0x3FB8] =	sst s10  }
0x32: {  	s10 =	sld [smem:$0x3FB6];
	_ =	sdelay $0x3  }
0x33: {  	p0 =	seq.s32 s10, $0x1;
	s10 =	sld [smem:$0x3FB8];
	_ =	sdelay $0x3  }
0x34: {  	[smem:$0x3FB8] =	sst s10  }
0x35: {  	s10 =	sld [smem:$0x3FB7];
	_ =	sdelay $0x3  }
0x36: {  	p1 =	seq.s32 s10, $0x1;
	s10 =	sld [smem:$0x3FB8];
	_ =	sdelay $0x3  }
0x37: {  	[smem:$0x3FB8] =	sst s10  }
0x38: {  	s10 =	sld [smem:$0x3FB9]  }
0x39: {  	_ = 	snop;
	(pc) =	sbr.ind lr, $3  }
0x3a: {  	_ = 	snop  }
0x3b: {  	_ = 	snop  }
0x3c: {  	p2 =	seq.s32 s10, $0x1;
	s10 =	sld [smem:$0x3FB8]  }
0x3d: {  	_ =	shalt  }
0x3e: {  	_ =	shalt  }
0x3f: {  	_ =	shalt  }
0x40: {  	_ =	shalt  }
0x41: {  	_ =	shalt  }
0x42: {  	_ =	shalt  }
0x43: {  	_ =	shalt  }
0x44: {  	_ =	shalt  }
0x45: {  	_ =	shalt  }
0x46: {  	_ =	shalt  }
0x47: {  	_ =	shalt  }
0x48: {  	_ =	shalt  }
0x49: {  	_ =	shalt  }
0x4a: {  	_ =	shalt  }
0x4b: {  	_ =	shalt  }
0x4c: {  	_ =	shalt  }
0x4d: {  	_ =	shalt  }
0x4e: {  	_ =	shalt  }
0x4f: {  	_ =	shalt  }
0x50: {  	_ =	shalt  }
0x51: {  	_ =	shalt  }
0x52: {  	_ =	shalt  }
0x53: {  	_ =	shalt  }
0x54: {  	_ =	shalt  }
0x55: {  	_ =	shalt  }
0x56: {  	_ =	shalt  }
0x57: {  	_ =	shalt  }
0x58: {  	_ =	shalt  }
0x59: {  	_ =	shalt  }
0x5a: {  	_ =	shalt  }
0x5b: {  	_ =	shalt  }
0x5c: {  	_ =	shalt  }
0x5d: {  	_ =	shalt  }
0x5e: {  	_ =	shalt  }
0x5f: {  	_ =	shalt  }
0x60: {  	_ =	shalt  }
0x61: {  	_ =	shalt  }
0x62: {  	_ =	shalt  }
0x63: {  	_ =	shalt  }
0x64: {  	_ =	shalt  }
0x65: {  	_ =	shalt  }
0x66: {  	_ =	shalt  }
0x67: {  	_ =	shalt  }
0x68: {  	_ =	shalt  }
0x69: {  	_ =	shalt  }
0x6a: {  	_ =	shalt  }
0x6b: {  	_ =	shalt  }
0x6c: {  	_ =	shalt  }
0x6d: {  	_ =	shalt  }
0x6e: {  	_ =	shalt  }
0x6f: {  	_ =	shalt  }
0x70: {  	_ =	shalt  }
0x71: {  	_ =	shalt  }
0x72: {  	_ =	shalt  }
0x73: {  	_ =	shalt  }
0x74: {  	_ =	shalt  }
0x75: {  	_ =	shalt  }
0x76: {  	_ =	shalt  }
0x77: {  	_ =	shalt  }
0x78: {  	_ =	shalt  }
0x79: {  	_ =	shalt  }
0x7a: {  	_ =	shalt  }
0x7b: {  	_ =	shalt  }
0x7c: {  	_ =	shalt  }
0x7d: {  	_ =	shalt  }
0x7e: {  	_ =	shalt  }
0x7f: {  	_ =	shalt  }
0x80: {  	_ =	shalt  }
0x81: {  	_ =	shalt  }
0x82: {  	_ =	shalt  }
0x83: {  	_ =	shalt  }
0x84: {  	_ =	shalt  }
0x85: {  	_ =	shalt  }
0x86: {  	_ =	shalt  }
0x87: {  	_ =	shalt  }
.Lfunc_end0:
.L_simem_size_0:
called_computation_lowered:
.L_overlay_start_0:
0x88: {  	s2 =	sld [smem:$0x3FD9]  }
0x89: {  	s3 =	sld [smem:$0x3FFE];
	_ =	sdelay $0x1  }
0x8a: {  	s1 =	srdreg.scid  }
0x8b: {  	s0 =	sand.u32 $0x1, s1  }
0x8c: {  	s17 =	sshll.u32 s0, $0xA;
	s2 =	sadd.s32 s3, s2  }
0x8d: {  	s2 =	sadd.s32 s2, s17  }
0x8e: {  	[smem:$0x3FC4] =	sst s2  }
0x8f: {  	_ = 	snop  }
0x90: {  	s2 =	sld [smem:$0x3FC7]  }
0x91: {  	s18 =	sld [smem:$0x3FC6];
	(tm) =	ssettm $0x1  }
0x92: {  	s4 =	sld [smem:$0x3FFB];
	_ =	sdelay $0x3  }
0x93: {  	_ =	strace s4  }
0x94: {  	s4 =	sld [smem:$0x3FFC];
	_ =	sdelay $0x3  }
0x95: {  	_ =	strace s4  }
0x96: {  	s4 =	sld [smem:$0x3FFD];
	_ =	sdelay $0x3  }
0x97: {  	_ =	strace s4  }
0x98: {  	_ =	strace $0x8FFFFFFF  }
0x99: {  	s19 =	sld [smem:$0x3FDB];
	_ =	sdelay $0x1  }
0x9a: {  	s5 =	simm.s32 $_scs_section_size  }
0x9b: {  	s6 =	simm.s32 $_size__tile_overlayer_lowered;
	s7 =	simm.s32 $_tile_overlayer_lowered  }
0x9c: {  	s22 =	simm.s32 $0x1BFF;
	s21 =	sshll.u32 s7, $0x1;
	s4 =	sadd.s32 s5, s19  }
0x9d: {  	s8 =	simm.s32 $0x0;
	s20 =	sshll.u32 s6, $0x1;
	s6 =	sadd.s32 s21, s4  }
0x9e: {  	[timem:s8], [sflag:s22] =	dma.local [hbm:s6], s20  }
0x9f: {  	_ =	swait.ge [sflag:s22], s20  }
0xa0: {  	s5 =	ssub.s32 $0x0, s20;
	[sflag:s22] =	ssyncset.done $0x0  }
0xa1: {  	[sflag:s22] =	ssyncadd.s32 s5;
	_ =	sdelay $0x1  }
0xa2: {  	s23 =	simm.s32 $0x1B8B  }
0xa3: {  	_ =	swait.ge [sflag:s23], $0x1  }
0xa4: {  	[sflag:s23] =	ssyncset.done $0x0  }
0xa5: {  	s25 =	simm.s32 $0x1B8E;
	s24 =	sld [smem:$0x3FFE];
	[sflag:s23] =	ssyncadd.s32 $0xFFFFFFFF  }
0xa6: {  	s26 =	simm.s32 $execute0_lowered;
	[smem:$0x3FD2] =	sst s25  }
0xa7: {  	s6 =	sshll.u32 s26, $0x1;
	_ =	strace $0x80000046;
	[dreg:$0x1] =	wrdreg $0xFFFFFFFF  }
0xa8: {  	s28 =	simm.s32 $_size_execute0_lowered;
	s4 =	sadd.s32 s4, s6;
	[dreg:$0x0] =	wrdreg $0x0  }
0xa9: {  	s6 =	sshll.u32 s28, $0x1;
	[dreg:$0x2] =	wrdreg s4  }
0xaa: {  	[dreg:$0x3] =	wrdreg s6  }
0xab: {  	[dreg:$0x4] =	wrdreg $0xC0  }
0xac: {  	_ =	task [dreg:s8], $0x5FFFF  }
0xad: {  	[dreg:$0x1] =	wrdreg $0xFFFFFFFF  }
0xae: {  	[dreg:$0x0] =	wrdreg $0x60  }
0xaf: {  	[dreg:$0x2] =	wrdreg s24  }
0xb0: {  	[dreg:$0x3] =	wrdreg s2  }
0xb1: {  	[dreg:$0x4] =	wrdreg s18  }
0xb2: {  	[dreg:$0x5] =	wrdreg $0x9  }
0xb3: {  	_ =	task.clear_ibuf [dreg:s8], $0x6FFFF;
	_ =	strace $0x90000046  }
0xb4: {  	s29 =	simm.s32 $0x9;
	_ =	strace $0x80000048  }
0xb5: {  	_ =	swait.ge [sflag:s29], $0x1  }
0xb6: {  	[sflag:s29] =	ssyncadd.s32 $0xFFFFFFFF  }
0xb7: {  	_ =	strace $0x90000048  }
0xb8: {  	_ =	sfence  }
0xb9: {  	s30 =	sld [smem:$0x0];
	_ =	sdelay $0x2  }
0xba: {  	s31 =	sshll.u32 s1, $0xD;
	s1 =	sshrl.u32 s1, $0x2  }
0xbb: {  	s3 =	sand.u32 $0x4000, s31;
	s1 =	sadd.s32 s1, s30  }
0xbc: {  	s0 =	sor.u32 s3, s0;
	s1 =	sshll.u32 s1, $0x11  }
0xbd: {  	s0 =	sor.u32 s1, s0  }
0xbe: {  	s0 =	sadd.s32 $0x8F2B, s0  }
0xbf: {  	[sflag:s0] =	ssyncadd.remote.s32 $0x1  }
0xc0: {  	_ =	sfence.sel $0xFFFF  }
0xc1: {  	[dreg:$0x0] =	wrdreg $0xFFFFFFFF;
	(pc) =	sbr.abs _section_cstart, $3  }
0xc2: {  	[dreg:$0x1] =	wrdreg $0xFFFFFFFF  }
0xc3: {  	_ =	task.clear_ibuf [dreg:s8], $0x2FFFF;
	_ =	strace $0x9FFFFFFF  }
0xc4: {  	(tm) =	ssettm $0x7FFFFFFF  }
0xc5: {  	_ =	shalt  }
tec
execute0_lowered:
.L_overlay_start_1:
0x0: {  	(tag) =	ssettag $0x1  }
0x1: {  	s0 =	rddreg [dreg:$0x0]  }
0x2: {  	s2 =	rddreg [dreg:$0x1]  }
0x3: {  	s5 =	stileid.u32;
	s4 =	simm.s32 $0x0;
	s1 =	srdreg.scid  }
0x4: {  	s16 =	simm.s32 $0x3;
	s30 =	simm.s32 $0x10200;
	s31 =	simm.s32 $0x10A00  }
0x5: {  	s13 =	simm.s32 $0x13200;
	s14 =	simm.s32 $0x13A00;
	s15 =	simm.s32 $0x14A00  }
0x6: {  	s17 =	simm.s32 $0x15A00;
	s18 =	simm.s32 $0x16A00;
	s19 =	simm.s32 $0x17200  }
0x7: {  	s20 =	simm.s32 $0x17A00;
	s11 =	simm.s32 $0x1;
	s12 =	simm.s32 $0x2  }
0x8: {  	s21 =	simm.s32 $0x4;
	s22 =	simm.s32 $0x5;
	s3 =	sshll.u32 s5, $0x1  }
0x9: {  	[smem:$0x7FF] =	sst s4;
	s1 =	sand.u32 $0x1, s1;
	s5 =	sshll.u32 s5, $0x5  }
0xa: {  	s6 =	sadd.s32 $0xA00, s0;
	s9 =	sadd.s32 $0x100, s2;
	s3 =	sand.u32 $0x6, s3  }
0xb: {  	s10 =	sadd.s32 $0x200, s2;
	_ =	strace $0x80000047;
	s3 =	sor.u32 s1, s3  }
0xc: {  	s5 =	sand.u32 $0x180, s5;
	s1 =	ssub.s32 $0x2, s1;
	s7 =	sshll.u32 s3, $0x4  }
0xd: {  	s3 =	sshll.u32 s3, $0xA;
	s8 =	sshrl.u32 s1, $0x1;
	s7 =	sor.u32 s5, s7  }
0xe: {  	s3 =	sor.u32 s5, s3;
	s1 =	ssub.s32 s1, s8;
	s5 =	simm.s32 $0x12200  }
0xf: {  	s8 =	simm.s32 $0x16200;
	s7 =	sshrl.u32 s7, $0x3;
	s3 =	sshrl.u32 s3, $0x3  }
0x10: {  	s29 =	smax.u32 s1, $0x1;
	s1 =	simm.s32 $0x11A00;
	s23 =	sadd.s32 s7, s0  }
0x11: {  	s24 =	sadd.s32 s6, s3;
	s0 =	sadd.s32 $0xA08, s0;
	[dreg:$0x9] =	wrdreg s29  }
0x12: {  	v0 =	vlaneseq.u32;
	s25 =	sor.u32 $0x40, s3;
	[dreg:$0x4] =	wrdreg s24;
	s3 =	sadd.s32 s3, s0  }
0x13: {  	v1 =	vand.u32 $0x7, v0;
	v63 =	vshrl.u32 v0, $0x3;
	s7 =	simm.s32 $0x15200;
	s26 =	sadd.s32 s6, s25;
	[dreg:$0x5] =	wrdreg s3  }
0x14: {  	v0 =	vor.u32 $0x8, v0;
	[tilespmem:$0x1FFD0] =	vst v1;
	v1 =	vmul.u32 $0x8, v63;
	s0 =	sadd.s32 s25, s0;
	s28 =	sadd.s32 $0xE00, s23;
	[dreg:$0x6] =	wrdreg s26  }
0x15: {  	[tilespmem:$0x1FFF0] =	vst v0;
	s6 =	simm.s32 $0x14200;
	s23 =	simm.s32 $0x0;
	[dreg:$0x7] =	wrdreg s0  }
0x16: {  	vm0 =	vmmov $0xffff;
	[tilespmem:$0x1FFE0] =	vst v1;
	[dreg:$0x8] =	wrdreg s28;
	s0 =	simm.s32 $0x11200;
	s3 =	simm.s32 $0x12A00  }
.LBB2_1:
0x17: {  	s24 =	rddreg [dreg:$0x4]  }
0x18: {  	[tilespmem:s4], [sflag:$0x3] =	stream.linear.gather [hbm4b:s24+s4], $0x40, $0x38;
	[tilespmem:$0x18580] =	vst v63  }
0x19: {  	s29 =	rddreg [dreg:$0x5];
	s25 =	simm.s32 $0x80  }
0x1a: {  	[tilespmem:s25], [sflag:$0x3] =	stream.linear.gather [hbm4b:s29+s4], $0x40, $0x38;
	[tilespmem:$0x18580] =	vst v63  }
0x1b: {  	s26 =	rddreg [dreg:$0x6];
	s29 =	simm.s32 $0x100  }
0x1c: {  	[tilespmem:s29], [sflag:$0x3] =	stream.linear.gather [hbm4b:s26+s4], $0x40, $0x38;
	[tilespmem:$0x18580] =	vst v63  }
0x1d: {  	s26 =	rddreg [dreg:$0x7];
	s29 =	simm.s32 $0x180  }
0x1e: {  	[tilespmem:s29], [sflag:$0x3] =	stream.linear.gather [hbm4b:s26+s4], $0x40, $0x38;
	[tilespmem:$0x18580] =	vst v63  }
0x1f: {  	_ =	swait.ge [sflag:s16], $0x40  }
0x20: {  	[sflag:s16] =	ssyncset.done $0x0  }
0x21: {  	[sflag:s16] =	ssyncadd.s32 $0xFFFFFFC0  }
0x22: {  	v0 =	vld [tilespmem:$0x0];
	_ =	sdelay $0x3  }
0x23: {  	v1 =	vld [tilespmem:$0x1FFD0]  }
0x24: {  	v2 =	vshrl.u32 v0, $0x3  }
0x25: {  	v3 =	vld [tilespmem:$0x1FFE0];
	v2 =	vmul.u32 $0x30, v2  }
0x26: {  	v0 =	vand.u32 $0x7, v0  }
0x27: {  	v0 =	vor.u32 v0, v2  }
0x28: {  	v2 =	vperm.xlane v0, v1  }
0x29: {  	v4 =	vld [tilespmem:$0x1FFF0]  }
0x2a: {  	v2 =	vadd.s32 v3, v2;
	_ =	sdelay $0x3  }
0x2b: {  	s25 =	simm.s32 $0x200;
	v0 =	vperm.xlane v0, v4  }
0x2c: {  	[tilespmem:s25], [sflag:$0x1] =	stream.indirect_vreg.gather [hbm4b:s2+s4], $0x80, v2, vm0, $0xb8;
	[tilespmem:$0x18580] =	vst v63  }
0x2d: {  	s26 =	simm.s32 $0xA00;
	v0 =	vadd.s32 v3, v0  }
0x2e: {  	[tilespmem:s26], [sflag:$0x1] =	stream.indirect_vreg.gather [hbm4b:s9+s4], $0x80, v2, vm0, $0xb8;
	[tilespmem:$0x18580] =	vst v63  }
0x2f: {  	s29 =	simm.s32 $0x1200  }
0x30: {  	[tilespmem:s29], [sflag:$0x1] =	stream.indirect_vreg.gather [hbm4b:s10+s4], $0x80, v2, vm0, $0xb8;
	[tilespmem:$0x18580] =	vst v63  }
0x31: {  	s25 =	simm.s32 $0x1A00  }
0x32: {  	[tilespmem:s25], [sflag:$0x1] =	stream.indirect_vreg.gather [hbm4b:s2+s4], $0x80, v0, vm0, $0xb8;
	[tilespmem:$0x18580] =	vst v63  }
0x33: {  	s26 =	simm.s32 $0x2200  }
0x34: {  	[tilespmem:s26], [sflag:$0x1] =	stream.indirect_vreg.gather [hbm4b:s9+s4], $0x80, v0, vm0, $0xb8;
	[tilespmem:$0x18580] =	vst v63  }
0x35: {  	s29 =	simm.s32 $0x2A00  }
0x36: {  	[tilespmem:s29], [sflag:$0x1] =	stream.indirect_vreg.gather [hbm4b:s10+s4], $0x80, v0, vm0, $0xb8;
	[tilespmem:$0x18580] =	vst v63  }
0x37: {  	v0 =	vld [tilespmem:$0x10];
	_ =	sdelay $0x4  }
0x38: {  	v2 =	vshrl.u32 v0, $0x3  }
0x39: {  	v2 =	vmul.u32 $0x30, v2  }
0x3a: {  	v0 =	vand.u32 $0x7, v0  }
0x3b: {  	v0 =	vor.u32 v0, v2  }
0x3c: {  	v2 =	vperm.xlane v0, v1;
	_ =	sdelay $0x1  }
0x3d: {  	v2 =	vadd.s32 v3, v2;
	_ =	sdelay $0x3  }
0x3e: {  	s25 =	simm.s32 $0x3200;
	v0 =	vperm.xlane v0, v4  }
0x3f: {  	[tilespmem:s25], [sflag:$0x1] =	stream.indirect_vreg.gather [hbm4b:s2+s4], $0x80, v2, vm0, $0xb8;
	[tilespmem:$0x18580] =	vst v63  }
0x40: {  	s26 =	simm.s32 $0x3A00;
	v0 =	vadd.s32 v3, v0  }
0x41: {  	[tilespmem:s26], [sflag:$0x1] =	stream.indirect_vreg.gather [hbm4b:s9+s4], $0x80, v2, vm0, $0xb8;
	[tilespmem:$0x18580] =	vst v63  }
0x42: {  	s29 =	simm.s32 $0x4200  }
0x43: {  	[tilespmem:s29], [sflag:$0x1] =	stream.indirect_vreg.gather [hbm4b:s10+s4], $0x80, v2, vm0, $0xb8;
	[tilespmem:$0x18580] =	vst v63  }
0x44: {  	s25 =	simm.s32 $0x4A00  }
0x45: {  	[tilespmem:s25], [sflag:$0x1] =	stream.indirect_vreg.gather [hbm4b:s2+s4], $0x80, v0, vm0, $0xb8;
	[tilespmem:$0x18580] =	vst v63  }
0x46: {  	s26 =	simm.s32 $0x5200  }
0x47: {  	[tilespmem:s26], [sflag:$0x1] =	stream.indirect_vreg.gather [hbm4b:s9+s4], $0x80, v0, vm0, $0xb8;
	[tilespmem:$0x18580] =	vst v63  }
0x48: {  	s29 =	simm.s32 $0x5A00  }
0x49: {  	[tilespmem:s29], [sflag:$0x1] =	stream.indirect_vreg.gather [hbm4b:s10+s4], $0x80, v0, vm0, $0xb8;
	[tilespmem:$0x18580] =	vst v63  }
0x4a: {  	v0 =	vld [tilespmem:$0x20];
	_ =	sdelay $0x4  }
0x4b: {  	v2 =	vshrl.u32 v0, $0x3  }
0x4c: {  	v2 =	vmul.u32 $0x30, v2  }
0x4d: {  	v0 =	vand.u32 $0x7, v0  }
0x4e: {  	v0 =	vor.u32 v0, v2  }
0x4f: {  	v2 =	vperm.xlane v0, v1;
	_ =	sdelay $0x1  }
0x50: {  	v2 =	vadd.s32 v3, v2;
	_ =	sdelay $0x3  }
0x51: {  	s25 =	simm.s32 $0x6200;
	v0 =	vperm.xlane v0, v4  }
0x52: {  	[tilespmem:s25], [sflag:$0x1] =	stream.indirect_vreg.gather [hbm4b:s2+s4], $0x80, v2, vm0, $0xb8;
	[tilespmem:$0x18580] =	vst v63  }
0x53: {  	s26 =	simm.s32 $0x6A00;
	v0 =	vadd.s32 v3, v0  }
0x54: {  	[tilespmem:s26], [sflag:$0x1] =	stream.indirect_vreg.gather [hbm4b:s9+s4], $0x80, v2, vm0, $0xb8;
	[tilespmem:$0x18580] =	vst v63  }
0x55: {  	s29 =	simm.s32 $0x7200  }
0x56: {  	[tilespmem:s29], [sflag:$0x1] =	stream.indirect_vreg.gather [hbm4b:s10+s4], $0x80, v2, vm0, $0xb8;
	[tilespmem:$0x18580] =	vst v63  }
0x57: {  	s25 =	simm.s32 $0x7A00  }
0x58: {  	[tilespmem:s25], [sflag:$0x1] =	stream.indirect_vreg.gather [hbm4b:s2+s4], $0x80, v0, vm0, $0xb8;
	[tilespmem:$0x18580] =	vst v63  }
0x59: {  	s26 =	simm.s32 $0x8200  }
0x5a: {  	[tilespmem:s26], [sflag:$0x1] =	stream.indirect_vreg.gather [hbm4b:s9+s4], $0x80, v0, vm0, $0xb8;
	[tilespmem:$0x18580] =	vst v63  }
0x5b: {  	s29 =	simm.s32 $0x8A00  }
0x5c: {  	[tilespmem:s29], [sflag:$0x1] =	stream.indirect_vreg.gather [hbm4b:s10+s4], $0x80, v0, vm0, $0xb8;
	[tilespmem:$0x18580] =	vst v63  }
0x5d: {  	v0 =	vld [tilespmem:$0x30];
	_ =	sdelay $0x4  }
0x5e: {  	v2 =	vshrl.u32 v0, $0x3  }
0x5f: {  	v2 =	vmul.u32 $0x30, v2  }
0x60: {  	v0 =	vand.u32 $0x7, v0  }
0x61: {  	v0 =	vor.u32 v0, v2  }
0x62: {  	v2 =	vperm.xlane v0, v1;
	_ =	sdelay $0x1  }
0x63: {  	v2 =	vadd.s32 v3, v2;
	_ =	sdelay $0x3  }
0x64: {  	s25 =	simm.s32 $0x9200;
	v0 =	vperm.xlane v0, v4  }
0x65: {  	[tilespmem:s25], [sflag:$0x1] =	stream.indirect_vreg.gather [hbm4b:s2+s4], $0x80, v2, vm0, $0xb8;
	[tilespmem:$0x18580] =	vst v63  }
0x66: {  	s26 =	simm.s32 $0x9A00;
	v0 =	vadd.s32 v3, v0  }
0x67: {  	[tilespmem:s26], [sflag:$0x1] =	stream.indirect_vreg.gather [hbm4b:s9+s4], $0x80, v2, vm0, $0xb8;
	[tilespmem:$0x18580] =	vst v63  }
0x68: {  	s29 =	simm.s32 $0xA200  }
0x69: {  	[tilespmem:s29], [sflag:$0x1] =	stream.indirect_vreg.gather [hbm4b:s10+s4], $0x80, v2, vm0, $0xb8;
	[tilespmem:$0x18580] =	vst v63  }
0x6a: {  	s25 =	simm.s32 $0xAA00  }
0x6b: {  	[tilespmem:s25], [sflag:$0x1] =	stream.indirect_vreg.gather [hbm4b:s2+s4], $0x80, v0, vm0, $0xb8;
	[tilespmem:$0x18580] =	vst v63  }
0x6c: {  	s26 =	simm.s32 $0xB200  }
0x6d: {  	[tilespmem:s26], [sflag:$0x1] =	stream.indirect_vreg.gather [hbm4b:s9+s4], $0x80, v0, vm0, $0xb8;
	[tilespmem:$0x18580] =	vst v63  }
0x6e: {  	s29 =	simm.s32 $0xBA00  }
0x6f: {  	[tilespmem:s29], [sflag:$0x1] =	stream.indirect_vreg.gather [hbm4b:s10+s4], $0x80, v0, vm0, $0xb8;
	[tilespmem:$0x18580] =	vst v63  }
0x70: {  	s25 =	rddreg [dreg:$0x2];
	s26 =	simm.s32 $0x18200  }
0x71: {  	[tilespmem:s26], [sflag:$0x4] =	stream.linear.gather [hbm4b:s25+s4], $0x300, $0x38;
	[tilespmem:$0x18580] =	vst v63  }
0x72: {  	_ =	swait.ge [sflag:s16], $0x40  }
0x73: {  	[sflag:s16] =	ssyncset.done $0x0  }
0x74: {  	[sflag:s16] =	ssyncadd.s32 $0xFFFFFFC0  }
0x75: {  	_ =	swait.ge [sflag:s16], $0x40  }
0x76: {  	[sflag:s16] =	ssyncset.done $0x0  }
0x77: {  	[sflag:s16] =	ssyncadd.s32 $0xFFFFFFC0  }
0x78: {  	_ =	swait.ge [sflag:s16], $0x40  }
0x79: {  	[sflag:s16] =	ssyncset.done $0x0  }
0x7a: {  	[sflag:s16] =	ssyncadd.s32 $0xFFFFFFC0  }
0x7b: {  	v0 =	vld [tilespmem:$0x80];
	_ =	sdelay $0x4  }
0x7c: {  	v2 =	vshrl.u32 v0, $0x3  }
0x7d: {  	v2 =	vmul.u32 $0x30, v2  }
0x7e: {  	v0 =	vand.u32 $0x7, v0  }
0x7f: {  	v0 =	vor.u32 v0, v2  }
0x80: {  	v2 =	vperm.xlane v0, v1;
	_ =	sdelay $0x1  }
0x81: {  	v2 =	vadd.s32 v3, v2;
	_ =	sdelay $0x3  }
0x82: {  	s29 =	simm.s32 $0xC200;
	v0 =	vperm.xlane v0, v4  }
0x83: {  	[tilespmem:s29], [sflag:$0x2] =	stream.indirect_vreg.gather [hbm4b:s2+s4], $0x80, v2, vm0, $0xb8;
	[tilespmem:$0x18580] =	vst v63  }
0x84: {  	s25 =	simm.s32 $0xCA00;
	v0 =	vadd.s32 v3, v0  }
0x85: {  	[tilespmem:s25], [sflag:$0x2] =	stream.indirect_vreg.gather [hbm4b:s9+s4], $0x80, v2, vm0, $0xb8;
	[tilespmem:$0x18580] =	vst v63  }
0x86: {  	s26 =	simm.s32 $0xD200  }
0x87: {  	[tilespmem:s26], [sflag:$0x2] =	stream.indirect_vreg.gather [hbm4b:s10+s4], $0x80, v2, vm0, $0xb8;
	[tilespmem:$0x18580] =	vst v63  }
0x88: {  	s29 =	simm.s32 $0xDA00  }
0x89: {  	[tilespmem:s29], [sflag:$0x2] =	stream.indirect_vreg.gather [hbm4b:s2+s4], $0x80, v0, vm0, $0xb8;
	[tilespmem:$0x18580] =	vst v63  }
0x8a: {  	s25 =	simm.s32 $0xE200  }
0x8b: {  	[tilespmem:s25], [sflag:$0x2] =	stream.indirect_vreg.gather [hbm4b:s9+s4], $0x80, v0, vm0, $0xb8;
	[tilespmem:$0x18580] =	vst v63  }
0x8c: {  	s26 =	simm.s32 $0xEA00  }
0x8d: {  	[tilespmem:s26], [sflag:$0x2] =	stream.indirect_vreg.gather [hbm4b:s10+s4], $0x80, v0, vm0, $0xb8;
	[tilespmem:$0x18580] =	vst v63  }
0x8e: {  	v0 =	vld [tilespmem:$0x90];
	_ =	sdelay $0x4  }
0x8f: {  	v2 =	vshrl.u32 v0, $0x3  }
0x90: {  	v2 =	vmul.u32 $0x30, v2  }
0x91: {  	v0 =	vand.u32 $0x7, v0  }
0x92: {  	v0 =	vor.u32 v0, v2  }
0x93: {  	v2 =	vperm.xlane v0, v1;
	_ =	sdelay $0x1  }
0x94: {  	v2 =	vadd.s32 v3, v2;
	_ =	sdelay $0x3  }
0x95: {  	s29 =	simm.s32 $0xF200;
	v0 =	vperm.xlane v0, v4  }
0x96: {  	[tilespmem:s29], [sflag:$0x2] =	stream.indirect_vreg.gather [hbm4b:s2+s4], $0x80, v2, vm0, $0xb8;
	[tilespmem:$0x18580] =	vst v63  }
0x97: {  	s25 =	simm.s32 $0xFA00;
	v0 =	vadd.s32 v3, v0  }
0x98: {  	[tilespmem:s25], [sflag:$0x2] =	stream.indirect_vreg.gather [hbm4b:s9+s4], $0x80, v2, vm0, $0xb8;
	[tilespmem:$0x18580] =	vst v63  }
0x99: {  	_ = 	snop  }
0x9a: {  	[tilespmem:s30], [sflag:$0x2] =	stream.indirect_vreg.gather [hbm4b:s10+s4], $0x80, v2, vm0, $0xb8;
	[tilespmem:$0x18580] =	vst v63  }
0x9b: {  	_ = 	snop  }
0x9c: {  	[tilespmem:s31], [sflag:$0x2] =	stream.indirect_vreg.gather [hbm4b:s2+s4], $0x80, v0, vm0, $0xb8;
	[tilespmem:$0x18580] =	vst v63  }
0x9d: {  	_ = 	snop  }
0x9e: {  	[tilespmem:s0], [sflag:$0x2] =	stream.indirect_vreg.gather [hbm4b:s9+s4], $0x80, v0, vm0, $0xb8;
	[tilespmem:$0x18580] =	vst v63  }
0x9f: {  	_ = 	snop  }
0xa0: {  	[tilespmem:s1], [sflag:$0x2] =	stream.indirect_vreg.gather [hbm4b:s10+s4], $0x80, v0, vm0, $0xb8;
	[tilespmem:$0x18580] =	vst v63  }
0xa1: {  	v0 =	vld [tilespmem:$0xA0];
	_ =	sdelay $0x4  }
0xa2: {  	v2 =	vshrl.u32 v0, $0x3  }
0xa3: {  	v2 =	vmul.u32 $0x30, v2  }
0xa4: {  	v0 =	vand.u32 $0x7, v0  }
0xa5: {  	v0 =	vor.u32 v0, v2  }
0xa6: {  	v2 =	vperm.xlane v0, v1;
	_ =	sdelay $0x1  }
0xa7: {  	v2 =	vadd.s32 v3, v2;
	_ =	sdelay $0x3  }
0xa8: {  	v0 =	vperm.xlane v0, v4  }
0xa9: {  	[tilespmem:s5], [sflag:$0x2] =	stream.indirect_vreg.gather [hbm4b:s2+s4], $0x80, v2, vm0, $0xb8;
	[tilespmem:$0x18580] =	vst v63  }
0xaa: {  	v0 =	vadd.s32 v3, v0  }
0xab: {  	[tilespmem:s3], [sflag:$0x2] =	stream.indirect_vreg.gather [hbm4b:s9+s4], $0x80, v2, vm0, $0xb8;
	[tilespmem:$0x18580] =	vst v63  }
0xac: {  	_ = 	snop  }
0xad: {  	[tilespmem:s13], [sflag:$0x2] =	stream.indirect_vreg.gather [hbm4b:s10+s4], $0x80, v2, vm0, $0xb8;
	[tilespmem:$0x18580] =	vst v63  }
0xae: {  	_ = 	snop  }
0xaf: {  	[tilespmem:s14], [sflag:$0x2] =	stream.indirect_vreg.gather [hbm4b:s2+s4], $0x80, v0, vm0, $0xb8;
	[tilespmem:$0x18580] =	vst v63  }
0xb0: {  	_ = 	snop  }
0xb1: {  	[tilespmem:s6], [sflag:$0x2] =	stream.indirect_vreg.gather [hbm4b:s9+s4], $0x80, v0, vm0, $0xb8;
	[tilespmem:$0x18580] =	vst v63  }
0xb2: {  	_ = 	snop  }
0xb3: {  	[tilespmem:s15], [sflag:$0x2] =	stream.indirect_vreg.gather [hbm4b:s10+s4], $0x80, v0, vm0, $0xb8;
	[tilespmem:$0x18580] =	vst v63  }
0xb4: {  	v0 =	vld [tilespmem:$0xB0];
	_ =	sdelay $0x4  }
0xb5: {  	v2 =	vshrl.u32 v0, $0x3  }
0xb6: {  	v2 =	vmul.u32 $0x30, v2  }
0xb7: {  	v0 =	vand.u32 $0x7, v0  }
0xb8: {  	v0 =	vor.u32 v0, v2  }
0xb9: {  	v2 =	vperm.xlane v0, v1;
	_ =	sdelay $0x1  }
0xba: {  	v2 =	vadd.s32 v3, v2;
	_ =	sdelay $0x3  }
0xbb: {  	v0 =	vperm.xlane v0, v4  }
0xbc: {  	[tilespmem:s7], [sflag:$0x2] =	stream.indirect_vreg.gather [hbm4b:s2+s4], $0x80, v2, vm0, $0xb8;
	[tilespmem:$0x18580] =	vst v63  }
0xbd: {  	v0 =	vadd.s32 v3, v0  }
0xbe: {  	[tilespmem:s17], [sflag:$0x2] =	stream.indirect_vreg.gather [hbm4b:s9+s4], $0x80, v2, vm0, $0xb8;
	[tilespmem:$0x18580] =	vst v63  }
0xbf: {  	_ = 	snop  }
0xc0: {  	[tilespmem:s8], [sflag:$0x2] =	stream.indirect_vreg.gather [hbm4b:s10+s4], $0x80, v2, vm0, $0xb8;
	[tilespmem:$0x18580] =	vst v63  }
0xc1: {  	_ = 	snop  }
0xc2: {  	[tilespmem:s18], [sflag:$0x2] =	stream.indirect_vreg.gather [hbm4b:s2+s4], $0x80, v0, vm0, $0xb8;
	[tilespmem:$0x18580] =	vst v63  }
0xc3: {  	s26 =	simm.s32 $0x0  }
0xc4: {  	[tilespmem:s19], [sflag:$0x2] =	stream.indirect_vreg.gather [hbm4b:s9+s4], $0x80, v0, vm0, $0xb8;
	[tilespmem:$0x18580] =	vst v63  }
0xc5: {  	s24 =	smul.u32 $0x6000, s26  }
0xc6: {  	[tilespmem:s20], [sflag:$0x2] =	stream.indirect_vreg.gather [hbm4b:s10+s4], $0x80, v0, vm0, $0xb8;
	[tilespmem:$0x18580] =	vst v63  }
0xc7: {  	_ =	swait.ge [sflag:s11], $0xC000  }
0xc8: {  	s24 =	sshra.s32 s24, $0x2;
	s29 =	sand.u32 $0x380, s4;
	[sflag:s11] =	ssyncset.done $0x0  }
0xc9: {  	s24 =	sor.u32 s29, s24;
	[sflag:s11] =	ssyncadd.s32 $0xFFFF4000  }
0xca: {  	v0 =	vld [tilespmem:s24+$0x1670]  }
0xcb: {  	v2 =	vld [tilespmem:s24+$0x200]  }
0xcc: {  	v3 =	vld [tilespmem:s24+$0x210]  }
0xcd: {  	v4 =	vld [tilespmem:s24+$0x220]  }
0xce: {  	v5 =	vld [tilespmem:s24+$0x230]  }
0xcf: {  	v6 =	vld [tilespmem:s24+$0x240]  }
0xd0: {  	v10 =	vld [tilespmem:s24+$0x250]  }
0xd1: {  	v11 =	vld [tilespmem:s24+$0x260]  }
0xd2: {  	v12 =	vld [tilespmem:s24+$0x270]  }
0xd3: {  	v13 =	vld [tilespmem:s24+$0x600]  }
0xd4: {  	v14 =	vld [tilespmem:s24+$0x610]  }
0xd5: {  	v15 =	vld [tilespmem:s24+$0x620]  }
0xd6: {  	v16 =	vld [tilespmem:s24+$0x630]  }
0xd7: {  	v17 =	vld [tilespmem:s24+$0x640]  }
0xd8: {  	v18 =	vld [tilespmem:s24+$0x650]  }
0xd9: {  	v19 =	vld [tilespmem:s24+$0x660]  }
0xda: {  	v20 =	vld [tilespmem:s24+$0x670]  }
0xdb: {  	v21 =	vld [tilespmem:s24+$0xA00]  }
0xdc: {  	v22 =	vld [tilespmem:s24+$0xA10]  }
0xdd: {  	v23 =	vld [tilespmem:s24+$0xA20]  }
0xde: {  	v24 =	vld [tilespmem:s24+$0xA30]  }
0xdf: {  	v25 =	vld [tilespmem:s24+$0xA40]  }
0xe0: {  	v37 =	vld [tilespmem:s24+$0xA50]  }
0xe1: {  	v42 =	vimm.f32 $0.0e+00;
	v38 =	vld [tilespmem:s24+$0xA60]  }
0xe2: {  	v41 =	vld [tilespmem:s24+$0xE50];
	v26 =	vadd.f32 v0, v42  }
0xe3: {  	v43 =	vld [tilespmem:s24+$0xE60];
	v7 =	vadd.f32 v2, v42;
	v27 =	vadd.f32 v3, v42  }
0xe4: {  	v44 =	vld [tilespmem:s24+$0xE70];
	v8 =	vadd.f32 v4, v42;
	v28 =	vadd.f32 v5, v42  }
0xe5: {  	v45 =	vld [tilespmem:s24+$0x1200];
	v9 =	vadd.f32 v6, v42;
	v29 =	vadd.f32 v10, v42  }
0xe6: {  	v46 =	vld [tilespmem:s24+$0x1240];
	v10 =	vadd.f32 v11, v42;
	v30 =	vadd.f32 v12, v42  }
0xe7: {  	v0 =	vld [tilespmem:s24+$0xA70];
	v11 =	vadd.f32 v13, v42;
	v31 =	vadd.f32 v14, v42  }
0xe8: {  	v2 =	vld [tilespmem:s24+$0xE00];
	v12 =	vadd.f32 v15, v42;
	v32 =	vadd.f32 v16, v42  }
0xe9: {  	v3 =	vld [tilespmem:s24+$0xE10];
	v13 =	vadd.f32 v17, v42;
	v33 =	vadd.f32 v18, v42  }
0xea: {  	v4 =	vld [tilespmem:s24+$0xE20];
	v14 =	vadd.f32 v19, v42;
	v34 =	vadd.f32 v20, v42  }
0xeb: {  	v5 =	vld [tilespmem:s24+$0xE30];
	v15 =	vadd.f32 v21, v42;
	v35 =	vadd.f32 v22, v42  }
0xec: {  	v6 =	vld [tilespmem:s24+$0xE40];
	v16 =	vadd.f32 v23, v42;
	v36 =	vadd.f32 v24, v42  }
0xed: {  	v17 =	vadd.f32 v25, v42;
	v24 =	vld [tilespmem:s24+$0x1210];
	v37 =	vadd.f32 v37, v42  }
0xee: {  	v18 =	vadd.f32 v38, v42;
	v25 =	vld [tilespmem:s24+$0x1220];
	v41 =	vadd.f32 v41, v42  }
0xef: {  	v22 =	vadd.f32 v43, v42;
	v38 =	vadd.f32 v0, v42;
	v0 =	vld [tilespmem:s24+$0x1230]  }
0xf0: {  	v47 =	vld [tilespmem:s24+$0x1250];
	v23 =	vadd.f32 v44, v42;
	v19 =	vadd.f32 v2, v42  }
0xf1: {  	v48 =	vimm.f32 $0.0e+00;
	v39 =	vadd.f32 v3, v42;
	v20 =	vadd.f32 v4, v42  }
0xf2: {  	v49 =	vimm.f32 $0.0e+00;
	v40 =	vadd.f32 v5, v42;
	v21 =	vadd.f32 v6, v42;
	v2 =	vld [tilespmem:s24+$0x1260]  }
0xf3: {  	v50 =	vimm.f32 $0.0e+00;
	v51 =	vld [tilespmem:s24+$0x1270];
	v3 =	vadd.f32 v45, v42;
	v4 =	vadd.f32 v24, v42  }
0xf4: {  	v44 =	vimm.f32 $0.0e+00;
	v5 =	vadd.f32 v25, v42;
	v24 =	vadd.f32 v0, v42;
	v0 =	vld [tilespmem:s24+$0x1600]  }
0xf5: {  	v52 =	vld [tilespmem:s24+$0x1610];
	v43 =	vimm.f32 $0.0e+00;
	v6 =	vadd.f32 v46, v42;
	v25 =	vadd.f32 v47, v42  }
0xf6: {  	s28 =	simm.s32 $0x0;
	s26 =	simm.s32 $0x2;
	s25 =	simm.s32 $0x0;
	v53 =	vld [tilespmem:s24+$0x1620];
	v47 =	vimm.f32 $0.0e+00;
	v45 =	vimm.f32 $0.0e+00;
	v46 =	vimm.f32 $0.0e+00  }
.LBB2_2:
0xf7: {  	p0 =	sne.s32 s26, $0x3F;
	s28 =	smul.u32 $0x6000, s28;
	v42 =	vadd.f32 v2, v42;
	v2 =	vld [tilespmem:s24+$0x1630]  }
0xf8: {  	s25 =	sadd.s32 $0x80, s25;
	v47 =	vadd.f32 v51, v47;
	v51 =	vld [tilespmem:s24+$0x1640]  }
0xf9: {  	s29 =	sand.u32 $0x380, s25;
	s28 =	sshra.s32 s28, $0x2;
	v44 =	vadd.f32 v0, v44;
	v0 =	vld [tilespmem:s24+$0x1650]  }
0xfa: {  	v48 =	vadd.f32 v52, v48;
	v52 =	vld [tilespmem:s24+$0x1660];
	s24 =	sor.u32 s29, s28  }
0xfb: {  	v54 =	vld [tilespmem:s24+$0x1670];
	v45 =	vadd.f32 v53, v45  }
0xfc: {  	v53 =	vld [tilespmem:s24+$0x200];
	v46 =	vadd.f32 v2, v46  }
0xfd: {  	v2 =	vld [tilespmem:s24+$0x210];
	v49 =	vadd.f32 v51, v49  }
0xfe: {  	v51 =	vld [tilespmem:s24+$0x220];
	v50 =	vadd.f32 v0, v50  }
0xff: {  	v0 =	vld [tilespmem:s24+$0x230];
	v43 =	vadd.f32 v52, v43  }
0x100: {  	v52 =	vld [tilespmem:s24+$0x240];
	v26 =	vadd.f32 v54, v26  }
0x101: {  	v7 =	vadd.f32 v53, v7;
	v53 =	vld [tilespmem:s24+$0x250]  }
0x102: {  	v27 =	vadd.f32 v2, v27;
	v2 =	vld [tilespmem:s24+$0x260]  }
0x103: {  	v8 =	vadd.f32 v51, v8;
	v51 =	vld [tilespmem:s24+$0x270]  }
0x104: {  	v28 =	vadd.f32 v0, v28;
	v0 =	vld [tilespmem:s24+$0x600]  }
0x105: {  	v9 =	vadd.f32 v52, v9;
	v52 =	vld [tilespmem:s24+$0x610]  }
0x106: {  	v29 =	vadd.f32 v53, v29;
	v53 =	vld [tilespmem:s24+$0x620]  }
0x107: {  	v10 =	vadd.f32 v2, v10;
	v2 =	vld [tilespmem:s24+$0x630]  }
0x108: {  	v30 =	vadd.f32 v51, v30;
	v51 =	vld [tilespmem:s24+$0x640]  }
0x109: {  	v11 =	vadd.f32 v0, v11;
	v0 =	vld [tilespmem:s24+$0x650]  }
0x10a: {  	v31 =	vadd.f32 v52, v31;
	v52 =	vld [tilespmem:s24+$0x660]  }
0x10b: {  	v12 =	vadd.f32 v53, v12;
	v53 =	vld [tilespmem:s24+$0x670]  }
0x10c: {  	v32 =	vadd.f32 v2, v32;
	v2 =	vld [tilespmem:s24+$0xA00]  }
0x10d: {  	v13 =	vadd.f32 v51, v13;
	v51 =	vld [tilespmem:s24+$0xA10]  }
0x10e: {  	v33 =	vadd.f32 v0, v33;
	v0 =	vld [tilespmem:s24+$0xA20]  }
0x10f: {  	v14 =	vadd.f32 v52, v14;
	v52 =	vld [tilespmem:s24+$0xA30]  }
0x110: {  	v34 =	vadd.f32 v53, v34;
	v53 =	vld [tilespmem:s24+$0xA40]  }
0x111: {  	v15 =	vadd.f32 v2, v15;
	v2 =	vld [tilespmem:s24+$0xA50]  }
0x112: {  	v35 =	vadd.f32 v51, v35;
	v51 =	vld [tilespmem:s24+$0xA60]  }
0x113: {  	v16 =	vadd.f32 v0, v16;
	v0 =	vld [tilespmem:s24+$0xA70]  }
0x114: {  	v36 =	vadd.f32 v52, v36;
	v52 =	vld [tilespmem:s24+$0xE00]  }
0x115: {  	v17 =	vadd.f32 v53, v17;
	v53 =	vld [tilespmem:s24+$0xE10]  }
0x116: {  	v37 =	vadd.f32 v2, v37;
	v2 =	vld [tilespmem:s24+$0xE20]  }
0x117: {  	v18 =	vadd.f32 v51, v18;
	v51 =	vld [tilespmem:s24+$0xE30]  }
0x118: {  	v38 =	vadd.f32 v0, v38;
	v0 =	vld [tilespmem:s24+$0xE40]  }
0x119: {  	v19 =	vadd.f32 v52, v19;
	v52 =	vld [tilespmem:s24+$0xE50]  }
0x11a: {  	v39 =	vadd.f32 v53, v39;
	v53 =	vld [tilespmem:s24+$0xE60]  }
0x11b: {  	v20 =	vadd.f32 v2, v20;
	v2 =	vld [tilespmem:s24+$0xE70]  }
0x11c: {  	v40 =	vadd.f32 v51, v40;
	v51 =	vld [tilespmem:s24+$0x1200]  }
0x11d: {  	v21 =	vadd.f32 v0, v21;
	v0 =	vld [tilespmem:s24+$0x1210]  }
0x11e: {  	v41 =	vadd.f32 v52, v41;
	v52 =	vld [tilespmem:s24+$0x1220]  }
0x11f: {  	v22 =	vadd.f32 v53, v22;
	v53 =	vld [tilespmem:s24+$0x1230]  }
0x120: {  	v23 =	vadd.f32 v2, v23;
	v54 =	vld [tilespmem:s24+$0x1240]  }
0x121: {  	v3 =	vadd.f32 v51, v3;
	v55 =	vld [tilespmem:s24+$0x1250]  }
.Ltmp0:
0x122: {  	v4 =	vadd.f32 v0, v4;
	v2 =	vld [tilespmem:s24+$0x1260];
	(pc) =	sbr.rel @p0 .LBB2_2-.Ltmp0, $4  }
0x123: {  	v5 =	vadd.f32 v52, v5;
	v51 =	vld [tilespmem:s24+$0x1270]  }
0x124: {  	v24 =	vadd.f32 v53, v24;
	v0 =	vld [tilespmem:s24+$0x1600]  }
0x125: {  	v6 =	vadd.f32 v54, v6;
	v52 =	vld [tilespmem:s24+$0x1610]  }
0x126: {  	s28 =	sshrl.u32 s26, $0x3;
	s26 =	sadd.s32 $0x1, s26;
	v25 =	vadd.f32 v55, v25;
	v53 =	vld [tilespmem:s24+$0x1620]  }
0x127: {  	v1 =	vld [tilespmem:s24+$0x1640]  }
0x128: {  	s26 =	smul.u32 $0x6000, s28  }
0x129: {  	s25 =	sadd.s32 $0x80, s25  }
0x12a: {  	s25 =	sand.u32 $0x380, s25;
	s26 =	sshra.s32 s26, $0x2  }
0x12b: {  	s25 =	sor.u32 s25, s26  }
0x12c: {  	[tilespmem:$0x1FBE0] =	vst v1;
	v1 =	vld [tilespmem:s25+$0x200];
	_ =	sdelay $0x4  }
0x12d: {  	[tilespmem:$0x1FBF0] =	vst v1;
	v1 =	vld [tilespmem:s25+$0x220];
	_ =	sdelay $0x4  }
0x12e: {  	[tilespmem:$0x1FC00] =	vst v1;
	v1 =	vld [tilespmem:s25+$0x230];
	_ =	sdelay $0x4  }
0x12f: {  	[tilespmem:$0x1FC10] =	vst v1;
	v1 =	vld [tilespmem:s25+$0x240];
	_ =	sdelay $0x4  }
0x130: {  	[tilespmem:$0x1FC20] =	vst v1;
	v1 =	vld [tilespmem:s25+$0x250];
	_ =	sdelay $0x4  }
0x131: {  	[tilespmem:$0x1FC30] =	vst v1;
	v1 =	vld [tilespmem:s25+$0x260];
	_ =	sdelay $0x4  }
0x132: {  	[tilespmem:$0x1FC40] =	vst v1;
	v1 =	vld [tilespmem:s25+$0x270];
	_ =	sdelay $0x4  }
0x133: {  	[tilespmem:$0x1FC50] =	vst v1;
	v1 =	vld [tilespmem:s25+$0x600];
	_ =	sdelay $0x4  }
0x134: {  	[tilespmem:$0x1FC60] =	vst v1;
	v1 =	vld [tilespmem:s25+$0x610];
	_ =	sdelay $0x4  }
0x135: {  	[tilespmem:$0x1FC70] =	vst v1;
	v1 =	vld [tilespmem:s25+$0x620];
	_ =	sdelay $0x4  }
0x136: {  	[tilespmem:$0x1FC80] =	vst v1;
	v1 =	vld [tilespmem:s25+$0x630];
	_ =	sdelay $0x4  }
0x137: {  	[tilespmem:$0x1FC90] =	vst v1;
	v1 =	vld [tilespmem:s25+$0x640];
	_ =	sdelay $0x4  }
0x138: {  	[tilespmem:$0x1FCA0] =	vst v1;
	v1 =	vld [tilespmem:s25+$0x650];
	_ =	sdelay $0x4  }
0x139: {  	[tilespmem:$0x1FCB0] =	vst v1;
	v1 =	vld [tilespmem:s25+$0x660];
	_ =	sdelay $0x4  }
0x13a: {  	[tilespmem:$0x1FCC0] =	vst v1;
	v1 =	vld [tilespmem:s25+$0x670];
	_ =	sdelay $0x4  }
0x13b: {  	[tilespmem:$0x1FCD0] =	vst v1;
	v1 =	vld [tilespmem:s25+$0xA00];
	_ =	sdelay $0x4  }
0x13c: {  	[tilespmem:$0x1FCE0] =	vst v1;
	v1 =	vld [tilespmem:s25+$0xA10];
	_ =	sdelay $0x4  }
0x13d: {  	[tilespmem:$0x1FCF0] =	vst v1;
	v1 =	vld [tilespmem:s25+$0xA20];
	_ =	sdelay $0x4  }
0x13e: {  	[tilespmem:$0x1FD00] =	vst v1;
	v1 =	vld [tilespmem:s25+$0xA30];
	_ =	sdelay $0x4  }
0x13f: {  	[tilespmem:$0x1FD10] =	vst v1;
	v1 =	vld [tilespmem:s25+$0xA40];
	_ =	sdelay $0x4  }
0x140: {  	[tilespmem:$0x1FD20] =	vst v1;
	v1 =	vld [tilespmem:s25+$0xA50];
	_ =	sdelay $0x4  }
0x141: {  	[tilespmem:$0x1FD30] =	vst v1;
	v1 =	vld [tilespmem:s25+$0xA60];
	_ =	sdelay $0x4  }
0x142: {  	[tilespmem:$0x1FD40] =	vst v1;
	v1 =	vld [tilespmem:s25+$0xA70];
	_ =	sdelay $0x4  }
0x143: {  	[tilespmem:$0x1FD50] =	vst v1;
	v1 =	vld [tilespmem:s25+$0xE00];
	_ =	sdelay $0x4  }
0x144: {  	[tilespmem:$0x1FD60] =	vst v1;
	v1 =	vld [tilespmem:s25+$0xE10];
	_ =	sdelay $0x4  }
0x145: {  	[tilespmem:$0x1FD70] =	vst v1;
	v1 =	vld [tilespmem:s25+$0xE20];
	_ =	sdelay $0x4  }
0x146: {  	[tilespmem:$0x1FD80] =	vst v1;
	v1 =	vld [tilespmem:s25+$0xE30];
	_ =	sdelay $0x4  }
0x147: {  	[tilespmem:$0x1FD90] =	vst v1;
	v1 =	vld [tilespmem:s25+$0xE40];
	_ =	sdelay $0x3  }
0x148: {  	v61 =	vld [tilespmem:s25+$0x1210]  }
0x149: {  	[tilespmem:$0x1FDA0] =	vst v1;
	v1 =	vld [tilespmem:s25+$0xE50];
	_ =	sdelay $0x3  }
0x14a: {  	[tilespmem:$0x1FDF0] =	vst v61;
	v61 =	vld [tilespmem:s25+$0x1240]  }
0x14b: {  	[tilespmem:$0x1FDB0] =	vst v1;
	v1 =	vld [tilespmem:s25+$0xE60];
	_ =	sdelay $0x1  }
0x14c: {  	v63 =	vld [tilespmem:s25+$0x1220];
	_ =	sdelay $0x1  }
0x14d: {  	[tilespmem:$0x1FE20] =	vst v61;
	v61 =	vld [tilespmem:s25+$0x1260]  }
0x14e: {  	[tilespmem:$0x1FDC0] =	vst v1;
	v1 =	vld [tilespmem:s25+$0xE70];
	_ =	sdelay $0x1  }
0x14f: {  	[tilespmem:$0x1FE00] =	vst v63;
	v63 =	vld [tilespmem:s25+$0x1250]  }
0x150: {  	v60 =	vld [tilespmem:s25+$0x1230]  }
0x151: {  	[tilespmem:$0x1FE40] =	vst v61;
	v61 =	vld [tilespmem:s25+$0x1610]  }
0x152: {  	[tilespmem:$0x1FDD0] =	vst v1;
	v1 =	vld [tilespmem:$0x100];
	_ =	sdelay $0x1  }
0x153: {  	[tilespmem:$0x1FE30] =	vst v63;
	v63 =	vld [tilespmem:s25+$0x1270];
	_ =	sdelay $0x1  }
0x154: {  	v54 =	vld [tilespmem:s25+$0x1200];
	[tilespmem:$0x1FE10] =	vst v60  }
0x155: {  	[tilespmem:$0x1FE80] =	vst v61;
	v61 =	vld [tilespmem:s25+$0x1630];
	v60 =	vshrl.u32 v1, $0x3  }
0x156: {  	v55 =	vld [tilespmem:s25+$0x1620];
	v60 =	vmul.u32 $0x30, v60  }
0x157: {  	[tilespmem:$0x1FE50] =	vst v63;
	v63 =	vld [tilespmem:$0x1FFD0];
	v1 =	vand.u32 $0x7, v1  }
0x158: {  	v1 =	vor.u32 v1, v60;
	v60 =	vld [tilespmem:s25+$0x1600]  }
0x159: {  	[tilespmem:$0x1FDE0] =	vst v54;
	v54 =	vld [tilespmem:$0x1FFE0]  }
0x15a: {  	[tilespmem:$0x1FEB0] =	vst v61;
	v61 =	vld [tilespmem:s25+$0x1640];
	_ =	sdelay $0x2  }
0x15b: {  	v56 =	vld [tilespmem:s24+$0x1630];
	[tilespmem:$0x1FE70] =	vst v60;
	v60 =	vperm.xlane v1, v63  }
0x15c: {  	[tilespmem:$0x1FE90] =	vst v55;
	v55 =	vld [tilespmem:$0x1FFF0]  }
0x15d: {  	[tilespmem:$0x1FED0] =	vst v61;
	v61 =	vld [tilespmem:s25+$0x1650];
	v60 =	vadd.s32 v54, v60  }
0x15e: {  	v57 =	vld [tilespmem:s24+$0x1650]  }
0x15f: {  	v58 =	vld [tilespmem:s24+$0x1660]  }
0x160: {  	v59 =	vld [tilespmem:s25+$0x1670]  }
0x161: {  	s24 =	simm.s32 $0x0;
	s26 =	simm.s32 $0x200;
	v62 =	vld [tilespmem:s25+$0x210];
	v1 =	vperm.xlane v1, v55  }
0x162: {  	[tilespmem:$0x1FEE0] =	vst v61;
	v61 =	vld [tilespmem:s25+$0x1660];
	[tilespmem:s26], [sflag:$0x1] =	stream.indirect_vreg.gather [hbm4b:s2+s24], $0x80, v60, vm0, $0xb8  }
0x163: {  	s29 =	simm.s32 $0xA00;
	v1 =	vadd.s32 v54, v1  }
0x164: {  	[tilespmem:s29], [sflag:$0x1] =	stream.indirect_vreg.gather [hbm4b:s9+s24], $0x80, v60, vm0, $0xb8;
	[tilespmem:$0x18580] =	vst v63  }
0x165: {  	s26 =	simm.s32 $0x1200  }
0x166: {  	[tilespmem:s26], [sflag:$0x1] =	stream.indirect_vreg.gather [hbm4b:s10+s24], $0x80, v60, vm0, $0xb8;
	[tilespmem:$0x18580] =	vst v63  }
0x167: {  	s29 =	simm.s32 $0x1A00  }
0x168: {  	[tilespmem:s29], [sflag:$0x1] =	stream.indirect_vreg.gather [hbm4b:s2+s24], $0x80, v1, vm0, $0xb8;
	[tilespmem:$0x18580] =	vst v63  }
0x169: {  	s26 =	simm.s32 $0x2200  }
0x16a: {  	[tilespmem:s26], [sflag:$0x1] =	stream.indirect_vreg.gather [hbm4b:s9+s24], $0x80, v1, vm0, $0xb8;
	[tilespmem:$0x18580] =	vst v63  }
0x16b: {  	s29 =	simm.s32 $0x2A00  }
0x16c: {  	[tilespmem:s29], [sflag:$0x1] =	stream.indirect_vreg.gather [hbm4b:s10+s24], $0x80, v1, vm0, $0xb8;
	[tilespmem:$0x18580] =	vst v63  }
0x16d: {  	v1 =	vld [tilespmem:$0x110];
	_ =	sdelay $0x4  }
0x16e: {  	v60 =	vshrl.u32 v1, $0x3  }
0x16f: {  	v60 =	vmul.u32 $0x30, v60  }
0x170: {  	v1 =	vand.u32 $0x7, v1  }
0x171: {  	v1 =	vor.u32 v1, v60  }
0x172: {  	v60 =	vperm.xlane v1, v63;
	_ =	sdelay $0x1  }
0x173: {  	v60 =	vadd.s32 v54, v60;
	_ =	sdelay $0x3  }
0x174: {  	s26 =	simm.s32 $0x3200;
	v1 =	vperm.xlane v1, v55  }
0x175: {  	[tilespmem:s26], [sflag:$0x1] =	stream.indirect_vreg.gather [hbm4b:s2+s24], $0x80, v60, vm0, $0xb8;
	[tilespmem:$0x18580] =	vst v63  }
0x176: {  	s29 =	simm.s32 $0x3A00;
	v1 =	vadd.s32 v54, v1  }
0x177: {  	[tilespmem:s29], [sflag:$0x1] =	stream.indirect_vreg.gather [hbm4b:s9+s24], $0x80, v60, vm0, $0xb8;
	[tilespmem:$0x18580] =	vst v63  }
0x178: {  	s26 =	simm.s32 $0x4200  }
0x179: {  	[tilespmem:s26], [sflag:$0x1] =	stream.indirect_vreg.gather [hbm4b:s10+s24], $0x80, v60, vm0, $0xb8;
	[tilespmem:$0x18580] =	vst v63  }
0x17a: {  	s29 =	simm.s32 $0x4A00  }
0x17b: {  	[tilespmem:s29], [sflag:$0x1] =	stream.indirect_vreg.gather [hbm4b:s2+s24], $0x80, v1, vm0, $0xb8;
	[tilespmem:$0x18580] =	vst v63  }
0x17c: {  	s26 =	simm.s32 $0x5200  }
0x17d: {  	[tilespmem:s26], [sflag:$0x1] =	stream.indirect_vreg.gather [hbm4b:s9+s24], $0x80, v1, vm0, $0xb8;
	[tilespmem:$0x18580] =	vst v63  }
0x17e: {  	s29 =	simm.s32 $0x5A00  }
0x17f: {  	[tilespmem:s29], [sflag:$0x1] =	stream.indirect_vreg.gather [hbm4b:s10+s24], $0x80, v1, vm0, $0xb8;
	[tilespmem:$0x18580] =	vst v63  }
0x180: {  	v1 =	vld [tilespmem:$0x120];
	_ =	sdelay $0x4  }
0x181: {  	v60 =	vshrl.u32 v1, $0x3  }
0x182: {  	v60 =	vmul.u32 $0x30, v60  }
0x183: {  	v1 =	vand.u32 $0x7, v1  }
0x184: {  	v1 =	vor.u32 v1, v60  }
0x185: {  	v60 =	vperm.xlane v1, v63;
	_ =	sdelay $0x1  }
0x186: {  	v60 =	vadd.s32 v54, v60;
	_ =	sdelay $0x3  }
0x187: {  	s26 =	simm.s32 $0x6200;
	v1 =	vperm.xlane v1, v55  }
0x188: {  	[tilespmem:s26], [sflag:$0x1] =	stream.indirect_vreg.gather [hbm4b:s2+s24], $0x80, v60, vm0, $0xb8;
	[tilespmem:$0x18580] =	vst v63  }
0x189: {  	s29 =	simm.s32 $0x6A00;
	v1 =	vadd.s32 v54, v1  }
0x18a: {  	[tilespmem:s29], [sflag:$0x1] =	stream.indirect_vreg.gather [hbm4b:s9+s24], $0x80, v60, vm0, $0xb8;
	[tilespmem:$0x18580] =	vst v63  }
0x18b: {  	s26 =	simm.s32 $0x7200  }
0x18c: {  	[tilespmem:s26], [sflag:$0x1] =	stream.indirect_vreg.gather [hbm4b:s10+s24], $0x80, v60, vm0, $0xb8;
	[tilespmem:$0x18580] =	vst v63  }
0x18d: {  	s29 =	simm.s32 $0x7A00  }
0x18e: {  	[tilespmem:s29], [sflag:$0x1] =	stream.indirect_vreg.gather [hbm4b:s2+s24], $0x80, v1, vm0, $0xb8;
	[tilespmem:$0x18580] =	vst v63  }
0x18f: {  	s26 =	simm.s32 $0x8200  }
0x190: {  	[tilespmem:s26], [sflag:$0x1] =	stream.indirect_vreg.gather [hbm4b:s9+s24], $0x80, v1, vm0, $0xb8;
	[tilespmem:$0x18580] =	vst v63  }
0x191: {  	s29 =	simm.s32 $0x8A00  }
0x192: {  	[tilespmem:s29], [sflag:$0x1] =	stream.indirect_vreg.gather [hbm4b:s10+s24], $0x80, v1, vm0, $0xb8;
	[tilespmem:$0x18580] =	vst v63  }
0x193: {  	v1 =	vld [tilespmem:$0x130];
	_ =	sdelay $0x4  }
0x194: {  	v60 =	vshrl.u32 v1, $0x3  }
0x195: {  	v60 =	vmul.u32 $0x30, v60  }
0x196: {  	v1 =	vand.u32 $0x7, v1  }
0x197: {  	v1 =	vor.u32 v1, v60  }
0x198: {  	v60 =	vperm.xlane v1, v63;
	_ =	sdelay $0x1  }
0x199: {  	v60 =	vadd.s32 v54, v60;
	_ =	sdelay $0x3  }
0x19a: {  	s26 =	simm.s32 $0x9200;
	v1 =	vperm.xlane v1, v55  }
0x19b: {  	[tilespmem:s26], [sflag:$0x1] =	stream.indirect_vreg.gather [hbm4b:s2+s24], $0x80, v60, vm0, $0xb8;
	[tilespmem:$0x18580] =	vst v63  }
0x19c: {  	s29 =	simm.s32 $0x9A00;
	v1 =	vadd.s32 v54, v1  }
0x19d: {  	[tilespmem:s29], [sflag:$0x1] =	stream.indirect_vreg.gather [hbm4b:s9+s24], $0x80, v60, vm0, $0xb8;
	[tilespmem:$0x18580] =	vst v63  }
0x19e: {  	s26 =	simm.s32 $0xA200  }
0x19f: {  	[tilespmem:s26], [sflag:$0x1] =	stream.indirect_vreg.gather [hbm4b:s10+s24], $0x80, v60, vm0, $0xb8;
	[tilespmem:$0x18580] =	vst v63  }
0x1a0: {  	s29 =	simm.s32 $0xAA00  }
0x1a1: {  	[tilespmem:s29], [sflag:$0x1] =	stream.indirect_vreg.gather [hbm4b:s2+s24], $0x80, v1, vm0, $0xb8;
	[tilespmem:$0x18580] =	vst v63  }
0x1a2: {  	s26 =	simm.s32 $0xB200  }
0x1a3: {  	[tilespmem:s26], [sflag:$0x1] =	stream.indirect_vreg.gather [hbm4b:s9+s24], $0x80, v1, vm0, $0xb8;
	[tilespmem:$0x18580] =	vst v63  }
0x1a4: {  	s29 =	simm.s32 $0xBA00  }
0x1a5: {  	[tilespmem:s29], [sflag:$0x1] =	stream.indirect_vreg.gather [hbm4b:s10+s24], $0x80, v1, vm0, $0xb8;
	v1 =	vadd.f32 v2, v42;
	v2 =	vadd.f32 v51, v47;
	[tilespmem:$0x18580] =	vst v63  }
0x1a6: {  	[tilespmem:$0x1FF00] =	vst v61  }
0x1a7: {  	v47 =	vadd.f32 v0, v44;
	v0 =	vadd.f32 v53, v45;
	[tilespmem:$0x1FE60] =	vst v2  }
0x1a8: {  	_ =	swait.ge [sflag:s12], $0xC000  }
0x1a9: {  	[tilespmem:$0x1FEA0] =	vst v0;
	v0 =	vadd.f32 v56, v46;
	_ =	sdelay $0x1  }
0x1aa: {  	[tilespmem:$0x1FEC0] =	vst v0;
	v0 =	vld [tilespmem:$0x1FBE0];
	_ =	sdelay $0x4  }
0x1ab: {  	v42 =	vadd.f32 v0, v49;
	v0 =	vadd.f32 v57, v50;
	_ =	sdelay $0x1  }
0x1ac: {  	[tilespmem:$0x1FEF0] =	vst v0;
	v0 =	vld [tilespmem:$0x1FBF0];
	_ =	sdelay $0x4  }
0x1ad: {  	v7 =	vadd.f32 v0, v7;
	v0 =	vld [tilespmem:$0x1FC00];
	_ =	sdelay $0x4  }
0x1ae: {  	v0 =	vadd.f32 v0, v8;
	_ =	sdelay $0x1  }
0x1af: {  	[tilespmem:$0x1FF10] =	vst v0;
	v0 =	vld [tilespmem:$0x1FC10];
	_ =	sdelay $0x4  }
0x1b0: {  	v28 =	vadd.f32 v0, v28;
	v0 =	vld [tilespmem:$0x1FC20];
	_ =	sdelay $0x4  }
0x1b1: {  	v9 =	vadd.f32 v0, v9;
	v0 =	vld [tilespmem:$0x1FC30];
	_ =	sdelay $0x4  }
0x1b2: {  	v29 =	vadd.f32 v0, v29;
	v0 =	vld [tilespmem:$0x1FC40];
	_ =	sdelay $0x4  }
0x1b3: {  	v2 =	vadd.f32 v59, v26;
	v59 =	vadd.f32 v0, v10;
	v0 =	vld [tilespmem:$0x1FC50];
	_ =	sdelay $0x4  }
0x1b4: {  	v30 =	vadd.f32 v0, v30;
	v0 =	vld [tilespmem:$0x1FC60];
	_ =	sdelay $0x4  }
0x1b5: {  	v60 =	vadd.f32 v0, v11;
	v0 =	vld [tilespmem:$0x1FC70];
	_ =	sdelay $0x4  }
0x1b6: {  	v31 =	vadd.f32 v0, v31;
	v0 =	vld [tilespmem:$0x1FC80];
	_ =	sdelay $0x4  }
0x1b7: {  	v61 =	vadd.f32 v0, v12;
	v0 =	vld [tilespmem:$0x1FC90];
	_ =	sdelay $0x4  }
0x1b8: {  	v32 =	vadd.f32 v0, v32;
	v0 =	vld [tilespmem:$0x1FCA0];
	_ =	sdelay $0x4  }
0x1b9: {  	v27 =	vadd.f32 v62, v27;
	v62 =	vadd.f32 v0, v13;
	v0 =	vld [tilespmem:$0x1FCB0];
	_ =	sdelay $0x4  }
0x1ba: {  	v33 =	vadd.f32 v0, v33;
	v0 =	vld [tilespmem:$0x1FCC0];
	_ =	sdelay $0x4  }
0x1bb: {  	v63 =	vadd.f32 v0, v14;
	v0 =	vld [tilespmem:$0x1FCD0];
	_ =	sdelay $0x4  }
0x1bc: {  	v34 =	vadd.f32 v0, v34;
	v0 =	vld [tilespmem:$0x1FCE0];
	_ =	sdelay $0x4  }
0x1bd: {  	v0 =	vadd.f32 v0, v15;
	_ =	sdelay $0x1  }
0x1be: {  	[tilespmem:$0x1FF20] =	vst v0;
	v0 =	vld [tilespmem:$0x1FCF0];
	_ =	sdelay $0x4  }
0x1bf: {  	v35 =	vadd.f32 v0, v35;
	v0 =	vld [tilespmem:$0x1FD00];
	_ =	sdelay $0x4  }
0x1c0: {  	v0 =	vadd.f32 v0, v16;
	_ =	sdelay $0x1  }
0x1c1: {  	[tilespmem:$0x1FF30] =	vst v0;
	v0 =	vld [tilespmem:$0x1FD10];
	_ =	sdelay $0x4  }
0x1c2: {  	v36 =	vadd.f32 v0, v36;
	v0 =	vld [tilespmem:$0x1FD20];
	_ =	sdelay $0x4  }
0x1c3: {  	v0 =	vadd.f32 v0, v17;
	_ =	sdelay $0x1  }
0x1c4: {  	[tilespmem:$0x1FF40] =	vst v0;
	v0 =	vld [tilespmem:$0x1FD30];
	_ =	sdelay $0x4  }
0x1c5: {  	v37 =	vadd.f32 v0, v37;
	v0 =	vld [tilespmem:$0x1FD40];
	_ =	sdelay $0x4  }
0x1c6: {  	v44 =	vadd.f32 v0, v18;
	v0 =	vld [tilespmem:$0x1FD50];
	_ =	sdelay $0x4  }
0x1c7: {  	v38 =	vadd.f32 v0, v38;
	v0 =	vld [tilespmem:$0x1FD60];
	_ =	sdelay $0x4  }
0x1c8: {  	v51 =	vadd.f32 v0, v19;
	v0 =	vld [tilespmem:$0x1FD70];
	_ =	sdelay $0x4  }
0x1c9: {  	v39 =	vadd.f32 v0, v39;
	v0 =	vld [tilespmem:$0x1FD80];
	_ =	sdelay $0x4  }
0x1ca: {  	v48 =	vadd.f32 v52, v48;
	v52 =	vadd.f32 v0, v20;
	v0 =	vld [tilespmem:$0x1FD90];
	_ =	sdelay $0x4  }
0x1cb: {  	v40 =	vadd.f32 v0, v40;
	v0 =	vld [tilespmem:$0x1FDA0];
	_ =	sdelay $0x4  }
0x1cc: {  	v53 =	vadd.f32 v0, v21;
	v0 =	vld [tilespmem:$0x1FDB0];
	_ =	sdelay $0x4  }
0x1cd: {  	v41 =	vadd.f32 v0, v41;
	v0 =	vld [tilespmem:$0x1FDC0];
	_ =	sdelay $0x4  }
0x1ce: {  	v0 =	vadd.f32 v0, v22;
	_ =	sdelay $0x1  }
0x1cf: {  	[tilespmem:$0x1FF50] =	vst v0;
	v0 =	vld [tilespmem:$0x1FDD0];
	_ =	sdelay $0x4  }
0x1d0: {  	v0 =	vadd.f32 v0, v23;
	_ =	sdelay $0x1  }
0x1d1: {  	[tilespmem:$0x1FF60] =	vst v0;
	v0 =	vld [tilespmem:$0x1FDE0];
	_ =	sdelay $0x4  }
0x1d2: {  	v0 =	vadd.f32 v0, v3;
	_ =	sdelay $0x1  }
0x1d3: {  	[tilespmem:$0x1FF70] =	vst v0;
	v0 =	vld [tilespmem:$0x1FDF0];
	_ =	sdelay $0x4  }
0x1d4: {  	v0 =	vadd.f32 v0, v4;
	_ =	sdelay $0x1  }
0x1d5: {  	[tilespmem:$0x1FF80] =	vst v0;
	v0 =	vld [tilespmem:$0x1FE00];
	_ =	sdelay $0x4  }
0x1d6: {  	v0 =	vadd.f32 v0, v5;
	_ =	sdelay $0x1  }
0x1d7: {  	[tilespmem:$0x1FF90] =	vst v0;
	v0 =	vld [tilespmem:$0x1FE10];
	_ =	sdelay $0x4  }
0x1d8: {  	v0 =	vadd.f32 v0, v24;
	_ =	sdelay $0x1  }
0x1d9: {  	[tilespmem:$0x1FFA0] =	vst v0;
	v0 =	vld [tilespmem:$0x1FE20];
	_ =	sdelay $0x3  }
0x1da: {  	s26 =	simm.s32 $0x0  }
0x1db: {  	s25 =	smul.u32 $0x6000, s26;
	v0 =	vadd.f32 v0, v6;
	_ =	sdelay $0x1  }
0x1dc: {  	s29 =	sand.u32 $0x380, s24;
	s25 =	sshra.s32 s25, $0x2;
	[sflag:s12] =	ssyncset.done $0x0;
	[tilespmem:$0x1FFB0] =	vst v0;
	v0 =	vld [tilespmem:$0x1FE30]  }
0x1dd: {  	s25 =	sor.u32 s29, s25;
	[sflag:s12] =	ssyncadd.s32 $0xFFFF4000  }
0x1de: {  	v55 =	vld [tilespmem:s25+$0xD670]  }
0x1df: {  	v56 =	vld [tilespmem:s25+$0xC200]  }
0x1e0: {  	v54 =	vadd.f32 v58, v43;
	v58 =	vld [tilespmem:s25+$0xC220]  }
0x1e1: {  	v26 =	vld [tilespmem:s25+$0xCA50];
	v0 =	vadd.f32 v0, v25  }
0x1e2: {  	v57 =	vld [tilespmem:s25+$0xC210]  }
0x1e3: {  	[tilespmem:$0x1FFC0] =	vst v0;
	v0 =	vld [tilespmem:$0x1FE40]  }
0x1e4: {  	v8 =	vld [tilespmem:s25+$0xC230]  }
0x1e5: {  	v10 =	vld [tilespmem:s25+$0xC250]  }
0x1e6: {  	v11 =	vld [tilespmem:s25+$0xC240]  }
0x1e7: {  	v13 =	vld [tilespmem:s25+$0xC260]  }
0x1e8: {  	v45 =	vadd.f32 v0, v1;
	v0 =	vld [tilespmem:$0x1FE50]  }
0x1e9: {  	v1 =	vld [tilespmem:$0x1FE60]  }
0x1ea: {  	v12 =	vld [tilespmem:s25+$0xC270]  }
0x1eb: {  	v15 =	vld [tilespmem:s25+$0xC600]  }
0x1ec: {  	v17 =	vld [tilespmem:s25+$0xC620]  }
0x1ed: {  	v9 =	vadd.f32 v11, v9;
	v11 =	vadd.f32 v13, v59;
	v59 =	vld [tilespmem:s25+$0xCE40]  }
0x1ee: {  	v46 =	vadd.f32 v0, v1;
	v0 =	vld [tilespmem:$0x1FE70]  }
0x1ef: {  	v14 =	vld [tilespmem:s25+$0xC610]  }
0x1f0: {  	v13 =	vadd.f32 v15, v60;
	v60 =	vld [tilespmem:s25+$0xCE50]  }
0x1f1: {  	v15 =	vadd.f32 v17, v61;
	v61 =	vld [tilespmem:s25+$0xCE60]  }
0x1f2: {  	v18 =	vld [tilespmem:s25+$0xC650]  }
0x1f3: {  	v47 =	vadd.f32 v0, v47;
	v0 =	vld [tilespmem:$0x1FE80]  }
0x1f4: {  	v19 =	vld [tilespmem:s25+$0xC640]  }
0x1f5: {  	v4 =	vadd.f32 v55, v2;
	v2 =	vld [tilespmem:$0x1FF10]  }
0x1f6: {  	v21 =	vld [tilespmem:s25+$0xC660]  }
0x1f7: {  	v3 =	vld [tilespmem:$0x1FEA0]  }
0x1f8: {  	v48 =	vadd.f32 v0, v48;
	v0 =	vld [tilespmem:$0x1FE90]  }
0x1f9: {  	v23 =	vld [tilespmem:s25+$0xCA00]  }
0x1fa: {  	v5 =	vadd.f32 v56, v7;
	v7 =	vadd.f32 v58, v2;
	v2 =	vld [tilespmem:$0x1FF20]  }
0x1fb: {  	v22 =	vld [tilespmem:s25+$0xCA10]  }
0x1fc: {  	v18 =	vadd.f32 v18, v33;
	v33 =	vadd.f32 v59, v53;
	v59 =	vld [tilespmem:$0x1FF50]  }
0x1fd: {  	v49 =	vadd.f32 v0, v3;
	v0 =	vld [tilespmem:$0x1FEB0]  }
0x1fe: {  	v17 =	vadd.f32 v19, v62;
	v3 =	vld [tilespmem:$0x1FEC0]  }
0x1ff: {  	v19 =	vadd.f32 v21, v63;
	v21 =	vadd.f32 v23, v2;
	v2 =	vld [tilespmem:$0x1FF30]  }
0x200: {  	v25 =	vld [tilespmem:s25+$0xCA20]  }
0x201: {  	v16 =	vld [tilespmem:s25+$0xC630]  }
0x202: {  	v63 =	vld [tilespmem:s25+$0xD200]  }
0x203: {  	v50 =	vadd.f32 v0, v3;
	v0 =	vld [tilespmem:$0x1FED0]  }
0x204: {  	v22 =	vadd.f32 v22, v35;
	v35 =	vadd.f32 v61, v59;
	v61 =	vld [tilespmem:$0x1FF70]  }
0x205: {  	v23 =	vadd.f32 v25, v2;
	v25 =	vld [tilespmem:$0x1FF40]  }
0x206: {  	v1 =	vld [tilespmem:s25+$0xCA40]  }
0x207: {  	v3 =	vld [tilespmem:$0x1FEF0]  }
0x208: {  	v42 =	vadd.f32 v0, v42;
	v0 =	vld [tilespmem:$0x1FEE0]  }
0x209: {  	v62 =	vld [tilespmem:s25+$0xCE70]  }
0x20a: {  	v56 =	vld [tilespmem:s25+$0xCE10]  }
0x20b: {  	v26 =	vadd.f32 v26, v37;
	v37 =	vadd.f32 v63, v61;
	v63 =	vld [tilespmem:$0x1FF90]  }
0x20c: {  	v25 =	vadd.f32 v1, v25;
	v1 =	vld [tilespmem:s25+$0xD220]  }
0x20d: {  	v43 =	vadd.f32 v0, v3;
	v3 =	vld [tilespmem:$0x1FF00]  }
0x20e: {  	v0 =	vld [tilespmem:s25+$0xCA60]  }
0x20f: {  	v20 =	vld [tilespmem:s25+$0xC670]  }
0x210: {  	v12 =	vadd.f32 v12, v30;
	v58 =	vld [tilespmem:s25+$0xCE30]  }
0x211: {  	v30 =	vadd.f32 v56, v39;
	v39 =	vadd.f32 v1, v63;
	v1 =	vld [tilespmem:$0x1FFA0]  }
0x212: {  	v3 =	vadd.f32 v3, v54;
	v54 =	vld [tilespmem:s25+$0xCA70]  }
0x213: {  	v6 =	vadd.f32 v57, v27;
	v27 =	vadd.f32 v0, v44;
	v44 =	vld [tilespmem:s25+$0xD230]  }
0x214: {  	v20 =	vadd.f32 v20, v34;
	v34 =	vadd.f32 v60, v41;
	v60 =	vld [tilespmem:$0x1FF60]  }
0x215: {  	v24 =	vld [tilespmem:s25+$0xCA30]  }
0x216: {  	v8 =	vadd.f32 v8, v28;
	v55 =	vld [tilespmem:s25+$0xCE00]  }
0x217: {  	v16 =	vadd.f32 v16, v32;
	v28 =	vadd.f32 v54, v38;
	v54 =	vld [tilespmem:s25+$0xD240]  }
0x218: {  	v32 =	vadd.f32 v58, v40;
	v40 =	vadd.f32 v44, v1;
	v1 =	vld [tilespmem:$0x1FFB0]  }
0x219: {  	v58 =	vld [tilespmem:s25+$0xD250]  }
0x21a: {  	v24 =	vadd.f32 v24, v36;
	v36 =	vadd.f32 v62, v60;
	v62 =	vld [tilespmem:$0x1FF80]  }
0x21b: {  	v2 =	vld [tilespmem:s25+$0xD210]  }
0x21c: {  	v57 =	vld [tilespmem:s25+$0xCE20]  }
0x21d: {  	v41 =	vadd.f32 v54, v1;
	v1 =	vld [tilespmem:$0x1FFC0]  }
0x21e: {  	v0 =	vld [tilespmem:s25+$0xD260]  }
0x21f: {  	v10 =	vadd.f32 v10, v29;
	v29 =	vadd.f32 v55, v51;
	v51 =	vld [tilespmem:s25+$0xD270]  }
0x220: {  	v38 =	vadd.f32 v2, v62;
	v2 =	vld [tilespmem:s25+$0xD600]  }
0x221: {  	v14 =	vadd.f32 v14, v31;
	v31 =	vadd.f32 v57, v52;
	v52 =	vld [tilespmem:s25+$0xD610]  }
0x222: {  	s28 =	simm.s32 $0x0;
	s26 =	simm.s32 $0x2;
	v53 =	vld [tilespmem:s25+$0xD620];
	v44 =	vadd.f32 v58, v1  }
.LBB2_4:
0x223: {  	p0 =	sne.s32 s26, $0x3F;
	s28 =	smul.u32 $0x6000, s28;
	v45 =	vadd.f32 v0, v45;
	v0 =	vld [tilespmem:s25+$0xD630]  }
0x224: {  	s24 =	sadd.s32 $0x80, s24;
	v46 =	vadd.f32 v51, v46;
	v1 =	vld [tilespmem:s25+$0xD640]  }
0x225: {  	s29 =	sand.u32 $0x380, s24;
	s28 =	sshra.s32 s28, $0x2;
	v47 =	vadd.f32 v2, v47;
	v2 =	vld [tilespmem:s25+$0xD650]  }
0x226: {  	v48 =	vadd.f32 v52, v48;
	v51 =	vld [tilespmem:s25+$0xD660];
	s25 =	sor.u32 s29, s28  }
0x227: {  	v52 =	vld [tilespmem:s25+$0xD670];
	v49 =	vadd.f32 v53, v49  }
0x228: {  	v53 =	vld [tilespmem:s25+$0xC200];
	v50 =	vadd.f32 v0, v50  }
0x229: {  	v0 =	vld [tilespmem:s25+$0xC210];
	v42 =	vadd.f32 v1, v42  }
0x22a: {  	v1 =	vld [tilespmem:s25+$0xC220];
	v43 =	vadd.f32 v2, v43  }
0x22b: {  	v2 =	vld [tilespmem:s25+$0xC230];
	v3 =	vadd.f32 v51, v3  }
0x22c: {  	v51 =	vld [tilespmem:s25+$0xC240];
	v4 =	vadd.f32 v52, v4  }
0x22d: {  	v5 =	vadd.f32 v53, v5;
	v52 =	vld [tilespmem:s25+$0xC250]  }
0x22e: {  	v6 =	vadd.f32 v0, v6;
	v0 =	vld [tilespmem:s25+$0xC260]  }
0x22f: {  	v7 =	vadd.f32 v1, v7;
	v1 =	vld [tilespmem:s25+$0xC270]  }
0x230: {  	v8 =	vadd.f32 v2, v8;
	v2 =	vld [tilespmem:s25+$0xC600]  }
0x231: {  	v9 =	vadd.f32 v51, v9;
	v51 =	vld [tilespmem:s25+$0xC610]  }
0x232: {  	v10 =	vadd.f32 v52, v10;
	v52 =	vld [tilespmem:s25+$0xC620]  }
0x233: {  	v11 =	vadd.f32 v0, v11;
	v0 =	vld [tilespmem:s25+$0xC630]  }
0x234: {  	v12 =	vadd.f32 v1, v12;
	v1 =	vld [tilespmem:s25+$0xC640]  }
0x235: {  	v13 =	vadd.f32 v2, v13;
	v2 =	vld [tilespmem:s25+$0xC650]  }
0x236: {  	v14 =	vadd.f32 v51, v14;
	v51 =	vld [tilespmem:s25+$0xC660]  }
0x237: {  	v15 =	vadd.f32 v52, v15;
	v52 =	vld [tilespmem:s25+$0xC670]  }
0x238: {  	v16 =	vadd.f32 v0, v16;
	v0 =	vld [tilespmem:s25+$0xCA00]  }
0x239: {  	v17 =	vadd.f32 v1, v17;
	v1 =	vld [tilespmem:s25+$0xCA10]  }
0x23a: {  	v18 =	vadd.f32 v2, v18;
	v2 =	vld [tilespmem:s25+$0xCA20]  }
0x23b: {  	v19 =	vadd.f32 v51, v19;
	v51 =	vld [tilespmem:s25+$0xCA30]  }
0x23c: {  	v20 =	vadd.f32 v52, v20;
	v52 =	vld [tilespmem:s25+$0xCA40]  }
0x23d: {  	v21 =	vadd.f32 v0, v21;
	v0 =	vld [tilespmem:s25+$0xCA50]  }
0x23e: {  	v22 =	vadd.f32 v1, v22;
	v1 =	vld [tilespmem:s25+$0xCA60]  }
0x23f: {  	v23 =	vadd.f32 v2, v23;
	v2 =	vld [tilespmem:s25+$0xCA70]  }
0x240: {  	v24 =	vadd.f32 v51, v24;
	v51 =	vld [tilespmem:s25+$0xCE00]  }
0x241: {  	v25 =	vadd.f32 v52, v25;
	v52 =	vld [tilespmem:s25+$0xCE10]  }
0x242: {  	v26 =	vadd.f32 v0, v26;
	v0 =	vld [tilespmem:s25+$0xCE20]  }
0x243: {  	v27 =	vadd.f32 v1, v27;
	v1 =	vld [tilespmem:s25+$0xCE30]  }
0x244: {  	v28 =	vadd.f32 v2, v28;
	v2 =	vld [tilespmem:s25+$0xCE40]  }
0x245: {  	v29 =	vadd.f32 v51, v29;
	v51 =	vld [tilespmem:s25+$0xCE50]  }
0x246: {  	v30 =	vadd.f32 v52, v30;
	v52 =	vld [tilespmem:s25+$0xCE60]  }
0x247: {  	v31 =	vadd.f32 v0, v31;
	v0 =	vld [tilespmem:s25+$0xCE70]  }
0x248: {  	v32 =	vadd.f32 v1, v32;
	v1 =	vld [tilespmem:s25+$0xD200]  }
0x249: {  	v33 =	vadd.f32 v2, v33;
	v2 =	vld [tilespmem:s25+$0xD210]  }
0x24a: {  	v34 =	vadd.f32 v51, v34;
	v51 =	vld [tilespmem:s25+$0xD220]  }
0x24b: {  	v35 =	vadd.f32 v52, v35;
	v52 =	vld [tilespmem:s25+$0xD230]  }
0x24c: {  	v36 =	vadd.f32 v0, v36;
	v53 =	vld [tilespmem:s25+$0xD240]  }
0x24d: {  	v37 =	vadd.f32 v1, v37;
	v1 =	vld [tilespmem:s25+$0xD250]  }
.Ltmp1:
0x24e: {  	v38 =	vadd.f32 v2, v38;
	v0 =	vld [tilespmem:s25+$0xD260];
	(pc) =	sbr.rel @p0 .LBB2_4-.Ltmp1, $4  }
0x24f: {  	v39 =	vadd.f32 v51, v39;
	v51 =	vld [tilespmem:s25+$0xD270]  }
0x250: {  	v40 =	vadd.f32 v52, v40;
	v2 =	vld [tilespmem:s25+$0xD600]  }
0x251: {  	v41 =	vadd.f32 v53, v41;
	v52 =	vld [tilespmem:s25+$0xD610]  }
0x252: {  	s28 =	sshrl.u32 s26, $0x3;
	s26 =	sadd.s32 $0x1, s26;
	v44 =	vadd.f32 v1, v44;
	v53 =	vld [tilespmem:s25+$0xD620]  }
0x253: {  	v1 =	vld [tilespmem:s25+$0xD640]  }
0x254: {  	s26 =	smul.u32 $0x6000, s28  }
0x255: {  	s24 =	sadd.s32 $0x80, s24  }
0x256: {  	s24 =	sand.u32 $0x380, s24;
	s26 =	sshra.s32 s26, $0x2  }
0x257: {  	s26 =	sor.u32 s24, s26  }
0x258: {  	[tilespmem:$0x1F840] =	vst v1;
	v1 =	vld [tilespmem:s26+$0xC200];
	_ =	sdelay $0x4  }
0x259: {  	[tilespmem:$0x1F850] =	vst v1;
	v1 =	vld [tilespmem:s26+$0xC220];
	_ =	sdelay $0x4  }
0x25a: {  	[tilespmem:$0x1F860] =	vst v1;
	v1 =	vld [tilespmem:s26+$0xC230];
	_ =	sdelay $0x4  }
0x25b: {  	[tilespmem:$0x1F870] =	vst v1;
	v1 =	vld [tilespmem:s26+$0xC240];
	_ =	sdelay $0x4  }
0x25c: {  	[tilespmem:$0x1F880] =	vst v1;
	v1 =	vld [tilespmem:s26+$0xC250];
	_ =	sdelay $0x4  }
0x25d: {  	[tilespmem:$0x1F890] =	vst v1;
	v1 =	vld [tilespmem:s26+$0xC260];
	_ =	sdelay $0x4  }
0x25e: {  	[tilespmem:$0x1F8A0] =	vst v1;
	v1 =	vld [tilespmem:s26+$0xC270];
	_ =	sdelay $0x4  }
0x25f: {  	[tilespmem:$0x1F8B0] =	vst v1;
	v1 =	vld [tilespmem:s26+$0xC600];
	_ =	sdelay $0x4  }
0x260: {  	[tilespmem:$0x1F8C0] =	vst v1;
	v1 =	vld [tilespmem:s26+$0xC610];
	_ =	sdelay $0x4  }
0x261: {  	[tilespmem:$0x1F8D0] =	vst v1;
	v1 =	vld [tilespmem:s26+$0xC620];
	_ =	sdelay $0x4  }
0x262: {  	[tilespmem:$0x1F8E0] =	vst v1;
	v1 =	vld [tilespmem:s26+$0xC630];
	_ =	sdelay $0x4  }
0x263: {  	[tilespmem:$0x1F8F0] =	vst v1;
	v1 =	vld [tilespmem:s26+$0xC640];
	_ =	sdelay $0x4  }
0x264: {  	[tilespmem:$0x1F900] =	vst v1;
	v1 =	vld [tilespmem:s26+$0xC650];
	_ =	sdelay $0x4  }
0x265: {  	[tilespmem:$0x1F910] =	vst v1;
	v1 =	vld [tilespmem:s26+$0xC660];
	_ =	sdelay $0x4  }
0x266: {  	[tilespmem:$0x1F920] =	vst v1;
	v1 =	vld [tilespmem:s26+$0xC670];
	_ =	sdelay $0x4  }
0x267: {  	[tilespmem:$0x1F930] =	vst v1;
	v1 =	vld [tilespmem:s26+$0xCA00];
	_ =	sdelay $0x4  }
0x268: {  	[tilespmem:$0x1F940] =	vst v1;
	v1 =	vld [tilespmem:s26+$0xCA10];
	_ =	sdelay $0x4  }
0x269: {  	[tilespmem:$0x1F950] =	vst v1;
	v1 =	vld [tilespmem:s26+$0xCA20];
	_ =	sdelay $0x4  }
0x26a: {  	[tilespmem:$0x1F960] =	vst v1;
	v1 =	vld [tilespmem:s26+$0xCA30];
	_ =	sdelay $0x4  }
0x26b: {  	[tilespmem:$0x1F970] =	vst v1;
	v1 =	vld [tilespmem:s26+$0xCA40];
	_ =	sdelay $0x4  }
0x26c: {  	[tilespmem:$0x1F980] =	vst v1;
	v1 =	vld [tilespmem:s26+$0xCA50];
	_ =	sdelay $0x4  }
0x26d: {  	[tilespmem:$0x1F990] =	vst v1;
	v1 =	vld [tilespmem:s26+$0xCA60];
	_ =	sdelay $0x4  }
0x26e: {  	[tilespmem:$0x1F9A0] =	vst v1;
	v1 =	vld [tilespmem:s26+$0xCA70];
	_ =	sdelay $0x4  }
0x26f: {  	[tilespmem:$0x1F9B0] =	vst v1;
	v1 =	vld [tilespmem:s26+$0xCE00];
	_ =	sdelay $0x4  }
0x270: {  	[tilespmem:$0x1F9C0] =	vst v1;
	v1 =	vld [tilespmem:s26+$0xCE10];
	_ =	sdelay $0x4  }
0x271: {  	[tilespmem:$0x1F9D0] =	vst v1;
	v1 =	vld [tilespmem:s26+$0xCE20];
	_ =	sdelay $0x3  }
0x272: {  	v60 =	vld [tilespmem:s26+$0xD210]  }
0x273: {  	[tilespmem:$0x1F9E0] =	vst v1;
	v1 =	vld [tilespmem:s26+$0xCE30];
	_ =	sdelay $0x3  }
0x274: {  	[tilespmem:$0x1FA50] =	vst v60;
	v60 =	vld [tilespmem:s26+$0xD230]  }
0x275: {  	[tilespmem:$0x1F9F0] =	vst v1;
	v1 =	vld [tilespmem:s26+$0xCE40];
	_ =	sdelay $0x3  }
0x276: {  	[tilespmem:$0x1FA70] =	vst v60;
	v60 =	vld [tilespmem:s26+$0xD250]  }
0x277: {  	[tilespmem:$0x1FA00] =	vst v1;
	v1 =	vld [tilespmem:s26+$0xCE50];
	_ =	sdelay $0x3  }
0x278: {  	[tilespmem:$0x1FA90] =	vst v60;
	v60 =	vld [tilespmem:s26+$0xD260]  }
0x279: {  	[tilespmem:$0x1FA10] =	vst v1;
	v1 =	vld [tilespmem:s26+$0xCE60];
	_ =	sdelay $0x2  }
0x27a: {  	v62 =	vld [tilespmem:s26+$0xD220]  }
0x27b: {  	[tilespmem:$0x1FAA0] =	vst v60;
	v60 =	vld [tilespmem:s26+$0xD270]  }
0x27c: {  	[tilespmem:$0x1FA20] =	vst v1;
	v1 =	vld [tilespmem:s26+$0xCE70];
	_ =	sdelay $0x2  }
0x27d: {  	[tilespmem:$0x1FA60] =	vst v62;
	v62 =	vld [tilespmem:s26+$0xD240]  }
0x27e: {  	[tilespmem:$0x1FAB0] =	vst v60;
	v60 =	vld [tilespmem:s26+$0xD610]  }
0x27f: {  	[tilespmem:$0x1FA30] =	vst v1;
	v1 =	vld [tilespmem:$0x180];
	_ =	sdelay $0x3  }
0x280: {  	[tilespmem:$0x1FAE0] =	vst v60;
	v60 =	vld [tilespmem:s26+$0xD630]  }
0x281: {  	v54 =	vld [tilespmem:s26+$0xD200];
	[tilespmem:$0x1FA80] =	vst v62;
	v62 =	vshrl.u32 v1, $0x3  }
0x282: {  	v56 =	vld [tilespmem:$0x1FFD0];
	v62 =	vmul.u32 $0x30, v62  }
0x283: {  	v55 =	vld [tilespmem:s26+$0xD620];
	v1 =	vand.u32 $0x7, v1  }
0x284: {  	v1 =	vor.u32 v1, v62;
	v62 =	vld [tilespmem:s26+$0xD600]  }
0x285: {  	[tilespmem:$0x1FB00] =	vst v60;
	v60 =	vld [tilespmem:s26+$0xD640]  }
0x286: {  	[tilespmem:$0x1FA40] =	vst v54;
	v54 =	vld [tilespmem:$0x1FFE0];
	_ =	sdelay $0x1  }
0x287: {  	[tilespmem:$0x1FAF0] =	vst v55  }
0x288: {  	v55 =	vld [tilespmem:$0x1FFF0];
	[tilespmem:$0x1FAD0] =	vst v62;
	v62 =	vperm.xlane v1, v56  }
0x289: {  	[tilespmem:$0x1FB20] =	vst v60;
	v60 =	vld [tilespmem:s26+$0xD650]  }
0x28a: {  	v63 =	vld [tilespmem:s25+$0xD630];
	v62 =	vadd.s32 v54, v62  }
0x28b: {  	v57 =	vld [tilespmem:s25+$0xD650]  }
0x28c: {  	v59 =	vld [tilespmem:s26+$0xD670]  }
0x28d: {  	v61 =	vld [tilespmem:s26+$0xC210]  }
0x28e: {  	s24 =	simm.s32 $0x0;
	[tilespmem:$0x1FB30] =	vst v60;
	v60 =	vld [tilespmem:s26+$0xD660];
	s26 =	simm.s32 $0xC200;
	v1 =	vperm.xlane v1, v55  }
0x28f: {  	v58 =	vld [tilespmem:s25+$0xD660];
	[tilespmem:s26], [sflag:$0x2] =	stream.indirect_vreg.gather [hbm4b:s2+s24], $0x80, v62, vm0, $0xb8  }
0x290: {  	s29 =	simm.s32 $0xCA00;
	v1 =	vadd.s32 v54, v1  }
0x291: {  	[tilespmem:s29], [sflag:$0x2] =	stream.indirect_vreg.gather [hbm4b:s9+s24], $0x80, v62, vm0, $0xb8;
	[tilespmem:$0x18580] =	vst v63  }
0x292: {  	s26 =	simm.s32 $0xD200  }
0x293: {  	[tilespmem:s26], [sflag:$0x2] =	stream.indirect_vreg.gather [hbm4b:s10+s24], $0x80, v62, vm0, $0xb8;
	[tilespmem:$0x18580] =	vst v63  }
0x294: {  	s29 =	simm.s32 $0xDA00  }
0x295: {  	[tilespmem:s29], [sflag:$0x2] =	stream.indirect_vreg.gather [hbm4b:s2+s24], $0x80, v1, vm0, $0xb8;
	[tilespmem:$0x18580] =	vst v63  }
0x296: {  	s26 =	simm.s32 $0xE200  }
0x297: {  	[tilespmem:s26], [sflag:$0x2] =	stream.indirect_vreg.gather [hbm4b:s9+s24], $0x80, v1, vm0, $0xb8;
	[tilespmem:$0x18580] =	vst v63  }
0x298: {  	s29 =	simm.s32 $0xEA00  }
0x299: {  	[tilespmem:s29], [sflag:$0x2] =	stream.indirect_vreg.gather [hbm4b:s10+s24], $0x80, v1, vm0, $0xb8;
	[tilespmem:$0x18580] =	vst v63  }
0x29a: {  	v1 =	vld [tilespmem:$0x190];
	_ =	sdelay $0x4  }
0x29b: {  	v62 =	vshrl.u32 v1, $0x3  }
0x29c: {  	v62 =	vmul.u32 $0x30, v62  }
0x29d: {  	v1 =	vand.u32 $0x7, v1  }
0x29e: {  	v1 =	vor.u32 v1, v62  }
0x29f: {  	v62 =	vperm.xlane v1, v56;
	_ =	sdelay $0x1  }
0x2a0: {  	v62 =	vadd.s32 v54, v62;
	_ =	sdelay $0x3  }
0x2a1: {  	s26 =	simm.s32 $0xF200;
	v1 =	vperm.xlane v1, v55  }
0x2a2: {  	[tilespmem:s26], [sflag:$0x2] =	stream.indirect_vreg.gather [hbm4b:s2+s24], $0x80, v62, vm0, $0xb8;
	[tilespmem:$0x18580] =	vst v63  }
0x2a3: {  	s29 =	simm.s32 $0xFA00;
	v1 =	vadd.s32 v54, v1  }
0x2a4: {  	[tilespmem:s29], [sflag:$0x2] =	stream.indirect_vreg.gather [hbm4b:s9+s24], $0x80, v62, vm0, $0xb8;
	[tilespmem:$0x18580] =	vst v63  }
0x2a5: {  	_ = 	snop  }
0x2a6: {  	[tilespmem:s30], [sflag:$0x2] =	stream.indirect_vreg.gather [hbm4b:s10+s24], $0x80, v62, vm0, $0xb8;
	[tilespmem:$0x18580] =	vst v63  }
0x2a7: {  	_ = 	snop  }
0x2a8: {  	[tilespmem:s31], [sflag:$0x2] =	stream.indirect_vreg.gather [hbm4b:s2+s24], $0x80, v1, vm0, $0xb8;
	[tilespmem:$0x18580] =	vst v63  }
0x2a9: {  	_ = 	snop  }
0x2aa: {  	[tilespmem:s0], [sflag:$0x2] =	stream.indirect_vreg.gather [hbm4b:s9+s24], $0x80, v1, vm0, $0xb8;
	[tilespmem:$0x18580] =	vst v63  }
0x2ab: {  	_ = 	snop  }
0x2ac: {  	[tilespmem:s1], [sflag:$0x2] =	stream.indirect_vreg.gather [hbm4b:s10+s24], $0x80, v1, vm0, $0xb8;
	[tilespmem:$0x18580] =	vst v63  }
0x2ad: {  	v1 =	vld [tilespmem:$0x1A0];
	_ =	sdelay $0x4  }
0x2ae: {  	v62 =	vshrl.u32 v1, $0x3  }
0x2af: {  	v62 =	vmul.u32 $0x30, v62  }
0x2b0: {  	v1 =	vand.u32 $0x7, v1  }
0x2b1: {  	v1 =	vor.u32 v1, v62  }
0x2b2: {  	v62 =	vperm.xlane v1, v56;
	_ =	sdelay $0x1  }
0x2b3: {  	v62 =	vadd.s32 v54, v62;
	_ =	sdelay $0x3  }
0x2b4: {  	v1 =	vperm.xlane v1, v55  }
0x2b5: {  	[tilespmem:s5], [sflag:$0x2] =	stream.indirect_vreg.gather [hbm4b:s2+s24], $0x80, v62, vm0, $0xb8;
	[tilespmem:$0x18580] =	vst v63  }
0x2b6: {  	v1 =	vadd.s32 v54, v1  }
0x2b7: {  	[tilespmem:s3], [sflag:$0x2] =	stream.indirect_vreg.gather [hbm4b:s9+s24], $0x80, v62, vm0, $0xb8;
	[tilespmem:$0x18580] =	vst v63  }
0x2b8: {  	_ = 	snop  }
0x2b9: {  	[tilespmem:s13], [sflag:$0x2] =	stream.indirect_vreg.gather [hbm4b:s10+s24], $0x80, v62, vm0, $0xb8;
	[tilespmem:$0x18580] =	vst v63  }
0x2ba: {  	_ = 	snop  }
0x2bb: {  	[tilespmem:s14], [sflag:$0x2] =	stream.indirect_vreg.gather [hbm4b:s2+s24], $0x80, v1, vm0, $0xb8;
	[tilespmem:$0x18580] =	vst v63  }
0x2bc: {  	_ = 	snop  }
0x2bd: {  	[tilespmem:s6], [sflag:$0x2] =	stream.indirect_vreg.gather [hbm4b:s9+s24], $0x80, v1, vm0, $0xb8;
	[tilespmem:$0x18580] =	vst v63  }
0x2be: {  	_ = 	snop  }
0x2bf: {  	[tilespmem:s15], [sflag:$0x2] =	stream.indirect_vreg.gather [hbm4b:s10+s24], $0x80, v1, vm0, $0xb8;
	[tilespmem:$0x18580] =	vst v63  }
0x2c0: {  	v1 =	vld [tilespmem:$0x1B0];
	_ =	sdelay $0x4  }
0x2c1: {  	v62 =	vshrl.u32 v1, $0x3  }
0x2c2: {  	v62 =	vmul.u32 $0x30, v62  }
0x2c3: {  	v1 =	vand.u32 $0x7, v1  }
0x2c4: {  	v1 =	vor.u32 v1, v62  }
0x2c5: {  	v62 =	vperm.xlane v1, v56;
	_ =	sdelay $0x1  }
0x2c6: {  	v62 =	vadd.s32 v54, v62;
	_ =	sdelay $0x3  }
0x2c7: {  	v1 =	vperm.xlane v1, v55  }
0x2c8: {  	[tilespmem:s7], [sflag:$0x2] =	stream.indirect_vreg.gather [hbm4b:s2+s24], $0x80, v62, vm0, $0xb8;
	[tilespmem:$0x18580] =	vst v63  }
0x2c9: {  	v1 =	vadd.s32 v54, v1  }
0x2ca: {  	[tilespmem:s17], [sflag:$0x2] =	stream.indirect_vreg.gather [hbm4b:s9+s24], $0x80, v62, vm0, $0xb8;
	[tilespmem:$0x18580] =	vst v63  }
0x2cb: {  	_ = 	snop  }
0x2cc: {  	[tilespmem:s8], [sflag:$0x2] =	stream.indirect_vreg.gather [hbm4b:s10+s24], $0x80, v62, vm0, $0xb8;
	[tilespmem:$0x18580] =	vst v63  }
0x2cd: {  	_ = 	snop  }
0x2ce: {  	[tilespmem:s18], [sflag:$0x2] =	stream.indirect_vreg.gather [hbm4b:s2+s24], $0x80, v1, vm0, $0xb8;
	[tilespmem:$0x18580] =	vst v63  }
0x2cf: {  	_ = 	snop  }
0x2d0: {  	[tilespmem:s19], [sflag:$0x2] =	stream.indirect_vreg.gather [hbm4b:s9+s24], $0x80, v1, vm0, $0xb8;
	[tilespmem:$0x18580] =	vst v63  }
0x2d1: {  	_ = 	snop  }
0x2d2: {  	[tilespmem:s20], [sflag:$0x2] =	stream.indirect_vreg.gather [hbm4b:s10+s24], $0x80, v1, vm0, $0xb8;
	v1 =	vadd.f32 v0, v45;
	v0 =	vadd.f32 v51, v46;
	[tilespmem:$0x18580] =	vst v63  }
0x2d3: {  	[tilespmem:$0x1FB40] =	vst v60  }
0x2d4: {  	[tilespmem:$0x1FAC0] =	vst v0;
	v0 =	vadd.f32 v63, v50  }
0x2d5: {  	_ =	swait.ge [sflag:s11], $0xC000  }
0x2d6: {  	[tilespmem:$0x1FB10] =	vst v0;
	v0 =	vld [tilespmem:$0x1F840];
	_ =	sdelay $0x4  }
0x2d7: {  	v42 =	vadd.f32 v0, v42;
	v0 =	vld [tilespmem:$0x1F850];
	_ =	sdelay $0x4  }
0x2d8: {  	v5 =	vadd.f32 v0, v5;
	v0 =	vld [tilespmem:$0x1F860];
	_ =	sdelay $0x4  }
0x2d9: {  	v7 =	vadd.f32 v0, v7;
	v0 =	vld [tilespmem:$0x1F870];
	_ =	sdelay $0x4  }
0x2da: {  	v8 =	vadd.f32 v0, v8;
	v0 =	vld [tilespmem:$0x1F880];
	_ =	sdelay $0x4  }
0x2db: {  	v9 =	vadd.f32 v0, v9;
	v0 =	vld [tilespmem:$0x1F890];
	_ =	sdelay $0x4  }
0x2dc: {  	v10 =	vadd.f32 v0, v10;
	v0 =	vld [tilespmem:$0x1F8A0];
	_ =	sdelay $0x4  }
0x2dd: {  	v11 =	vadd.f32 v0, v11;
	v0 =	vld [tilespmem:$0x1F8B0];
	_ =	sdelay $0x4  }
0x2de: {  	v12 =	vadd.f32 v0, v12;
	v0 =	vld [tilespmem:$0x1F8C0];
	_ =	sdelay $0x4  }
0x2df: {  	v13 =	vadd.f32 v0, v13;
	v0 =	vld [tilespmem:$0x1F8D0];
	_ =	sdelay $0x4  }
0x2e0: {  	v14 =	vadd.f32 v0, v14;
	v0 =	vld [tilespmem:$0x1F8E0];
	_ =	sdelay $0x4  }
0x2e1: {  	v15 =	vadd.f32 v0, v15;
	v0 =	vld [tilespmem:$0x1F8F0];
	_ =	sdelay $0x4  }
0x2e2: {  	v51 =	vadd.f32 v0, v16;
	v0 =	vld [tilespmem:$0x1F900];
	_ =	sdelay $0x4  }
0x2e3: {  	v0 =	vadd.f32 v0, v17;
	_ =	sdelay $0x1  }
0x2e4: {  	[tilespmem:$0x1FB50] =	vst v0;
	v0 =	vld [tilespmem:$0x1F910];
	_ =	sdelay $0x4  }
0x2e5: {  	v0 =	vadd.f32 v0, v18;
	_ =	sdelay $0x1  }
0x2e6: {  	[tilespmem:$0x1FB60] =	vst v0;
	v0 =	vld [tilespmem:$0x1F920];
	_ =	sdelay $0x4  }
0x2e7: {  	v0 =	vadd.f32 v0, v19;
	_ =	sdelay $0x1  }
0x2e8: {  	[tilespmem:$0x1FB70] =	vst v0;
	v0 =	vld [tilespmem:$0x1F930];
	_ =	sdelay $0x4  }
0x2e9: {  	v0 =	vadd.f32 v0, v20;
	_ =	sdelay $0x1  }
0x2ea: {  	[tilespmem:$0x1FB80] =	vst v0;
	v0 =	vld [tilespmem:$0x1F940];
	_ =	sdelay $0x4  }
0x2eb: {  	v0 =	vadd.f32 v0, v21;
	_ =	sdelay $0x1  }
0x2ec: {  	[tilespmem:$0x1FB90] =	vst v0;
	v0 =	vld [tilespmem:$0x1F950];
	_ =	sdelay $0x4  }
0x2ed: {  	v0 =	vadd.f32 v0, v22;
	_ =	sdelay $0x1  }
0x2ee: {  	[tilespmem:$0x1FBA0] =	vst v0;
	v0 =	vld [tilespmem:$0x1F960];
	_ =	sdelay $0x4  }
0x2ef: {  	v0 =	vadd.f32 v0, v23;
	_ =	sdelay $0x1  }
0x2f0: {  	[tilespmem:$0x1FBB0] =	vst v0;
	v0 =	vld [tilespmem:$0x1F970];
	_ =	sdelay $0x4  }
0x2f1: {  	v0 =	vadd.f32 v0, v24;
	_ =	sdelay $0x1  }
0x2f2: {  	[tilespmem:$0x1FBC0] =	vst v0;
	v0 =	vld [tilespmem:$0x1F980];
	_ =	sdelay $0x4  }
0x2f3: {  	v25 =	vadd.f32 v0, v25;
	v0 =	vld [tilespmem:$0x1F990];
	_ =	sdelay $0x4  }
0x2f4: {  	v26 =	vadd.f32 v0, v26;
	v0 =	vld [tilespmem:$0x1F9A0];
	_ =	sdelay $0x4  }
0x2f5: {  	v27 =	vadd.f32 v0, v27;
	v0 =	vld [tilespmem:$0x1F9B0];
	_ =	sdelay $0x4  }
0x2f6: {  	v28 =	vadd.f32 v0, v28;
	v0 =	vld [tilespmem:$0x1F9C0];
	_ =	sdelay $0x4  }
0x2f7: {  	v29 =	vadd.f32 v0, v29;
	v0 =	vld [tilespmem:$0x1F9D0];
	_ =	sdelay $0x4  }
0x2f8: {  	v30 =	vadd.f32 v0, v30;
	v0 =	vld [tilespmem:$0x1F9E0];
	_ =	sdelay $0x4  }
0x2f9: {  	v31 =	vadd.f32 v0, v31;
	v0 =	vld [tilespmem:$0x1F9F0];
	_ =	sdelay $0x4  }
0x2fa: {  	v32 =	vadd.f32 v0, v32;
	v0 =	vld [tilespmem:$0x1FA00];
	_ =	sdelay $0x4  }
0x2fb: {  	v33 =	vadd.f32 v0, v33;
	v0 =	vld [tilespmem:$0x1FA10];
	_ =	sdelay $0x4  }
0x2fc: {  	v34 =	vadd.f32 v0, v34;
	v0 =	vld [tilespmem:$0x1FA20];
	_ =	sdelay $0x4  }
0x2fd: {  	v35 =	vadd.f32 v0, v35;
	v0 =	vld [tilespmem:$0x1FA30];
	_ =	sdelay $0x4  }
0x2fe: {  	v36 =	vadd.f32 v0, v36;
	v0 =	vld [tilespmem:$0x1FA40];
	_ =	sdelay $0x4  }
0x2ff: {  	v37 =	vadd.f32 v0, v37;
	v0 =	vld [tilespmem:$0x1FA50];
	_ =	sdelay $0x3  }
0x300: {  	s26 =	simm.s32 $0x0  }
0x301: {  	s25 =	smul.u32 $0x6000, s26;
	v38 =	vadd.f32 v0, v38;
	v0 =	vld [tilespmem:$0x1FA60];
	_ =	sdelay $0x1  }
0x302: {  	s29 =	sand.u32 $0x380, s24;
	s25 =	sshra.s32 s25, $0x2;
	[sflag:s11] =	ssyncset.done $0x0  }
0x303: {  	s25 =	sor.u32 s29, s25;
	[sflag:s11] =	ssyncadd.s32 $0xFFFF4000  }
0x304: {  	v45 =	vadd.f32 v52, v48;
	v52 =	vld [tilespmem:s25+$0x1670]  }
0x305: {  	v39 =	vadd.f32 v0, v39;
	v0 =	vld [tilespmem:$0x1FA70]  }
0x306: {  	v46 =	vadd.f32 v53, v49;
	v53 =	vld [tilespmem:s25+$0x200]  }
0x307: {  	v54 =	vld [tilespmem:s25+$0x210]  }
0x308: {  	v55 =	vld [tilespmem:s25+$0x220]  }
0x309: {  	v56 =	vld [tilespmem:s25+$0x230]  }
0x30a: {  	v40 =	vadd.f32 v0, v40;
	v0 =	vld [tilespmem:$0x1FA80]  }
0x30b: {  	v43 =	vadd.f32 v57, v43;
	v57 =	vld [tilespmem:s25+$0x240]  }
0x30c: {  	v3 =	vadd.f32 v58, v3;
	v58 =	vld [tilespmem:s25+$0x250]  }
0x30d: {  	v4 =	vadd.f32 v59, v4;
	v59 =	vld [tilespmem:s25+$0x260]  }
0x30e: {  	v60 =	vld [tilespmem:s25+$0x270]  }
0x30f: {  	v41 =	vadd.f32 v0, v41;
	v0 =	vld [tilespmem:$0x1FA90]  }
0x310: {  	v6 =	vadd.f32 v61, v6;
	v61 =	vld [tilespmem:s25+$0x600]  }
0x311: {  	v62 =	vld [tilespmem:s25+$0x610]  }
0x312: {  	v63 =	vld [tilespmem:s25+$0x620]  }
0x313: {  	v47 =	vadd.f32 v2, v47;
	v2 =	vld [tilespmem:s25+$0xA40]  }
0x314: {  	v4 =	vadd.f32 v52, v4;
	v52 =	vld [tilespmem:s25+$0xA70];
	v0 =	vadd.f32 v0, v44  }
0x315: {  	v6 =	vadd.f32 v54, v6;
	v54 =	vld [tilespmem:s25+$0xE10]  }
0x316: {  	[tilespmem:$0x1FBD0] =	vst v0;
	v0 =	vld [tilespmem:$0x1FAA0]  }
0x317: {  	v5 =	vadd.f32 v53, v5;
	v53 =	vld [tilespmem:s25+$0xE00]  }
0x318: {  	v7 =	vadd.f32 v55, v7;
	v55 =	vld [tilespmem:s25+$0xE20]  }
0x319: {  	v8 =	vadd.f32 v56, v8;
	v56 =	vld [tilespmem:s25+$0xE30]  }
0x31a: {  	v16 =	vld [tilespmem:s25+$0x630]  }
0x31b: {  	v49 =	vadd.f32 v0, v1;
	v0 =	vld [tilespmem:$0x1FAB0]  }
0x31c: {  	v1 =	vld [tilespmem:$0x1FAC0]  }
0x31d: {  	v9 =	vadd.f32 v57, v9;
	v57 =	vld [tilespmem:s25+$0xE40]  }
0x31e: {  	v10 =	vadd.f32 v58, v10;
	v58 =	vld [tilespmem:s25+$0xE60]  }
0x31f: {  	v17 =	vld [tilespmem:s25+$0x640]  }
0x320: {  	v16 =	vadd.f32 v16, v51;
	v51 =	vld [tilespmem:s25+$0xE50]  }
0x321: {  	v50 =	vadd.f32 v0, v1;
	v0 =	vld [tilespmem:$0x1FAD0]  }
0x322: {  	v13 =	vadd.f32 v61, v13;
	v61 =	vld [tilespmem:$0x1FB50]  }
0x323: {  	v18 =	vld [tilespmem:s25+$0x650]  }
0x324: {  	v14 =	vadd.f32 v62, v14;
	v62 =	vld [tilespmem:$0x1FB60]  }
0x325: {  	v19 =	vld [tilespmem:s25+$0x660]  }
0x326: {  	v47 =	vadd.f32 v0, v47;
	v0 =	vld [tilespmem:$0x1FAE0]  }
0x327: {  	v20 =	vld [tilespmem:s25+$0x670]  }
0x328: {  	v11 =	vadd.f32 v59, v11;
	v59 =	vld [tilespmem:$0x1FB80]  }
0x329: {  	v15 =	vadd.f32 v63, v15;
	v63 =	vld [tilespmem:$0x1FB70]  }
0x32a: {  	v21 =	vld [tilespmem:s25+$0xA00]  }
0x32b: {  	v48 =	vadd.f32 v0, v45;
	v0 =	vld [tilespmem:$0x1FAF0]  }
0x32c: {  	v12 =	vadd.f32 v60, v12;
	v60 =	vld [tilespmem:$0x1FB90]  }
0x32d: {  	v20 =	vadd.f32 v20, v59;
	v59 =	vld [tilespmem:s25+$0xE70]  }
0x32e: {  	v22 =	vld [tilespmem:s25+$0xA10]  }
0x32f: {  	v1 =	vld [tilespmem:$0x1FB10]  }
0x330: {  	v45 =	vadd.f32 v0, v46;
	v0 =	vld [tilespmem:$0x1FB00]  }
0x331: {  	v21 =	vadd.f32 v21, v60;
	v60 =	vld [tilespmem:s25+$0x1200]  }
0x332: {  	v17 =	vadd.f32 v17, v61;
	v61 =	vld [tilespmem:$0x1FBA0]  }
0x333: {  	v23 =	vld [tilespmem:s25+$0xA20]  }
0x334: {  	v18 =	vadd.f32 v18, v62;
	v62 =	vld [tilespmem:$0x1FBB0]  }
0x335: {  	v46 =	vadd.f32 v0, v1;
	v0 =	vld [tilespmem:$0x1FB20]  }
0x336: {  	v24 =	vld [tilespmem:s25+$0xA30]  }
0x337: {  	v1 =	vld [tilespmem:s25+$0xA50]  }
0x338: {  	v19 =	vadd.f32 v19, v63;
	v63 =	vld [tilespmem:$0x1FBC0]  }
0x339: {  	v22 =	vadd.f32 v22, v61;
	v61 =	vld [tilespmem:s25+$0x1210]  }
0x33a: {  	v42 =	vadd.f32 v0, v42;
	v0 =	vld [tilespmem:$0x1FB30]  }
0x33b: {  	v44 =	vld [tilespmem:$0x1FB40]  }
0x33c: {  	v23 =	vadd.f32 v23, v62;
	v26 =	vadd.f32 v1, v26;
	v1 =	vld [tilespmem:s25+$0x1220]  }
0x33d: {  	v62 =	vld [tilespmem:s25+$0x1230];
	v24 =	vadd.f32 v24, v63;
	v25 =	vadd.f32 v2, v25  }
0x33e: {  	v63 =	vld [tilespmem:s25+$0x1250];
	v28 =	vadd.f32 v52, v28;
	v29 =	vadd.f32 v53, v29  }
0x33f: {  	v30 =	vadd.f32 v54, v30;
	v43 =	vadd.f32 v0, v43;
	v0 =	vld [tilespmem:s25+$0xA60]  }
0x340: {  	v31 =	vadd.f32 v55, v31;
	v3 =	vadd.f32 v44, v3;
	v44 =	vld [tilespmem:s25+$0x1240]  }
0x341: {  	v32 =	vadd.f32 v56, v32;
	v39 =	vadd.f32 v1, v39;
	v1 =	vld [tilespmem:$0x1FBD0]  }
0x342: {  	v2 =	vld [tilespmem:s25+$0x1260];
	v33 =	vadd.f32 v57, v33;
	v34 =	vadd.f32 v51, v34  }
0x343: {  	v52 =	vld [tilespmem:s25+$0x1270];
	v35 =	vadd.f32 v58, v35;
	v36 =	vadd.f32 v59, v36  }
0x344: {  	v37 =	vadd.f32 v60, v37;
	v27 =	vadd.f32 v0, v27;
	v0 =	vld [tilespmem:s25+$0x1600]  }
0x345: {  	v51 =	vld [tilespmem:s25+$0x1610];
	v38 =	vadd.f32 v61, v38;
	v40 =	vadd.f32 v62, v40  }
0x346: {  	s28 =	simm.s32 $0x0;
	s26 =	simm.s32 $0x2;
	v53 =	vld [tilespmem:s25+$0x1620];
	v41 =	vadd.f32 v44, v41;
	v44 =	vadd.f32 v63, v1  }
.LBB2_6:
0x347: {  	p0 =	sne.s32 s26, $0x3F;
	s28 =	smul.u32 $0x6000, s28;
	v49 =	vadd.f32 v2, v49;
	v1 =	vld [tilespmem:s25+$0x1630]  }
0x348: {  	s24 =	sadd.s32 $0x80, s24;
	v50 =	vadd.f32 v52, v50;
	v2 =	vld [tilespmem:s25+$0x1640]  }
0x349: {  	s29 =	sand.u32 $0x380, s24;
	s28 =	sshra.s32 s28, $0x2;
	v47 =	vadd.f32 v0, v47;
	v0 =	vld [tilespmem:s25+$0x1650]  }
0x34a: {  	v48 =	vadd.f32 v51, v48;
	v51 =	vld [tilespmem:s25+$0x1660];
	s25 =	sor.u32 s29, s28  }
0x34b: {  	v52 =	vld [tilespmem:s25+$0x1670];
	v45 =	vadd.f32 v53, v45  }
0x34c: {  	v53 =	vld [tilespmem:s25+$0x200];
	v46 =	vadd.f32 v1, v46  }
0x34d: {  	v1 =	vld [tilespmem:s25+$0x210];
	v42 =	vadd.f32 v2, v42  }
0x34e: {  	v2 =	vld [tilespmem:s25+$0x220];
	v43 =	vadd.f32 v0, v43  }
0x34f: {  	v0 =	vld [tilespmem:s25+$0x230];
	v3 =	vadd.f32 v51, v3  }
0x350: {  	v51 =	vld [tilespmem:s25+$0x240];
	v4 =	vadd.f32 v52, v4  }
0x351: {  	v5 =	vadd.f32 v53, v5;
	v52 =	vld [tilespmem:s25+$0x250]  }
0x352: {  	v6 =	vadd.f32 v1, v6;
	v1 =	vld [tilespmem:s25+$0x260]  }
0x353: {  	v7 =	vadd.f32 v2, v7;
	v2 =	vld [tilespmem:s25+$0x270]  }
0x354: {  	v8 =	vadd.f32 v0, v8;
	v0 =	vld [tilespmem:s25+$0x600]  }
0x355: {  	v9 =	vadd.f32 v51, v9;
	v51 =	vld [tilespmem:s25+$0x610]  }
0x356: {  	v10 =	vadd.f32 v52, v10;
	v52 =	vld [tilespmem:s25+$0x620]  }
0x357: {  	v11 =	vadd.f32 v1, v11;
	v1 =	vld [tilespmem:s25+$0x630]  }
0x358: {  	v12 =	vadd.f32 v2, v12;
	v2 =	vld [tilespmem:s25+$0x640]  }
0x359: {  	v13 =	vadd.f32 v0, v13;
	v0 =	vld [tilespmem:s25+$0x650]  }
0x35a: {  	v14 =	vadd.f32 v51, v14;
	v51 =	vld [tilespmem:s25+$0x660]  }
0x35b: {  	v15 =	vadd.f32 v52, v15;
	v52 =	vld [tilespmem:s25+$0x670]  }
0x35c: {  	v16 =	vadd.f32 v1, v16;
	v1 =	vld [tilespmem:s25+$0xA00]  }
0x35d: {  	v17 =	vadd.f32 v2, v17;
	v2 =	vld [tilespmem:s25+$0xA10]  }
0x35e: {  	v18 =	vadd.f32 v0, v18;
	v0 =	vld [tilespmem:s25+$0xA20]  }
0x35f: {  	v19 =	vadd.f32 v51, v19;
	v51 =	vld [tilespmem:s25+$0xA30]  }
0x360: {  	v20 =	vadd.f32 v52, v20;
	v52 =	vld [tilespmem:s25+$0xA40]  }
0x361: {  	v21 =	vadd.f32 v1, v21;
	v1 =	vld [tilespmem:s25+$0xA50]  }
0x362: {  	v22 =	vadd.f32 v2, v22;
	v2 =	vld [tilespmem:s25+$0xA60]  }
0x363: {  	v23 =	vadd.f32 v0, v23;
	v0 =	vld [tilespmem:s25+$0xA70]  }
0x364: {  	v24 =	vadd.f32 v51, v24;
	v51 =	vld [tilespmem:s25+$0xE00]  }
0x365: {  	v25 =	vadd.f32 v52, v25;
	v52 =	vld [tilespmem:s25+$0xE10]  }
0x366: {  	v26 =	vadd.f32 v1, v26;
	v1 =	vld [tilespmem:s25+$0xE20]  }
0x367: {  	v27 =	vadd.f32 v2, v27;
	v2 =	vld [tilespmem:s25+$0xE30]  }
0x368: {  	v28 =	vadd.f32 v0, v28;
	v0 =	vld [tilespmem:s25+$0xE40]  }
0x369: {  	v29 =	vadd.f32 v51, v29;
	v51 =	vld [tilespmem:s25+$0xE50]  }
0x36a: {  	v30 =	vadd.f32 v52, v30;
	v52 =	vld [tilespmem:s25+$0xE60]  }
0x36b: {  	v31 =	vadd.f32 v1, v31;
	v1 =	vld [tilespmem:s25+$0xE70]  }
0x36c: {  	v32 =	vadd.f32 v2, v32;
	v2 =	vld [tilespmem:s25+$0x1200]  }
0x36d: {  	v33 =	vadd.f32 v0, v33;
	v0 =	vld [tilespmem:s25+$0x1210]  }
0x36e: {  	v34 =	vadd.f32 v51, v34;
	v51 =	vld [tilespmem:s25+$0x1220]  }
0x36f: {  	v35 =	vadd.f32 v52, v35;
	v53 =	vld [tilespmem:s25+$0x1230]  }
0x370: {  	v36 =	vadd.f32 v1, v36;
	v1 =	vld [tilespmem:s25+$0x1240]  }
0x371: {  	v37 =	vadd.f32 v2, v37;
	v54 =	vld [tilespmem:s25+$0x1250]  }
.Ltmp2:
0x372: {  	v38 =	vadd.f32 v0, v38;
	v2 =	vld [tilespmem:s25+$0x1260];
	(pc) =	sbr.rel @p0 .LBB2_6-.Ltmp2, $4  }
0x373: {  	v39 =	vadd.f32 v51, v39;
	v52 =	vld [tilespmem:s25+$0x1270]  }
0x374: {  	v40 =	vadd.f32 v53, v40;
	v0 =	vld [tilespmem:s25+$0x1600]  }
0x375: {  	v41 =	vadd.f32 v1, v41;
	v51 =	vld [tilespmem:s25+$0x1610]  }
0x376: {  	s28 =	sshrl.u32 s26, $0x3;
	s26 =	sadd.s32 $0x1, s26;
	v44 =	vadd.f32 v54, v44;
	v53 =	vld [tilespmem:s25+$0x1620]  }
0x377: {  	s26 =	smul.u32 $0x6000, s28  }
0x378: {  	s24 =	sadd.s32 $0x80, s24  }
0x379: {  	s24 =	sand.u32 $0x380, s24;
	s26 =	sshra.s32 s26, $0x2  }
0x37a: {  	s24 =	sor.u32 s24, s26  }
0x37b: {  	v62 =	vld [tilespmem:s24+$0x240];
	_ =	sdelay $0x4  }
0x37c: {  	[tilespmem:$0x1F420] =	vst v62;
	v62 =	vld [tilespmem:s24+$0x260];
	_ =	sdelay $0x4  }
0x37d: {  	[tilespmem:$0x1F430] =	vst v62;
	v62 =	vld [tilespmem:s24+$0x270];
	_ =	sdelay $0x4  }
0x37e: {  	[tilespmem:$0x1F440] =	vst v62;
	v62 =	vld [tilespmem:s24+$0x600];
	_ =	sdelay $0x4  }
0x37f: {  	[tilespmem:$0x1F450] =	vst v62;
	v62 =	vld [tilespmem:s24+$0x610];
	_ =	sdelay $0x4  }
0x380: {  	[tilespmem:$0x1F460] =	vst v62;
	v62 =	vld [tilespmem:s24+$0x620];
	_ =	sdelay $0x4  }
0x381: {  	[tilespmem:$0x1F470] =	vst v62;
	v62 =	vld [tilespmem:s24+$0x630];
	_ =	sdelay $0x4  }
0x382: {  	[tilespmem:$0x1F480] =	vst v62;
	v62 =	vld [tilespmem:s24+$0x640];
	_ =	sdelay $0x4  }
0x383: {  	[tilespmem:$0x1F490] =	vst v62;
	v62 =	vld [tilespmem:s24+$0x650];
	_ =	sdelay $0x4  }
0x384: {  	[tilespmem:$0x1F4A0] =	vst v62;
	v62 =	vld [tilespmem:s24+$0x660];
	_ =	sdelay $0x4  }
0x385: {  	[tilespmem:$0x1F4B0] =	vst v62;
	v62 =	vld [tilespmem:s24+$0x670];
	_ =	sdelay $0x4  }
0x386: {  	[tilespmem:$0x1F4C0] =	vst v62;
	v62 =	vld [tilespmem:s24+$0xA00];
	_ =	sdelay $0x4  }
0x387: {  	[tilespmem:$0x1F4D0] =	vst v62;
	v62 =	vld [tilespmem:s24+$0xA10];
	_ =	sdelay $0x4  }
0x388: {  	[tilespmem:$0x1F4E0] =	vst v62;
	v62 =	vld [tilespmem:s24+$0xA20];
	_ =	sdelay $0x4  }
0x389: {  	[tilespmem:$0x1F4F0] =	vst v62;
	v62 =	vld [tilespmem:s24+$0xA30];
	_ =	sdelay $0x4  }
0x38a: {  	[tilespmem:$0x1F500] =	vst v62;
	v62 =	vld [tilespmem:s24+$0xA40];
	_ =	sdelay $0x4  }
0x38b: {  	[tilespmem:$0x1F510] =	vst v62;
	v62 =	vld [tilespmem:s24+$0xA50];
	_ =	sdelay $0x4  }
0x38c: {  	[tilespmem:$0x1F520] =	vst v62;
	v62 =	vld [tilespmem:s24+$0xA60];
	_ =	sdelay $0x4  }
0x38d: {  	[tilespmem:$0x1F530] =	vst v62;
	v62 =	vld [tilespmem:s24+$0xA70];
	_ =	sdelay $0x4  }
0x38e: {  	[tilespmem:$0x1F540] =	vst v62;
	v62 =	vld [tilespmem:s24+$0xE00];
	_ =	sdelay $0x4  }
0x38f: {  	[tilespmem:$0x1F550] =	vst v62;
	v62 =	vld [tilespmem:s24+$0xE10];
	_ =	sdelay $0x4  }
0x390: {  	[tilespmem:$0x1F560] =	vst v62;
	v62 =	vld [tilespmem:s24+$0xE20];
	_ =	sdelay $0x4  }
0x391: {  	[tilespmem:$0x1F570] =	vst v62;
	v62 =	vld [tilespmem:s24+$0xE30];
	_ =	sdelay $0x4  }
0x392: {  	[tilespmem:$0x1F580] =	vst v62;
	v62 =	vld [tilespmem:s24+$0xE40];
	_ =	sdelay $0x4  }
0x393: {  	[tilespmem:$0x1F590] =	vst v62;
	v62 =	vld [tilespmem:s24+$0xE50];
	_ =	sdelay $0x4  }
0x394: {  	[tilespmem:$0x1F5A0] =	vst v62;
	v62 =	vld [tilespmem:s24+$0xE60];
	_ =	sdelay $0x4  }
0x395: {  	[tilespmem:$0x1F5B0] =	vst v62;
	v62 =	vld [tilespmem:s24+$0xE70];
	_ =	sdelay $0x4  }
0x396: {  	[tilespmem:$0x1F5C0] =	vst v62;
	v62 =	vld [tilespmem:s24+$0x1200];
	_ =	sdelay $0x4  }
0x397: {  	[tilespmem:$0x1F5D0] =	vst v62;
	v62 =	vld [tilespmem:s24+$0x1210];
	_ =	sdelay $0x4  }
0x398: {  	[tilespmem:$0x1F5E0] =	vst v62;
	v62 =	vld [tilespmem:s24+$0x1220];
	_ =	sdelay $0x4  }
0x399: {  	[tilespmem:$0x1F5F0] =	vst v62;
	v62 =	vld [tilespmem:s24+$0x1230];
	_ =	sdelay $0x4  }
0x39a: {  	[tilespmem:$0x1F600] =	vst v62;
	v62 =	vld [tilespmem:s24+$0x1240];
	_ =	sdelay $0x4  }
0x39b: {  	[tilespmem:$0x1F610] =	vst v62;
	v62 =	vld [tilespmem:s24+$0x1250];
	_ =	sdelay $0x4  }
0x39c: {  	[tilespmem:$0x1F620] =	vst v62;
	v62 =	vld [tilespmem:s24+$0x1260];
	_ =	sdelay $0x4  }
0x39d: {  	[tilespmem:$0x1F630] =	vst v62;
	v62 =	vld [tilespmem:s24+$0x1270];
	_ =	sdelay $0x4  }
0x39e: {  	[tilespmem:$0x1F650] =	vst v62;
	v62 =	vld [tilespmem:s24+$0x1600];
	_ =	sdelay $0x4  }
0x39f: {  	[tilespmem:$0x1F670] =	vst v62;
	v62 =	vld [tilespmem:s24+$0x1610];
	_ =	sdelay $0x4  }
0x3a0: {  	[tilespmem:$0x1F690] =	vst v62;
	v62 =	vld [tilespmem:s24+$0x1620];
	_ =	sdelay $0x4  }
0x3a1: {  	[tilespmem:$0x1F6A0] =	vst v62;
	v62 =	vld [tilespmem:s24+$0x1630];
	_ =	sdelay $0x3  }
0x3a2: {  	v1 =	vld [tilespmem:s25+$0x1630]  }
0x3a3: {  	v2 =	vadd.f32 v2, v49;
	[tilespmem:$0x1F6B0] =	vst v62;
	v62 =	vld [tilespmem:s24+$0x1640]  }
0x3a4: {  	v54 =	vld [tilespmem:s25+$0x1640]  }
0x3a5: {  	v55 =	vld [tilespmem:s25+$0x1650];
	[tilespmem:$0x1F640] =	vst v2;
	v2 =	vadd.f32 v52, v50  }
0x3a6: {  	v56 =	vld [tilespmem:s25+$0x1660]  }
0x3a7: {  	[tilespmem:$0x1F660] =	vst v2;
	v2 =	vld [tilespmem:s24+$0x1660]  }
0x3a8: {  	[tilespmem:$0x1F6C0] =	vst v62;
	v62 =	vld [tilespmem:s24+$0x1650]  }
0x3a9: {  	v0 =	vadd.f32 v0, v47;
	v57 =	vld [tilespmem:s24+$0x1670]  }
0x3aa: {  	v58 =	vld [tilespmem:s24+$0x200]  }
0x3ab: {  	v59 =	vld [tilespmem:s24+$0x210];
	[tilespmem:$0x1F680] =	vst v0  }
0x3ac: {  	v60 =	vld [tilespmem:s24+$0x220];
	[tilespmem:$0x1F6E0] =	vst v2  }
0x3ad: {  	v61 =	vld [tilespmem:s24+$0x230];
	[tilespmem:$0x1F6D0] =	vst v62  }
0x3ae: {  	v63 =	vld [tilespmem:s24+$0x250];
	_ =	swait.ge [sflag:s12], $0xC000  }
0x3af: {  	v2 =	vld [tilespmem:$0x1F420];
	_ =	sdelay $0x3  }
0x3b0: {  	v47 =	vadd.f32 v1, v46  }
0x3b1: {  	v46 =	vadd.f32 v57, v4;
	v57 =	vadd.f32 v2, v9;
	v2 =	vld [tilespmem:$0x1F430];
	_ =	sdelay $0x3  }
0x3b2: {  	v1 =	vadd.f32 v54, v42  }
0x3b3: {  	v54 =	vadd.f32 v60, v7;
	v60 =	vadd.f32 v2, v11;
	v2 =	vld [tilespmem:$0x1F440];
	_ =	sdelay $0x3  }
0x3b4: {  	v0 =	vadd.f32 v55, v43  }
0x3b5: {  	v55 =	vadd.f32 v61, v8;
	v61 =	vadd.f32 v2, v12;
	v2 =	vld [tilespmem:$0x1F450];
	_ =	sdelay $0x4  }
0x3b6: {  	v2 =	vadd.f32 v2, v13;
	_ =	sdelay $0x1  }
0x3b7: {  	[tilespmem:$0x1F6F0] =	vst v2;
	v2 =	vld [tilespmem:$0x1F460];
	_ =	sdelay $0x4  }
0x3b8: {  	v2 =	vadd.f32 v2, v14;
	_ =	sdelay $0x1  }
0x3b9: {  	[tilespmem:$0x1F700] =	vst v2;
	v2 =	vld [tilespmem:$0x1F470];
	_ =	sdelay $0x4  }
0x3ba: {  	v2 =	vadd.f32 v2, v15;
	_ =	sdelay $0x1  }
0x3bb: {  	[tilespmem:$0x1F710] =	vst v2;
	v2 =	vld [tilespmem:$0x1F480];
	_ =	sdelay $0x4  }
0x3bc: {  	v2 =	vadd.f32 v2, v16;
	_ =	sdelay $0x1  }
0x3bd: {  	[tilespmem:$0x1F720] =	vst v2;
	v2 =	vld [tilespmem:$0x1F490];
	_ =	sdelay $0x4  }
0x3be: {  	v2 =	vadd.f32 v2, v17;
	_ =	sdelay $0x1  }
0x3bf: {  	[tilespmem:$0x1F730] =	vst v2;
	v2 =	vld [tilespmem:$0x1F4A0];
	_ =	sdelay $0x4  }
0x3c0: {  	v2 =	vadd.f32 v2, v18;
	_ =	sdelay $0x1  }
0x3c1: {  	[tilespmem:$0x1F740] =	vst v2;
	v2 =	vld [tilespmem:$0x1F4B0];
	_ =	sdelay $0x4  }
0x3c2: {  	v19 =	vadd.f32 v2, v19;
	v2 =	vld [tilespmem:$0x1F4C0];
	_ =	sdelay $0x4  }
0x3c3: {  	v20 =	vadd.f32 v2, v20;
	v2 =	vld [tilespmem:$0x1F4D0];
	_ =	sdelay $0x4  }
0x3c4: {  	v21 =	vadd.f32 v2, v21;
	v2 =	vld [tilespmem:$0x1F4E0];
	_ =	sdelay $0x4  }
0x3c5: {  	v22 =	vadd.f32 v2, v22;
	v2 =	vld [tilespmem:$0x1F4F0];
	_ =	sdelay $0x4  }
0x3c6: {  	v23 =	vadd.f32 v2, v23;
	v2 =	vld [tilespmem:$0x1F500];
	_ =	sdelay $0x4  }
0x3c7: {  	v24 =	vadd.f32 v2, v24;
	v2 =	vld [tilespmem:$0x1F510];
	_ =	sdelay $0x4  }
0x3c8: {  	v25 =	vadd.f32 v2, v25;
	v2 =	vld [tilespmem:$0x1F520];
	_ =	sdelay $0x4  }
0x3c9: {  	v26 =	vadd.f32 v2, v26;
	v2 =	vld [tilespmem:$0x1F530];
	_ =	sdelay $0x4  }
0x3ca: {  	v27 =	vadd.f32 v2, v27;
	v2 =	vld [tilespmem:$0x1F540];
	_ =	sdelay $0x4  }
0x3cb: {  	v2 =	vadd.f32 v2, v28;
	_ =	sdelay $0x1  }
0x3cc: {  	[tilespmem:$0x1F750] =	vst v2;
	v2 =	vld [tilespmem:$0x1F550];
	_ =	sdelay $0x4  }
0x3cd: {  	v2 =	vadd.f32 v2, v29;
	_ =	sdelay $0x1  }
0x3ce: {  	[tilespmem:$0x1F760] =	vst v2;
	v2 =	vld [tilespmem:$0x1F560];
	_ =	sdelay $0x4  }
0x3cf: {  	v2 =	vadd.f32 v2, v30;
	_ =	sdelay $0x1  }
0x3d0: {  	[tilespmem:$0x1F770] =	vst v2;
	v2 =	vld [tilespmem:$0x1F570];
	_ =	sdelay $0x4  }
0x3d1: {  	v2 =	vadd.f32 v2, v31;
	_ =	sdelay $0x1  }
0x3d2: {  	[tilespmem:$0x1F780] =	vst v2;
	v2 =	vld [tilespmem:$0x1F580];
	_ =	sdelay $0x4  }
0x3d3: {  	v2 =	vadd.f32 v2, v32;
	_ =	sdelay $0x1  }
0x3d4: {  	[tilespmem:$0x1F790] =	vst v2;
	v2 =	vld [tilespmem:$0x1F590];
	_ =	sdelay $0x4  }
0x3d5: {  	v2 =	vadd.f32 v2, v33;
	_ =	sdelay $0x1  }
0x3d6: {  	[tilespmem:$0x1F7A0] =	vst v2;
	v2 =	vld [tilespmem:$0x1F5A0];
	_ =	sdelay $0x4  }
0x3d7: {  	v2 =	vadd.f32 v2, v34;
	_ =	sdelay $0x1  }
0x3d8: {  	[tilespmem:$0x1F7B0] =	vst v2;
	v2 =	vld [tilespmem:$0x1F5B0];
	_ =	sdelay $0x4  }
0x3d9: {  	v2 =	vadd.f32 v2, v35;
	_ =	sdelay $0x1  }
0x3da: {  	[tilespmem:$0x1F7C0] =	vst v2;
	v2 =	vld [tilespmem:$0x1F5C0];
	_ =	sdelay $0x4  }
0x3db: {  	v2 =	vadd.f32 v2, v36;
	_ =	sdelay $0x1  }
0x3dc: {  	[tilespmem:$0x1F7D0] =	vst v2;
	v2 =	vld [tilespmem:$0x1F5D0];
	_ =	sdelay $0x4  }
0x3dd: {  	v2 =	vadd.f32 v2, v37;
	_ =	sdelay $0x1  }
0x3de: {  	[tilespmem:$0x1F7E0] =	vst v2;
	v2 =	vld [tilespmem:$0x1F5E0];
	_ =	sdelay $0x4  }
0x3df: {  	v2 =	vadd.f32 v2, v38;
	_ =	sdelay $0x1  }
0x3e0: {  	[tilespmem:$0x1F7F0] =	vst v2;
	v2 =	vld [tilespmem:$0x1F5F0];
	_ =	sdelay $0x4  }
0x3e1: {  	v2 =	vadd.f32 v2, v39;
	_ =	sdelay $0x1  }
0x3e2: {  	[tilespmem:$0x1F800] =	vst v2;
	v2 =	vld [tilespmem:$0x1F600];
	_ =	sdelay $0x4  }
0x3e3: {  	v2 =	vadd.f32 v2, v40;
	_ =	sdelay $0x1  }
0x3e4: {  	[tilespmem:$0x1F810] =	vst v2;
	v2 =	vld [tilespmem:$0x1F610];
	_ =	sdelay $0x4  }
0x3e5: {  	v2 =	vadd.f32 v2, v41;
	_ =	sdelay $0x1  }
0x3e6: {  	[tilespmem:$0x1F820] =	vst v2;
	v2 =	vld [tilespmem:$0x1F620];
	_ =	sdelay $0x4  }
0x3e7: {  	v2 =	vadd.f32 v2, v44  }
0x3e8: {  	v4 =	vld [tilespmem:$0x1F640]  }
0x3e9: {  	[tilespmem:$0x1F830] =	vst v2;
	v2 =	vld [tilespmem:$0x1F630];
	_ =	sdelay $0x4  }
0x3ea: {  	v12 =	vadd.f32 v2, v4;
	v2 =	vld [tilespmem:$0x1F650]  }
0x3eb: {  	v4 =	vld [tilespmem:$0x1F660];
	_ =	sdelay $0x4  }
0x3ec: {  	v11 =	vadd.f32 v2, v4;
	v2 =	vld [tilespmem:$0x1F670]  }
0x3ed: {  	v4 =	vld [tilespmem:$0x1F680];
	_ =	sdelay $0x3  }
0x3ee: {  	v50 =	vadd.f32 v51, v48;
	v51 =	vadd.f32 v58, v5  }
0x3ef: {  	v58 =	vadd.f32 v63, v10;
	v10 =	vadd.f32 v2, v4;
	v4 =	vld [tilespmem:$0x1F6C0];
	_ =	sdelay $0x3  }
0x3f0: {  	s26 =	simm.s32 $0x0  }
0x3f1: {  	s25 =	smul.u32 $0x6000, s26;
	v52 =	vadd.f32 v59, v6;
	v6 =	vadd.f32 v4, v1;
	v1 =	vld [tilespmem:$0x1F6D0]  }
0x3f2: {  	s24 =	simm.s32 $0x0  }
0x3f3: {  	s25 =	sshra.s32 s25, $0x2;
	s29 =	sand.u32 $0x380, s24;
	[sflag:s12] =	ssyncset.done $0x0  }
0x3f4: {  	s25 =	sor.u32 s29, s25;
	[sflag:s12] =	ssyncadd.s32 $0xFFFF4000  }
0x3f5: {  	v48 =	vld [tilespmem:s25+$0xD670]  }
0x3f6: {  	v5 =	vadd.f32 v1, v0;
	v0 =	vld [tilespmem:$0x1F6E0]  }
0x3f7: {  	v63 =	vld [tilespmem:s25+$0xC240];
	_ =	sdelay $0x1  }
0x3f8: {  	v3 =	vadd.f32 v56, v3  }
0x3f9: {  	v42 =	vld [tilespmem:s25+$0xC260]  }
0x3fa: {  	v18 =	vld [tilespmem:s25+$0xC600];
	v4 =	vadd.f32 v0, v3  }
0x3fb: {  	v3 =	vadd.f32 v48, v46;
	v46 =	vadd.f32 v63, v57;
	v63 =	vld [tilespmem:$0x1F6F0];
	_ =	sdelay $0x1  }
0x3fc: {  	v49 =	vadd.f32 v53, v45;
	v53 =	vld [tilespmem:s25+$0xC200]  }
0x3fd: {  	v15 =	vld [tilespmem:s25+$0xCA10]  }
0x3fe: {  	v17 =	vld [tilespmem:s25+$0xC610]  }
0x3ff: {  	v44 =	vadd.f32 v42, v60;
	v42 =	vadd.f32 v18, v63;
	v18 =	vld [tilespmem:$0x1F700]  }
0x400: {  	v16 =	vld [tilespmem:s25+$0xC620]  }
0x401: {  	v28 =	vld [tilespmem:s25+$0xC630]  }
0x402: {  	v32 =	vld [tilespmem:s25+$0xC670]  }
0x403: {  	v29 =	vld [tilespmem:s25+$0xC640]  }
0x404: {  	v41 =	vadd.f32 v17, v18;
	v18 =	vld [tilespmem:$0x1F710]  }
0x405: {  	v33 =	vld [tilespmem:s25+$0xCA00]  }
0x406: {  	v34 =	vld [tilespmem:s25+$0xC660]  }
0x407: {  	v35 =	vadd.f32 v32, v20;
	v20 =	vld [tilespmem:$0x1F7A0]  }
0x408: {  	v17 =	vld [tilespmem:s25+$0xCE40]  }
0x409: {  	v40 =	vadd.f32 v16, v18;
	v18 =	vld [tilespmem:$0x1F730]  }
0x40a: {  	v16 =	vld [tilespmem:$0x1F720]  }
0x40b: {  	v56 =	vld [tilespmem:s25+$0xC210]  }
0x40c: {  	v30 =	vld [tilespmem:s25+$0xC650];
	v36 =	vadd.f32 v34, v19;
	v34 =	vadd.f32 v33, v21  }
0x40d: {  	v33 =	vadd.f32 v15, v22;
	v22 =	vadd.f32 v17, v20;
	v17 =	vld [tilespmem:$0x1F7B0]  }
0x40e: {  	v38 =	vadd.f32 v29, v18;
	v18 =	vld [tilespmem:$0x1F740]  }
0x40f: {  	v39 =	vadd.f32 v28, v16;
	v16 =	vld [tilespmem:s25+$0xCE50]  }
0x410: {  	v59 =	vld [tilespmem:s25+$0xC220]  }
0x411: {  	v2 =	vld [tilespmem:$0x1F690]  }
0x412: {  	v62 =	vld [tilespmem:s25+$0xC230]  }
0x413: {  	v37 =	vadd.f32 v30, v18;
	v18 =	vld [tilespmem:s25+$0xCE60]  }
0x414: {  	v21 =	vadd.f32 v16, v17;
	v16 =	vld [tilespmem:$0x1F7C0]  }
0x415: {  	v13 =	vld [tilespmem:s25+$0xCA40]  }
0x416: {  	v9 =	vadd.f32 v2, v50;
	v2 =	vld [tilespmem:$0x1F6A0]  }
0x417: {  	v14 =	vld [tilespmem:s25+$0xCA30]  }
0x418: {  	v19 =	vld [tilespmem:s25+$0xCE70]  }
0x419: {  	v20 =	vadd.f32 v18, v16;
	v16 =	vld [tilespmem:$0x1F7D0]  }
0x41a: {  	v31 =	vld [tilespmem:s25+$0xCA20]  }
0x41b: {  	v8 =	vadd.f32 v2, v49;
	v2 =	vld [tilespmem:$0x1F6B0]  }
0x41c: {  	v15 =	vld [tilespmem:s25+$0xD200]  }
0x41d: {  	v1 =	vld [tilespmem:s25+$0xCA60]  }
0x41e: {  	v19 =	vadd.f32 v19, v16;
	v16 =	vld [tilespmem:$0x1F7E0]  }
0x41f: {  	v32 =	vadd.f32 v31, v23;
	v31 =	vadd.f32 v14, v24;
	v14 =	vld [tilespmem:s25+$0xD210]  }
0x420: {  	v7 =	vadd.f32 v2, v47;
	v2 =	vld [tilespmem:s25+$0xCA50]  }
0x421: {  	v0 =	vld [tilespmem:s25+$0xCA70]  }
0x422: {  	v28 =	vadd.f32 v1, v27;
	v1 =	vld [tilespmem:$0x1F750]  }
0x423: {  	v18 =	vadd.f32 v15, v16;
	v15 =	vld [tilespmem:$0x1F7F0]  }
0x424: {  	v50 =	vadd.f32 v53, v51;
	v51 =	vld [tilespmem:s25+$0xCE00]  }
0x425: {  	v49 =	vadd.f32 v56, v52;
	v52 =	vld [tilespmem:s25+$0xCE10]  }
0x426: {  	v29 =	vadd.f32 v2, v26;
	v2 =	vld [tilespmem:s25+$0xD220]  }
0x427: {  	v27 =	vadd.f32 v0, v1;
	v1 =	vld [tilespmem:$0x1F760]  }
0x428: {  	v17 =	vadd.f32 v14, v15;
	v14 =	vld [tilespmem:$0x1F800]  }
0x429: {  	v48 =	vadd.f32 v59, v54;
	v59 =	vld [tilespmem:s25+$0xCE20]  }
0x42a: {  	v0 =	vld [tilespmem:s25+$0xD230]  }
0x42b: {  	v30 =	vadd.f32 v13, v25;
	v13 =	vld [tilespmem:$0x1F780]  }
0x42c: {  	v26 =	vadd.f32 v51, v1;
	v1 =	vld [tilespmem:$0x1F770]  }
0x42d: {  	v16 =	vadd.f32 v2, v14;
	v2 =	vld [tilespmem:$0x1F810];
	_ =	sdelay $0x1  }
0x42e: {  	v47 =	vadd.f32 v62, v55;
	v62 =	vld [tilespmem:s25+$0xCE30]  }
0x42f: {  	v24 =	vadd.f32 v59, v13;
	v13 =	vld [tilespmem:$0x1F790]  }
0x430: {  	v25 =	vadd.f32 v52, v1;
	v1 =	vld [tilespmem:s25+$0xD240]  }
0x431: {  	v15 =	vadd.f32 v0, v2;
	v0 =	vld [tilespmem:$0x1F820];
	_ =	sdelay $0x1  }
0x432: {  	v45 =	vld [tilespmem:s25+$0xC250]  }
0x433: {  	v43 =	vld [tilespmem:s25+$0xC270]  }
0x434: {  	v23 =	vadd.f32 v62, v13;
	v13 =	vld [tilespmem:s25+$0xD250]  }
0x435: {  	v14 =	vadd.f32 v1, v0;
	v0 =	vld [tilespmem:$0x1F830]  }
0x436: {  	v56 =	vld [tilespmem:s25+$0xD260]  }
0x437: {  	v55 =	vld [tilespmem:s25+$0xD270]  }
0x438: {  	v53 =	vld [tilespmem:s25+$0xD600]  }
0x439: {  	v45 =	vadd.f32 v45, v58;
	v51 =	vld [tilespmem:s25+$0xD610]  }
0x43a: {  	s28 =	simm.s32 $0x0;
	s26 =	simm.s32 $0x2;
	v43 =	vadd.f32 v43, v61;
	v52 =	vld [tilespmem:s25+$0xD620];
	v13 =	vadd.f32 v13, v0  }
.LBB2_8:
0x43b: {  	p0 =	sne.s32 s26, $0x3F;
	s28 =	smul.u32 $0x6000, s28;
	v12 =	vadd.f32 v56, v12;
	v0 =	vld [tilespmem:s25+$0xD630]  }
0x43c: {  	s24 =	sadd.s32 $0x80, s24;
	v11 =	vadd.f32 v55, v11;
	v1 =	vld [tilespmem:s25+$0xD640]  }
0x43d: {  	s29 =	sand.u32 $0x380, s24;
	s28 =	sshra.s32 s28, $0x2;
	v10 =	vadd.f32 v53, v10;
	v2 =	vld [tilespmem:s25+$0xD650]  }
0x43e: {  	v9 =	vadd.f32 v51, v9;
	v51 =	vld [tilespmem:s25+$0xD660];
	s25 =	sor.u32 s29, s28  }
0x43f: {  	v53 =	vld [tilespmem:s25+$0xD670];
	v8 =	vadd.f32 v52, v8  }
0x440: {  	v52 =	vld [tilespmem:s25+$0xC200];
	v7 =	vadd.f32 v0, v7  }
0x441: {  	v0 =	vld [tilespmem:s25+$0xC210];
	v6 =	vadd.f32 v1, v6  }
0x442: {  	v1 =	vld [tilespmem:s25+$0xC220];
	v5 =	vadd.f32 v2, v5  }
0x443: {  	v2 =	vld [tilespmem:s25+$0xC230];
	v4 =	vadd.f32 v51, v4  }
0x444: {  	v51 =	vld [tilespmem:s25+$0xC240];
	v3 =	vadd.f32 v53, v3  }
0x445: {  	v50 =	vadd.f32 v52, v50;
	v52 =	vld [tilespmem:s25+$0xC250]  }
0x446: {  	v49 =	vadd.f32 v0, v49;
	v0 =	vld [tilespmem:s25+$0xC260]  }
0x447: {  	v48 =	vadd.f32 v1, v48;
	v1 =	vld [tilespmem:s25+$0xC270]  }
0x448: {  	v47 =	vadd.f32 v2, v47;
	v2 =	vld [tilespmem:s25+$0xC600]  }
0x449: {  	v46 =	vadd.f32 v51, v46;
	v51 =	vld [tilespmem:s25+$0xC610]  }
0x44a: {  	v45 =	vadd.f32 v52, v45;
	v52 =	vld [tilespmem:s25+$0xC620]  }
0x44b: {  	v44 =	vadd.f32 v0, v44;
	v0 =	vld [tilespmem:s25+$0xC630]  }
0x44c: {  	v43 =	vadd.f32 v1, v43;
	v1 =	vld [tilespmem:s25+$0xC640]  }
0x44d: {  	v42 =	vadd.f32 v2, v42;
	v2 =	vld [tilespmem:s25+$0xC650]  }
0x44e: {  	v41 =	vadd.f32 v51, v41;
	v51 =	vld [tilespmem:s25+$0xC660]  }
0x44f: {  	v40 =	vadd.f32 v52, v40;
	v52 =	vld [tilespmem:s25+$0xC670]  }
0x450: {  	v39 =	vadd.f32 v0, v39;
	v0 =	vld [tilespmem:s25+$0xCA00]  }
0x451: {  	v38 =	vadd.f32 v1, v38;
	v1 =	vld [tilespmem:s25+$0xCA10]  }
0x452: {  	v37 =	vadd.f32 v2, v37;
	v2 =	vld [tilespmem:s25+$0xCA20]  }
0x453: {  	v36 =	vadd.f32 v51, v36;
	v51 =	vld [tilespmem:s25+$0xCA30]  }
0x454: {  	v35 =	vadd.f32 v52, v35;
	v52 =	vld [tilespmem:s25+$0xCA40]  }
0x455: {  	v34 =	vadd.f32 v0, v34;
	v0 =	vld [tilespmem:s25+$0xCA50]  }
0x456: {  	v33 =	vadd.f32 v1, v33;
	v1 =	vld [tilespmem:s25+$0xCA60]  }
0x457: {  	v32 =	vadd.f32 v2, v32;
	v2 =	vld [tilespmem:s25+$0xCA70]  }
0x458: {  	v31 =	vadd.f32 v51, v31;
	v51 =	vld [tilespmem:s25+$0xCE00]  }
0x459: {  	v30 =	vadd.f32 v52, v30;
	v52 =	vld [tilespmem:s25+$0xCE10]  }
0x45a: {  	v29 =	vadd.f32 v0, v29;
	v0 =	vld [tilespmem:s25+$0xCE20]  }
0x45b: {  	v28 =	vadd.f32 v1, v28;
	v1 =	vld [tilespmem:s25+$0xCE30]  }
0x45c: {  	v27 =	vadd.f32 v2, v27;
	v2 =	vld [tilespmem:s25+$0xCE40]  }
0x45d: {  	v26 =	vadd.f32 v51, v26;
	v51 =	vld [tilespmem:s25+$0xCE50]  }
0x45e: {  	v25 =	vadd.f32 v52, v25;
	v52 =	vld [tilespmem:s25+$0xCE60]  }
0x45f: {  	v24 =	vadd.f32 v0, v24;
	v0 =	vld [tilespmem:s25+$0xCE70]  }
0x460: {  	v23 =	vadd.f32 v1, v23;
	v1 =	vld [tilespmem:s25+$0xD200]  }
0x461: {  	v22 =	vadd.f32 v2, v22;
	v2 =	vld [tilespmem:s25+$0xD210]  }
0x462: {  	v21 =	vadd.f32 v51, v21;
	v51 =	vld [tilespmem:s25+$0xD220]  }
0x463: {  	v20 =	vadd.f32 v52, v20;
	v52 =	vld [tilespmem:s25+$0xD230]  }
0x464: {  	v19 =	vadd.f32 v0, v19;
	v0 =	vld [tilespmem:s25+$0xD240]  }
0x465: {  	v18 =	vadd.f32 v1, v18;
	v1 =	vld [tilespmem:s25+$0xD250]  }
.Ltmp3:
0x466: {  	v17 =	vadd.f32 v2, v17;
	v56 =	vld [tilespmem:s25+$0xD260];
	(pc) =	sbr.rel @p0 .LBB2_8-.Ltmp3, $4  }
0x467: {  	v16 =	vadd.f32 v51, v16;
	v55 =	vld [tilespmem:s25+$0xD270]  }
0x468: {  	v15 =	vadd.f32 v52, v15;
	v53 =	vld [tilespmem:s25+$0xD600]  }
0x469: {  	v14 =	vadd.f32 v0, v14;
	v51 =	vld [tilespmem:s25+$0xD610]  }
0x46a: {  	s28 =	sshrl.u32 s26, $0x3;
	s26 =	sadd.s32 $0x1, s26;
	v13 =	vadd.f32 v1, v13;
	v52 =	vld [tilespmem:s25+$0xD620]  }
0x46b: {  	v0 =	vld [tilespmem:s25+$0xD630]  }
0x46c: {  	s26 =	smul.u32 $0x6000, s28  }
0x46d: {  	s24 =	sadd.s32 $0x80, s24  }
0x46e: {  	s24 =	sand.u32 $0x380, s24;
	s26 =	sshra.s32 s26, $0x2  }
0x46f: {  	s24 =	sor.u32 s24, s26  }
0x470: {  	[tilespmem:$0x1F380] =	vst v0;
	v0 =	vld [tilespmem:s24+$0xC610];
	_ =	sdelay $0x4  }
0x471: {  	[tilespmem:$0x1F170] =	vst v0;
	v0 =	vld [tilespmem:s24+$0xC620];
	_ =	sdelay $0x4  }
0x472: {  	[tilespmem:$0x1F180] =	vst v0;
	v0 =	vld [tilespmem:s24+$0xC630];
	_ =	sdelay $0x4  }
0x473: {  	[tilespmem:$0x1F190] =	vst v0;
	v0 =	vld [tilespmem:s24+$0xC640];
	_ =	sdelay $0x4  }
0x474: {  	[tilespmem:$0x1F1A0] =	vst v0;
	v0 =	vld [tilespmem:s24+$0xC650];
	_ =	sdelay $0x4  }
0x475: {  	[tilespmem:$0x1F1B0] =	vst v0;
	v0 =	vld [tilespmem:s24+$0xC660];
	_ =	sdelay $0x4  }
0x476: {  	[tilespmem:$0x1F1C0] =	vst v0;
	v0 =	vld [tilespmem:s24+$0xC670];
	_ =	sdelay $0x4  }
0x477: {  	[tilespmem:$0x1F1D0] =	vst v0;
	v0 =	vld [tilespmem:s24+$0xCA00];
	_ =	sdelay $0x4  }
0x478: {  	[tilespmem:$0x1F1E0] =	vst v0;
	v0 =	vld [tilespmem:s24+$0xCA10];
	_ =	sdelay $0x4  }
0x479: {  	[tilespmem:$0x1F1F0] =	vst v0;
	v0 =	vld [tilespmem:s24+$0xCA20];
	_ =	sdelay $0x4  }
0x47a: {  	[tilespmem:$0x1F200] =	vst v0;
	v0 =	vld [tilespmem:s24+$0xCA30];
	_ =	sdelay $0x4  }
0x47b: {  	[tilespmem:$0x1F210] =	vst v0;
	v0 =	vld [tilespmem:s24+$0xCA40];
	_ =	sdelay $0x4  }
0x47c: {  	[tilespmem:$0x1F220] =	vst v0;
	v0 =	vld [tilespmem:s24+$0xCA50];
	_ =	sdelay $0x4  }
0x47d: {  	[tilespmem:$0x1F230] =	vst v0;
	v0 =	vld [tilespmem:s24+$0xCA60];
	_ =	sdelay $0x4  }
0x47e: {  	[tilespmem:$0x1F240] =	vst v0;
	v0 =	vld [tilespmem:s24+$0xCA70];
	_ =	sdelay $0x4  }
0x47f: {  	[tilespmem:$0x1F250] =	vst v0;
	v0 =	vld [tilespmem:s24+$0xCE00];
	_ =	sdelay $0x4  }
0x480: {  	[tilespmem:$0x1F260] =	vst v0;
	v0 =	vld [tilespmem:s24+$0xCE10];
	_ =	sdelay $0x4  }
0x481: {  	[tilespmem:$0x1F270] =	vst v0;
	v0 =	vld [tilespmem:s24+$0xCE20];
	_ =	sdelay $0x4  }
0x482: {  	[tilespmem:$0x1F280] =	vst v0;
	v0 =	vld [tilespmem:s24+$0xCE30];
	_ =	sdelay $0x4  }
0x483: {  	[tilespmem:$0x1F290] =	vst v0;
	v0 =	vld [tilespmem:s24+$0xCE40];
	_ =	sdelay $0x4  }
0x484: {  	[tilespmem:$0x1F2A0] =	vst v0;
	v0 =	vld [tilespmem:s24+$0xCE50];
	_ =	sdelay $0x4  }
0x485: {  	[tilespmem:$0x1F2B0] =	vst v0;
	v0 =	vld [tilespmem:s24+$0xCE60];
	_ =	sdelay $0x4  }
0x486: {  	[tilespmem:$0x1F2C0] =	vst v0;
	v0 =	vld [tilespmem:s24+$0xCE70];
	_ =	sdelay $0x4  }
0x487: {  	[tilespmem:$0x1F2D0] =	vst v0;
	v0 =	vld [tilespmem:s24+$0xD200];
	_ =	sdelay $0x4  }
0x488: {  	[tilespmem:$0x1F2E0] =	vst v0;
	v0 =	vld [tilespmem:s24+$0xD210];
	_ =	sdelay $0x4  }
0x489: {  	[tilespmem:$0x1F2F0] =	vst v0;
	v0 =	vld [tilespmem:s24+$0xD220];
	_ =	sdelay $0x4  }
0x48a: {  	[tilespmem:$0x1F300] =	vst v0;
	v0 =	vld [tilespmem:s24+$0xD230];
	_ =	sdelay $0x4  }
0x48b: {  	[tilespmem:$0x1F310] =	vst v0;
	v0 =	vld [tilespmem:s24+$0xD240];
	_ =	sdelay $0x4  }
0x48c: {  	[tilespmem:$0x1F320] =	vst v0;
	v0 =	vld [tilespmem:s24+$0xD250];
	_ =	sdelay $0x4  }
0x48d: {  	[tilespmem:$0x1F330] =	vst v0;
	v0 =	vld [tilespmem:s24+$0xD260];
	_ =	sdelay $0x4  }
0x48e: {  	[tilespmem:$0x1F340] =	vst v0;
	v0 =	vld [tilespmem:s24+$0xD270];
	_ =	sdelay $0x4  }
0x48f: {  	[tilespmem:$0x1F350] =	vst v0;
	v0 =	vld [tilespmem:s24+$0xD600];
	_ =	sdelay $0x4  }
0x490: {  	[tilespmem:$0x1F360] =	vst v0;
	v0 =	vld [tilespmem:s24+$0xD610];
	_ =	sdelay $0x4  }
0x491: {  	[tilespmem:$0x1F370] =	vst v0;
	v0 =	vld [tilespmem:s24+$0xD620];
	_ =	sdelay $0x4  }
0x492: {  	[tilespmem:$0x1F390] =	vst v0;
	v0 =	vld [tilespmem:s24+$0xD630];
	_ =	sdelay $0x4  }
0x493: {  	[tilespmem:$0x1F3B0] =	vst v0;
	v0 =	vld [tilespmem:s24+$0xD640];
	_ =	sdelay $0x1  }
0x494: {  	v60 =	vld [tilespmem:s25+$0xD640]  }
0x495: {  	v61 =	vld [tilespmem:s25+$0xD650]  }
0x496: {  	v62 =	vld [tilespmem:s25+$0xD660]  }
0x497: {  	[tilespmem:$0x1F3D0] =	vst v0;
	v0 =	vld [tilespmem:s24+$0xD650]  }
0x498: {  	v63 =	vld [tilespmem:s24+$0xD670]  }
0x499: {  	v2 =	vld [tilespmem:s24+$0xC210]  }
0x49a: {  	v54 =	vld [tilespmem:s24+$0xC220]  }
0x49b: {  	v57 =	vld [tilespmem:s24+$0xC230]  }
0x49c: {  	[tilespmem:$0x1F3F0] =	vst v0;
	v0 =	vld [tilespmem:s24+$0xD660]  }
0x49d: {  	v58 =	vld [tilespmem:s24+$0xC240];
	[tilespmem:$0x1F3A0] =	vst v60  }
0x49e: {  	v59 =	vld [tilespmem:s24+$0xC250];
	[tilespmem:$0x1F3C0] =	vst v61  }
0x49f: {  	[tilespmem:$0x1F3E0] =	vst v62;
	v60 =	vld [tilespmem:s24+$0xC260]  }
0x4a0: {  	v61 =	vld [tilespmem:s24+$0xC270];
	[tilespmem:$0x1F410] =	vst v63  }
0x4a1: {  	v62 =	vld [tilespmem:s24+$0xC600];
	[tilespmem:$0x1F400] =	vst v0  }
0x4a2: {  	v63 =	vld [tilespmem:s24+$0xC200];
	_ =	swait.ge [sflag:s21], $0x300  }
0x4a3: {  	[sflag:s21] =	ssyncset.done $0x0  }
0x4a4: {  	[sflag:s21] =	ssyncadd.s32 $0xFFFFFD00  }
0x4a5: {  	v0 =	vld [tilespmem:$0x18200];
	_ =	sdelay $0x1  }
0x4a6: {  	v1 =	vld [tilespmem:$0x18210]  }
0x4a7: {  	v50 =	vadd.f32 v63, v50  }
0x4a8: {  	v63 =	vld [tilespmem:$0x18220]  }
0x4a9: {  	v2 =	vadd.f32 v2, v49;
	v0 =	vmul.f32 v0, v50  }
0x4aa: {  	v8 =	vadd.f32 v52, v8;
	v49 =	vld [tilespmem:$0x18230]  }
0x4ab: {  	v48 =	vadd.f32 v54, v48;
	v52 =	vld [tilespmem:$0x1F3D0];
	v1 =	vmul.f32 v1, v2;
	v0 =	vadd.f32 $0.0e+00, v0  }
0x4ac: {  	v12 =	vadd.f32 v56, v12;
	v54 =	vld [tilespmem:$0x18240]  }
0x4ad: {  	v47 =	vadd.f32 v57, v47;
	v56 =	vld [tilespmem:$0x1F3F0];
	v57 =	vmul.f32 v63, v48;
	v0 =	vadd.f32 v1, v0  }
0x4ae: {  	v46 =	vadd.f32 v58, v46;
	v63 =	vld [tilespmem:$0x18250]  }
0x4af: {  	v45 =	vadd.f32 v59, v45;
	v59 =	vld [tilespmem:$0x18280];
	v49 =	vmul.f32 v49, v47;
	v0 =	vadd.f32 v57, v0  }
0x4b0: {  	v50 =	vld [tilespmem:$0x18260]  }
0x4b1: {  	v43 =	vadd.f32 v61, v43;
	v61 =	vld [tilespmem:$0x18290];
	v54 =	vmul.f32 v54, v46;
	v0 =	vadd.f32 v49, v0  }
0x4b2: {  	v57 =	vld [tilespmem:$0x18270]  }
0x4b3: {  	v44 =	vadd.f32 v60, v44;
	v46 =	vld [tilespmem:$0x1F170];
	v58 =	vmul.f32 v63, v45;
	v0 =	vadd.f32 v54, v0  }
0x4b4: {  	v42 =	vadd.f32 v62, v42;
	v48 =	vld [tilespmem:$0x182B0]  }
0x4b5: {  	v60 =	vmul.f32 v50, v44;
	v49 =	vld [tilespmem:$0x1F180];
	v0 =	vadd.f32 v58, v0  }
0x4b6: {  	v47 =	vmul.f32 v59, v42;
	v59 =	vld [tilespmem:$0x182D0]  }
0x4b7: {  	v63 =	vld [tilespmem:$0x182A0];
	v62 =	vmul.f32 v57, v43;
	v0 =	vadd.f32 v60, v0  }
0x4b8: {  	v57 =	vld [tilespmem:$0x1F190]  }
0x4b9: {  	v41 =	vadd.f32 v46, v41;
	v46 =	vld [tilespmem:$0x1F1C0];
	v0 =	vadd.f32 v62, v0  }
0x4ba: {  	v40 =	vadd.f32 v49, v40;
	v60 =	vld [tilespmem:$0x1F1A0]  }
0x4bb: {  	v50 =	vmul.f32 v61, v41;
	v54 =	vld [tilespmem:$0x182C0];
	v0 =	vadd.f32 v47, v0  }
0x4bc: {  	v58 =	vmul.f32 v63, v40;
	v63 =	vld [tilespmem:$0x1F1B0]  }
0x4bd: {  	v45 =	vld [tilespmem:$0x182F0];
	v39 =	vadd.f32 v57, v39;
	v0 =	vadd.f32 v50, v0  }
0x4be: {  	v41 =	vld [tilespmem:$0x1F220]  }
0x4bf: {  	v49 =	vld [tilespmem:$0x1F1D0];
	v61 =	vmul.f32 v48, v39;
	v38 =	vadd.f32 v60, v38;
	v0 =	vadd.f32 v58, v0  }
0x4c0: {  	v36 =	vadd.f32 v46, v36;
	v62 =	vld [tilespmem:$0x182E0]  }
0x4c1: {  	v46 =	vld [tilespmem:$0x18370];
	v37 =	vadd.f32 v63, v37;
	v44 =	vmul.f32 v54, v38;
	v0 =	vadd.f32 v61, v0  }
0x4c2: {  	v57 =	vld [tilespmem:$0x1F1E0]  }
0x4c3: {  	v48 =	vld [tilespmem:$0x18300];
	v47 =	vmul.f32 v59, v37;
	v0 =	vadd.f32 v44, v0  }
0x4c4: {  	v60 =	vld [tilespmem:$0x1F1F0]  }
0x4c5: {  	v35 =	vadd.f32 v49, v35;
	v63 =	vld [tilespmem:$0x1F200];
	v50 =	vmul.f32 v62, v36;
	v0 =	vadd.f32 v47, v0  }
0x4c6: {  	v54 =	vld [tilespmem:$0x18310]  }
0x4c7: {  	v34 =	vadd.f32 v57, v34;
	v38 =	vld [tilespmem:$0x1F210];
	v58 =	vmul.f32 v45, v35;
	v0 =	vadd.f32 v50, v0  }
0x4c8: {  	v59 =	vld [tilespmem:$0x18320]  }
0x4c9: {  	v43 =	vld [tilespmem:$0x18360];
	v33 =	vadd.f32 v60, v33;
	v61 =	vmul.f32 v48, v34;
	v0 =	vadd.f32 v58, v0  }
0x4ca: {  	v62 =	vld [tilespmem:$0x18330]  }
0x4cb: {  	v37 =	vld [tilespmem:$0x18340];
	v32 =	vadd.f32 v63, v32;
	v36 =	vmul.f32 v54, v33;
	v0 =	vadd.f32 v61, v0  }
0x4cc: {  	v44 =	vld [tilespmem:$0x1F230]  }
0x4cd: {  	v40 =	vld [tilespmem:$0x18350];
	v31 =	vadd.f32 v38, v31;
	v39 =	vmul.f32 v59, v32;
	v0 =	vadd.f32 v36, v0  }
0x4ce: {  	v47 =	vld [tilespmem:$0x1F240]  }
0x4cf: {  	v30 =	vadd.f32 v41, v30;
	v41 =	vld [tilespmem:$0x1F2B0];
	v42 =	vmul.f32 v62, v31;
	v0 =	vadd.f32 v39, v0  }
0x4d0: {  	v50 =	vld [tilespmem:$0x1F250]  }
0x4d1: {  	v49 =	vld [tilespmem:$0x18380];
	v45 =	vmul.f32 v37, v30;
	v29 =	vadd.f32 v44, v29;
	v0 =	vadd.f32 v42, v0  }
0x4d2: {  	v58 =	vld [tilespmem:$0x1F260]  }
0x4d3: {  	v57 =	vld [tilespmem:$0x18390];
	v28 =	vadd.f32 v47, v28;
	v48 =	vmul.f32 v40, v29;
	v0 =	vadd.f32 v45, v0  }
0x4d4: {  	v61 =	vld [tilespmem:$0x1F270]  }
0x4d5: {  	v35 =	vld [tilespmem:$0x1F290];
	v27 =	vadd.f32 v50, v27;
	v54 =	vmul.f32 v43, v28;
	v0 =	vadd.f32 v48, v0  }
0x4d6: {  	v32 =	vld [tilespmem:$0x1F280]  }
0x4d7: {  	v60 =	vld [tilespmem:$0x183A0];
	v26 =	vadd.f32 v58, v26;
	v59 =	vmul.f32 v46, v27;
	v0 =	vadd.f32 v54, v0  }
0x4d8: {  	v34 =	vld [tilespmem:$0x183C0]  }
0x4d9: {  	v63 =	vld [tilespmem:$0x183B0];
	v25 =	vadd.f32 v61, v25;
	v62 =	vmul.f32 v49, v26;
	v0 =	vadd.f32 v59, v0  }
0x4da: {  	v38 =	vld [tilespmem:$0x1F2A0]  }
0x4db: {  	v37 =	vld [tilespmem:$0x183D0];
	v24 =	vadd.f32 v32, v24;
	v33 =	vmul.f32 v57, v25;
	v0 =	vadd.f32 v62, v0  }
0x4dc: {  	v30 =	vld [tilespmem:$0x1F340]  }
0x4dd: {  	v23 =	vadd.f32 v35, v23;
	v44 =	vld [tilespmem:$0x1F2C0];
	v36 =	vmul.f32 v60, v24;
	v0 =	vadd.f32 v33, v0  }
0x4de: {  	v40 =	vld [tilespmem:$0x183E0]  }
0x4df: {  	v22 =	vadd.f32 v38, v22;
	v47 =	vld [tilespmem:$0x1F2D0];
	v39 =	vmul.f32 v63, v23;
	v0 =	vadd.f32 v36, v0  }
0x4e0: {  	v29 =	vld [tilespmem:$0x18470]  }
0x4e1: {  	v21 =	vadd.f32 v41, v21;
	v43 =	vld [tilespmem:$0x183F0];
	v42 =	vmul.f32 v34, v22;
	v0 =	vadd.f32 v39, v0  }
0x4e2: {  	v50 =	vld [tilespmem:$0x1F2E0]  }
0x4e3: {  	v20 =	vadd.f32 v44, v20;
	v46 =	vld [tilespmem:$0x18400];
	v45 =	vmul.f32 v37, v21;
	v0 =	vadd.f32 v42, v0  }
0x4e4: {  	v58 =	vld [tilespmem:$0x1F2F0]  }
0x4e5: {  	v19 =	vadd.f32 v47, v19;
	v49 =	vld [tilespmem:$0x18410];
	v48 =	vmul.f32 v40, v20;
	v0 =	vadd.f32 v45, v0  }
0x4e6: {  	v61 =	vld [tilespmem:$0x1F300]  }
0x4e7: {  	v18 =	vadd.f32 v50, v18;
	v57 =	vld [tilespmem:$0x18420];
	v54 =	vmul.f32 v43, v19;
	v0 =	vadd.f32 v48, v0  }
0x4e8: {  	v21 =	vld [tilespmem:$0x1F310]  }
0x4e9: {  	v60 =	vld [tilespmem:$0x18430];
	v17 =	vadd.f32 v58, v17;
	v59 =	vmul.f32 v46, v18;
	v0 =	vadd.f32 v54, v0  }
0x4ea: {  	v24 =	vld [tilespmem:$0x1F320]  }
0x4eb: {  	v27 =	vld [tilespmem:$0x1F330];
	v16 =	vadd.f32 v61, v16;
	v62 =	vmul.f32 v49, v17;
	v0 =	vadd.f32 v59, v0  }
0x4ec: {  	v63 =	vld [tilespmem:$0x18440]  }
0x4ed: {  	v44 =	vld [tilespmem:$0x1F390];
	v22 =	vmul.f32 v57, v16;
	v15 =	vadd.f32 v21, v15;
	v0 =	vadd.f32 v62, v0  }
0x4ee: {  	v23 =	vld [tilespmem:$0x18450]  }
0x4ef: {  	v26 =	vld [tilespmem:$0x18460];
	v14 =	vadd.f32 v24, v14;
	v25 =	vmul.f32 v60, v15;
	v0 =	vadd.f32 v22, v0  }
0x4f0: {  	v34 =	vld [tilespmem:$0x1F350]  }
0x4f1: {  	v13 =	vadd.f32 v27, v13;
	v37 =	vld [tilespmem:$0x1F360];
	v28 =	vmul.f32 v63, v14;
	v0 =	vadd.f32 v25, v0  }
0x4f2: {  	v11 =	vadd.f32 v55, v11;
	v40 =	vld [tilespmem:$0x1F370]  }
0x4f3: {  	v12 =	vadd.f32 v30, v12;
	v31 =	vmul.f32 v23, v13;
	v46 =	vld [tilespmem:$0x1F3A0];
	v0 =	vadd.f32 v28, v0  }
0x4f4: {  	v32 =	vadd.f32 v53, v10;
	v33 =	vld [tilespmem:$0x18480]  }
0x4f5: {  	v35 =	vmul.f32 v26, v12;
	v11 =	vadd.f32 v34, v11;
	v36 =	vld [tilespmem:$0x18490];
	v0 =	vadd.f32 v31, v0  }
0x4f6: {  	v9 =	vadd.f32 v51, v9;
	v42 =	vld [tilespmem:$0x1F380]  }
0x4f7: {  	v2 =	vadd.f32 v37, v32;
	v38 =	vmul.f32 v29, v11;
	v39 =	vld [tilespmem:$0x184A0];
	v0 =	vadd.f32 v35, v0  }
0x4f8: {  	v48 =	vld [tilespmem:$0x1F3B0]  }
0x4f9: {  	v50 =	vld [tilespmem:$0x1F3C0];
	v9 =	vadd.f32 v40, v9;
	v41 =	vmul.f32 v33, v2;
	v0 =	vadd.f32 v38, v0  }
0x4fa: {  	v8 =	vadd.f32 v44, v8;
	v43 =	vld [tilespmem:$0x184B0]  }
0x4fb: {  	v47 =	vld [tilespmem:$0x184C0];
	v45 =	vmul.f32 v36, v9;
	v2 =	vadd.f32 v42, v7;
	v0 =	vadd.f32 v41, v0  }
0x4fc: {  	v6 =	vadd.f32 v46, v6;
	v54 =	vld [tilespmem:$0x1F3E0]  }
0x4fd: {  	v51 =	vld [tilespmem:$0x184D0];
	v49 =	vmul.f32 v39, v8;
	v2 =	vadd.f32 v48, v2;
	v0 =	vadd.f32 v45, v0  }
0x4fe: {  	v5 =	vadd.f32 v50, v5;
	v59 =	vld [tilespmem:$0x1F400]  }
0x4ff: {  	v55 =	vld [tilespmem:$0x184E0];
	v6 =	vadd.f32 v52, v6;
	v53 =	vmul.f32 v43, v2;
	v0 =	vadd.f32 v49, v0  }
0x500: {  	v61 =	vld [tilespmem:$0x1F410];
	v5 =	vadd.f32 v56, v5  }
0x501: {  	v57 =	vmul.f32 v47, v6;
	v2 =	vadd.f32 v54, v4;
	v0 =	vadd.f32 v53, v0  }
0x502: {  	v58 =	vld [tilespmem:$0x184F0]  }
0x503: {  	v60 =	vmul.f32 v51, v5;
	v2 =	vadd.f32 v59, v2;
	v0 =	vadd.f32 v57, v0;
	_ =	sdelay $0x1  }
0x504: {  	v3 =	vadd.f32 v61, v3;
	v62 =	vmul.f32 v55, v2;
	v0 =	vadd.f32 v60, v0;
	_ =	sdelay $0x1  }
0x505: {  	v63 =	vmul.f32 v58, v3;
	v0 =	vadd.f32 v62, v0;
	_ =	sdelay $0x1  }
0x506: {  	v0 =	vadd.f32 v63, v0;
	_ =	sdelay $0x1  }
0x507: {  	s28 =	simm.s32 $0x18500;
	s26 =	rddreg [dreg:$0x8];
	[tilespmem:$0x18500] =	vst v0  }
0x508: {  	[hbm4b:s26+s4] =	stream.linear.scatter [tilespmem:s28], [sflag:$0x5], $0x10, $0x38;
	[tilespmem:$0x18580] =	vst v63  }
0x509: {  	_ =	swait.ge [sflag:s22], $0x10  }
0x50a: {  	s23 =	sadd.s32 $0x1, s23;
	s29 =	rddreg [dreg:$0x9]  }
0x50b: {  	p0 =	sne.s32 s23, s29  }
.Ltmp4:
0x50c: {  	_ = 	snop;
	(pc) =	sbr.rel @p0 .LBB2_1-.Ltmp4, $3  }
0x50d: {  	_ =	sdelay $0x1  }
0x50e: {  	[sflag:s22] =	ssyncset.done $0x0  }
0x50f: {  	[sflag:s22] =	ssyncadd.s32 $0xFFFFFFF0  }
0x510: {  	_ =	sfence.sel $0x180000  }
0x511: {  	[bflag:$0x0] =	sbarrier.arrive $0xFFFF  }
0x512: {  	_ =	strace $0x90000047  }
0x513: {  	s0 =	stileid.u32;
	[bflag:$0x2] =	sbarrier.arrive $0xFFFF  }
0x514: {  	p0 =	sne.s32 s0, $0x0;
	s0 =	rddreg [dreg:$0x3]  }
0x515: {  	s0 =	sadd.s32 @!p0 $0x100000, s0  }
0x516: {  	[sflag:s0] =	ssyncadd.tile.s32 @!p0 $0x1;
	_ =	shalt  }
.Lfunc_end2:
_tile_overlayer_lowered:
.L_overlay_start_2:
0x517: {  	(tag) =	ssettag $0x2  }
0x518: {  	s0 =	rddreg [dreg:$0x0];
	s2 =	stileid.u32  }
0x519: {  	s1 =	rddreg [dreg:$0x1];
	p0 =	sne.s32 s2, $0x0  }
0x51a: {  	s3 =	rddreg [dreg:$0x2];
	[bflag:$0x3] =	sbarrier.arrive $0xFFFF;
	s2 =	simm.s32 @!p0 $0x1C05  }
0x51b: {  	[timem:s3], [sflag:s2] =	dma.local @!p0 [hbm:s0], s1  }
0x51c: {  	s0 =	simm.s32 @!p0 $0x5  }
0x51d: {  	_ =	swait.ge @!p0 [sflag:s0], s1  }
0x51e: {  	s1 =	ssub.s32 @!p0 $0x0, s1;
	[sflag:s0] =	ssyncset.done @!p0 $0x0  }
0x51f: {  	[sflag:s0] =	ssyncadd.s32 @!p0 s1  }
0x520: {  	[bflag:$0x3] =	sbarrier.arrive $0xFFFF  }
0x521: {  	_ =	shalt  }

</sc_bundles>
